<compile_context>
chip_gen: v7x
topology: tpu7x:2x2x1
jax: 0.10.2.dev20260603
libtpu: 0.0.44.dev20260713+nightly
codegen_flags: <defaults>
</compile_context>

<pallas_src>
import functools

import jax
import jax.numpy as jnp
from jax import lax
from jax.experimental import pallas as pl
from jax.experimental.pallas import tpu as pltpu
from jax.experimental.pallas import tpu_sc as plsc

NUM_USERS = 1000000
NUM_ITEMS = 1000000
EMB_DIM = 64
BATCH = 16384

_NC = 2
_NS = 16
_L = 16
_NW = _NC * _NS
_BPW = BATCH // _NW
_NSEM = 8


def _rsqrt16(s):
    s = jnp.maximum(s, jnp.float32(1e-24))
    i = lax.bitcast_convert_type(s, jnp.int32)
    i = jnp.int32(0x5F3759DF) - lax.shift_right_logical(i, 1)
    y = lax.bitcast_convert_type(i, jnp.float32)
    for _ in range(2):
        y = y * (jnp.float32(1.5) - jnp.float32(0.5) * s * y * y)
    return y


def _shuffle_xor(x, lanes, k):
    idx = lax.bitwise_xor(lanes, jnp.int32(k))
    return lax.gather(
        x, idx[:, None],
        dimension_numbers=lax.GatherDimensionNumbers(
            offset_dims=(), collapsed_slice_dims=(0,), start_index_map=(0,)),
        slice_sizes=(1,),
        mode=lax.GatherScatterMode.PROMISE_IN_BOUNDS)


@functools.cache
def _make_sc_kernel():
    mesh = plsc.VectorSubcoreMesh(core_axis_name="c", subcore_axis_name="s")
    _QS = EMB_DIM // _L

    @functools.partial(
        pl.kernel,
        mesh=mesh,
        out_type=jax.ShapeDtypeStruct((2, BATCH, EMB_DIM), jnp.float32),
        scratch_types=[
            pltpu.VMEM((_BPW,), jnp.int32),
            pltpu.VMEM((_BPW,), jnp.int32),
            pltpu.VMEM((_BPW, EMB_DIM), jnp.float32),
        ] + [pltpu.SemaphoreType.DMA] * _NSEM,
    )
    def two_tower(user_idx, item_idx, user_table, item_table, out,
                  uidx_v, iidx_v, rows_v, *sems):
        wid = lax.axis_index("s") * _NC + lax.axis_index("c")
        base = wid * _BPW
        lanes = lax.iota(jnp.int32, _L)

        pltpu.sync_copy(user_idx.at[pl.ds(base, _BPW)], uidx_v)
        pltpu.sync_copy(item_idx.at[pl.ds(base, _BPW)], iidx_v)

        def normalize_rows():
            def row_body(rr, _):
                for u in range(4):
                    r = rr * 4 + u
                    vs = [rows_v[r, pl.ds(q * _L, _L)] for q in range(_QS)]
                    acc = vs[0] * vs[0]
                    for q in range(1, _QS):
                        acc = acc + vs[q] * vs[q]
                    for k in (1, 2, 4, 8):
                        acc = acc + _shuffle_xor(acc, lanes, k)
                    inv = _rsqrt16(acc)
                    for q in range(_QS):
                        rows_v[r, pl.ds(q * _L, _L)] = vs[q] * inv
                return _
            lax.fori_loop(0, _BPW // 4, row_body, None)

        for tower, tab, idx_v in ((0, user_table, uidx_v),
                                  (1, item_table, iidx_v)):
            def issue(g, _, tab=tab, idx_v=idx_v):
                iv = idx_v[pl.ds(g * _L, _L)]
                for k in range(_L):
                    pltpu.async_copy(
                        tab.at[iv[k]], rows_v.at[g * _L + k],
                        sems[k % _NSEM])
                return _

            lax.fori_loop(0, _BPW // _L, issue, None)
            for s in range(_NSEM):
                pltpu.make_async_copy(
                    tab.at[pl.ds(0, _BPW // _NSEM)],
                    rows_v.at[pl.ds(0, _BPW // _NSEM)], sems[s]).wait()
            normalize_rows()
            pltpu.sync_copy(rows_v, out.at[tower, pl.ds(base, _BPW)])

    return two_tower


def kernel(user_idx, item_idx, user_table, item_table):
    return _make_sc_kernel()(user_idx, item_idx, user_table, item_table)

# --- scband reference (transcript-rebuilt; emitter-appended) ---
"""Pipeline reference for scband-two-tower-model-67499706024683 (READ-ONLY COPY).

The authoritative reference and input builder live on the scoring server;
editing this copy changes nothing except your own understanding.
"""

import jax, jax.numpy as jnp
import numpy as np

NUM_USERS = 1000000
NUM_ITEMS = 1000000
EMB_DIM = 64
BATCH = 16384


def _l2_normalize(x, eps=1e-12):
    # Faithful to torch F.normalize(p=2, dim=-1): x / max(||x||_2, eps)
    n = jnp.linalg.norm(x, ord=2, axis=-1, keepdims=True)
    return x / jnp.maximum(n, eps)


def setup_inputs(seed: int = 0) -> dict:
    key = jax.random.key(seed)
    k1, k2, k3, k4 = jax.random.split(key, 4)
    user_idx = jax.random.randint(k1, (BATCH,), 0, NUM_USERS, dtype=jnp.int64 if jax.config.read('jax_enable_x64') else jnp.int32)
    item_idx = jax.random.randint(k2, (BATCH,), 0, NUM_ITEMS, dtype=jnp.int64 if jax.config.read('jax_enable_x64') else jnp.int32)
    # Learned embedding tables, init per nn.init.normal_(std=0.01)
    user_table = jax.random.normal(k3, (NUM_USERS, EMB_DIM), dtype=jnp.float32) * 0.01
    item_table = jax.random.normal(k4, (NUM_ITEMS, EMB_DIM), dtype=jnp.float32) * 0.01
    return {"user_idx": user_idx, "item_idx": item_idx, "user_table": user_table, "item_table": item_table}


def reference(user_idx, item_idx, user_table, item_table):
    # forward_user: embedding gather + L2 normalize
    u = _l2_normalize(jnp.take(user_table, user_idx, axis=0))
    # forward_item: embedding gather + L2 normalize
    v = _l2_normalize(jnp.take(item_table, item_idx, axis=0))
    # Stack the two tower outputs into one array [2, B, D]
    return jnp.stack([u, v], axis=0)

if __name__ == "__main__":
    import jax
    _d = setup_inputs()
    print(jax.jit(kernel)(*tuple(_d.values())))

</pallas_src>

<mosaic_0001>
#map = affine_map<(d0, d1) -> (0)>
#map1 = affine_map<(d0, d1) -> (0, 0)>
#map2 = affine_map<(d0, d1) -> (0, 0, 0)>
module attributes {stable_mosaic.version = 14 : i64} {
  func.func @two_tower(%arg0: i32, %arg1: i32, %arg2: memref<16384xi32, #tpu.memory_space<hbm>>, %arg3: memref<16384xi32, #tpu.memory_space<hbm>>, %arg4: memref<1000000x64xf32, #tpu.memory_space<hbm>>, %arg5: memref<1000000x64xf32, #tpu.memory_space<hbm>>, %arg6: memref<2x16384x64xf32, #tpu.memory_space<hbm>>, %arg7: memref<512xi32, #tpu.memory_space<vmem>>, %arg8: memref<512xi32, #tpu.memory_space<vmem>>, %arg9: memref<512x64xf32, #tpu.memory_space<vmem>>, %arg10: memref<!tpu.dma_semaphore, #tpu.memory_space<semaphore_mem>>, %arg11: memref<!tpu.dma_semaphore, #tpu.memory_space<semaphore_mem>>, %arg12: memref<!tpu.dma_semaphore, #tpu.memory_space<semaphore_mem>>, %arg13: memref<!tpu.dma_semaphore, #tpu.memory_space<semaphore_mem>>, %arg14: memref<!tpu.dma_semaphore, #tpu.memory_space<semaphore_mem>>, %arg15: memref<!tpu.dma_semaphore, #tpu.memory_space<semaphore_mem>>, %arg16: memref<!tpu.dma_semaphore, #tpu.memory_space<semaphore_mem>>, %arg17: memref<!tpu.dma_semaphore, #tpu.memory_space<semaphore_mem>>) attributes {dimension_semantics = [#tpu.dimension_semantics<core_parallel>, #tpu.dimension_semantics<subcore_parallel>], iteration_bounds = array<i64: 2, 16>, scalar_prefetch = 0 : i64, scratch_operands = 11 : i64, tpu.core_type = #tpu.core_type<sc_vector_subcore>, window_params = [{transform_indices = #map}, {transform_indices = #map}, {transform_indices = #map1}, {transform_indices = #map1}, {transform_indices = #map2}]} {
    %mul3A = arith.constant 2 : i32
    %mul3A_0 = arith.muli %arg1, %mul3A : i32
    %add3A = arith.addi %mul3A_0, %arg0 : i32
    %mul3A_1 = arith.constant 512 : i32
    %mul3A_2 = arith.muli %add3A, %mul3A_1 : i32
    %iota3A = tpu.iota {dimensions = array<i32: 0>} : vector<16xi32>
    "tpu.region"() ({
      %run_scoped3A_214 = tpu.sem_alloc : memref<!tpu.dma_semaphore, #tpu.memory_space<semaphore_mem>>
      %dma_start3A = tpu.memref_slice %arg2[%mul3A_2] : memref<16384xi32, #tpu.memory_space<hbm>> -> memref<512xi32, #tpu.memory_space<hbm>>
      %dma_start3A_215 = tpu.memref_slice %arg2[%mul3A_2] : memref<16384xi32, #tpu.memory_space<hbm>> -> memref<512xi32, #tpu.memory_space<hbm>>
      tpu.enqueue_dma source(%dma_start3A_215 : memref<512xi32, #tpu.memory_space<hbm>>) target(%arg7 : memref<512xi32, #tpu.memory_space<vmem>>) target_semaphore(%run_scoped3A_214 : memref<!tpu.dma_semaphore, #tpu.memory_space<semaphore_mem>>)
      %dma_wait3A_216 = tpu.memref_slice %arg2[%mul3A_2] : memref<16384xi32, #tpu.memory_space<hbm>> -> memref<512xi32, #tpu.memory_space<hbm>>
      %dma_wait3A_217 = tpu.memref_slice %arg2[%mul3A_2] : memref<16384xi32, #tpu.memory_space<hbm>> -> memref<512xi32, #tpu.memory_space<hbm>>
      tpu.wait_dma2 semaphore(%run_scoped3A_214 : memref<!tpu.dma_semaphore, #tpu.memory_space<semaphore_mem>>) src(%dma_wait3A_217 : memref<512xi32, #tpu.memory_space<hbm>>) dst(%arg7 : memref<512xi32, #tpu.memory_space<vmem>>)
      tpu.yield
    }) : () -> ()
    "tpu.region"() ({
      %run_scoped3A_214 = tpu.sem_alloc : memref<!tpu.dma_semaphore, #tpu.memory_space<semaphore_mem>>
      %dma_start3A = tpu.memref_slice %arg3[%mul3A_2] : memref<16384xi32, #tpu.memory_space<hbm>> -> memref<512xi32, #tpu.memory_space<hbm>>
      %dma_start3A_215 = tpu.memref_slice %arg3[%mul3A_2] : memref<16384xi32, #tpu.memory_space<hbm>> -> memref<512xi32, #tpu.memory_space<hbm>>
      tpu.enqueue_dma source(%dma_start3A_215 : memref<512xi32, #tpu.memory_space<hbm>>) target(%arg8 : memref<512xi32, #tpu.memory_space<vmem>>) target_semaphore(%run_scoped3A_214 : memref<!tpu.dma_semaphore, #tpu.memory_space<semaphore_mem>>)
      %dma_wait3A_216 = tpu.memref_slice %arg3[%mul3A_2] : memref<16384xi32, #tpu.memory_space<hbm>> -> memref<512xi32, #tpu.memory_space<hbm>>
      %dma_wait3A_217 = tpu.memref_slice %arg3[%mul3A_2] : memref<16384xi32, #tpu.memory_space<hbm>> -> memref<512xi32, #tpu.memory_space<hbm>>
      tpu.wait_dma2 semaphore(%run_scoped3A_214 : memref<!tpu.dma_semaphore, #tpu.memory_space<semaphore_mem>>) src(%dma_wait3A_217 : memref<512xi32, #tpu.memory_space<hbm>>) dst(%arg8 : memref<512xi32, #tpu.memory_space<vmem>>)
      tpu.yield
    }) : () -> ()
    %scan3A = arith.constant 0 : i32
    %scan3A_3 = arith.constant 32 : i32
    %scan3A_4 = arith.addi %scan3A, %scan3A_3 : i32
    %scan3A_5 = arith.constant 1 : i32
    scf.for %scan3A_214 = %scan3A to %scan3A_4 step %scan3A_5  : i32 {
      %mul3A_215 = arith.constant 16 : i32
      %mul3A_216 = arith.muli %scan3A_214, %mul3A_215 : i32
      %get3A = arith.index_cast %mul3A_216 : i32 to index
      %get3A_217 = tpu.vector_load %arg7[%get3A] {strides = array<i32>} : memref<512xi32, #tpu.memory_space<vmem>>, vector<16xi32>,
      %get3A_218 = vector.shape_cast %get3A_217 : vector<16xi32> to vector<16xi32>
      %slice3A = vector.extract_strided_slice %get3A_218 {offsets = [0], sizes = [1], strides = [1]} : vector<16xi32> to vector<1xi32>
      %squeeze3A = vector.extract %slice3A[0] : i32 from vector<1xi32>
      %mul3A_219 = arith.constant 16 : i32
      %mul3A_220 = arith.muli %scan3A_214, %mul3A_219 : i32
      %add3A_221 = arith.constant 0 : i32
      %add3A_222 = arith.addi %mul3A_220, %add3A_221 : i32
      %dma_start3A = arith.constant 0 : i32
      %dma_start3A_223 = tpu.memref_slice %arg9[%add3A_222, %dma_start3A] : memref<512x64xf32, #tpu.memory_space<vmem>> -> memref<1x64xf32, #tpu.memory_space<vmem>>
      %dma_start3A_224 = tpu.memref_squeeze %dma_start3A_223 : memref<1x64xf32, #tpu.memory_space<vmem>> -> memref<64xf32, #tpu.memory_space<vmem>>
      %dma_start3A_225 = arith.constant 0 : i32
      %dma_start3A_226 = tpu.memref_slice %arg4[%squeeze3A, %dma_start3A_225] : memref<1000000x64xf32, #tpu.memory_space<hbm>> -> memref<1x64xf32, #tpu.memory_space<hbm>>
      %dma_start3A_227 = tpu.memref_squeeze %dma_start3A_226 : memref<1x64xf32, #tpu.memory_space<hbm>> -> memref<64xf32, #tpu.memory_space<hbm>>
      %dma_start3A_228 = arith.constant 0 : i32
      %dma_start3A_229 = tpu.memref_slice %arg9[%add3A_222, %dma_start3A_228] : memref<512x64xf32, #tpu.memory_space<vmem>> -> memref<1x64xf32, #tpu.memory_space<vmem>>
      %dma_start3A_230 = tpu.memref_squeeze %dma_start3A_229 : memref<1x64xf32, #tpu.memory_space<vmem>> -> memref<64xf32, #tpu.memory_space<vmem>>
      %dma_start3A_231 = arith.constant 0 : i32
      %dma_start3A_232 = tpu.memref_slice %arg4[%squeeze3A, %dma_start3A_231] : memref<1000000x64xf32, #tpu.memory_space<hbm>> -> memref<1x64xf32, #tpu.memory_space<hbm>>
      %dma_start3A_233 = tpu.memref_squeeze %dma_start3A_232 : memref<1x64xf32, #tpu.memory_space<hbm>> -> memref<64xf32, #tpu.memory_space<hbm>>
      tpu.enqueue_dma source(%dma_start3A_233 : memref<64xf32, #tpu.memory_space<hbm>>) target(%dma_start3A_230 : memref<64xf32, #tpu.memory_space<vmem>>) target_semaphore(%arg10 : memref<!tpu.dma_semaphore, #tpu.memory_space<semaphore_mem>>)
      %slice3A_234 = vector.extract_strided_slice %get3A_218 {offsets = [1], sizes = [1], strides = [1]} : vector<16xi32> to vector<1xi32>
      %squeeze3A_235 = vector.extract %slice3A_234[0] : i32 from vector<1xi32>
      %mul3A_236 = arith.constant 16 : i32
      %mul3A_237 = arith.muli %scan3A_214, %mul3A_236 : i32
      %add3A_238 = arith.constant 1 : i32
      %add3A_239 = arith.addi %mul3A_237, %add3A_238 : i32
      %dma_start3A_240 = arith.constant 0 : i32
      %dma_start3A_241 = tpu.memref_slice %arg9[%add3A_239, %dma_start3A_240] : memref<512x64xf32, #tpu.memory_space<vmem>> -> memref<1x64xf32, #tpu.memory_space<vmem>>
      %dma_start3A_242 = tpu.memref_squeeze %dma_start3A_241 : memref<1x64xf32, #tpu.memory_space<vmem>> -> memref<64xf32, #tpu.memory_space<vmem>>
      %dma_start3A_243 = arith.constant 0 : i32
      %dma_start3A_244 = tpu.memref_slice %arg4[%squeeze3A_235, %dma_start3A_243] : memref<1000000x64xf32, #tpu.memory_space<hbm>> -> memref<1x64xf32, #tpu.memory_space<hbm>>
      %dma_start3A_245 = tpu.memref_squeeze %dma_start3A_244 : memref<1x64xf32, #tpu.memory_space<hbm>> -> memref<64xf32, #tpu.memory_space<hbm>>
      %dma_start3A_246 = arith.constant 0 : i32
      %dma_start3A_247 = tpu.memref_slice %arg9[%add3A_239, %dma_start3A_246] : memref<512x64xf32, #tpu.memory_space<vmem>> -> memref<1x64xf32, #tpu.memory_space<vmem>>
      %dma_start3A_248 = tpu.memref_squeeze %dma_start3A_247 : memref<1x64xf32, #tpu.memory_space<vmem>> -> memref<64xf32, #tpu.memory_space<vmem>>
      %dma_start3A_249 = arith.constant 0 : i32
      %dma_start3A_250 = tpu.memref_slice %arg4[%squeeze3A_235, %dma_start3A_249] : memref<1000000x64xf32, #tpu.memory_space<hbm>> -> memref<1x64xf32, #tpu.memory_space<hbm>>
      %dma_start3A_251 = tpu.memref_squeeze %dma_start3A_250 : memref<1x64xf32, #tpu.memory_space<hbm>> -> memref<64xf32, #tpu.memory_space<hbm>>
      tpu.enqueue_dma source(%dma_start3A_251 : memref<64xf32, #tpu.memory_space<hbm>>) target(%dma_start3A_248 : memref<64xf32, #tpu.memory_space<vmem>>) target_semaphore(%arg11 : memref<!tpu.dma_semaphore, #tpu.memory_space<semaphore_mem>>)
      %slice3A_252 = vector.extract_strided_slice %get3A_218 {offsets = [2], sizes = [1], strides = [1]} : vector<16xi32> to vector<1xi32>
      %squeeze3A_253 = vector.extract %slice3A_252[0] : i32 from vector<1xi32>
      %mul3A_254 = arith.constant 16 : i32
      %mul3A_255 = arith.muli %scan3A_214, %mul3A_254 : i32
      %add3A_256 = arith.constant 2 : i32
      %add3A_257 = arith.addi %mul3A_255, %add3A_256 : i32
      %dma_start3A_258 = arith.constant 0 : i32
      %dma_start3A_259 = tpu.memref_slice %arg9[%add3A_257, %dma_start3A_258] : memref<512x64xf32, #tpu.memory_space<vmem>> -> memref<1x64xf32, #tpu.memory_space<vmem>>
      %dma_start3A_260 = tpu.memref_squeeze %dma_start3A_259 : memref<1x64xf32, #tpu.memory_space<vmem>> -> memref<64xf32, #tpu.memory_space<vmem>>
      %dma_start3A_261 = arith.constant 0 : i32
      %dma_start3A_262 = tpu.memref_slice %arg4[%squeeze3A_253, %dma_start3A_261] : memref<1000000x64xf32, #tpu.memory_space<hbm>> -> memref<1x64xf32, #tpu.memory_space<hbm>>
      %dma_start3A_263 = tpu.memref_squeeze %dma_start3A_262 : memref<1x64xf32, #tpu.memory_space<hbm>> -> memref<64xf32, #tpu.memory_space<hbm>>
      %dma_start3A_264 = arith.constant 0 : i32
      %dma_start3A_265 = tpu.memref_slice %arg9[%add3A_257, %dma_start3A_264] : memref<512x64xf32, #tpu.memory_space<vmem>> -> memref<1x64xf32, #tpu.memory_space<vmem>>
      %dma_start3A_266 = tpu.memref_squeeze %dma_start3A_265 : memref<1x64xf32, #tpu.memory_space<vmem>> -> memref<64xf32, #tpu.memory_space<vmem>>
      %dma_start3A_267 = arith.constant 0 : i32
      %dma_start3A_268 = tpu.memref_slice %arg4[%squeeze3A_253, %dma_start3A_267] : memref<1000000x64xf32, #tpu.memory_space<hbm>> -> memref<1x64xf32, #tpu.memory_space<hbm>>
      %dma_start3A_269 = tpu.memref_squeeze %dma_start3A_268 : memref<1x64xf32, #tpu.memory_space<hbm>> -> memref<64xf32, #tpu.memory_space<hbm>>
      tpu.enqueue_dma source(%dma_start3A_269 : memref<64xf32, #tpu.memory_space<hbm>>) target(%dma_start3A_266 : memref<64xf32, #tpu.memory_space<vmem>>) target_semaphore(%arg12 : memref<!tpu.dma_semaphore, #tpu.memory_space<semaphore_mem>>)
      %slice3A_270 = vector.extract_strided_slice %get3A_218 {offsets = [3], sizes = [1], strides = [1]} : vector<16xi32> to vector<1xi32>
      %squeeze3A_271 = vector.extract %slice3A_270[0] : i32 from vector<1xi32>
      %mul3A_272 = arith.constant 16 : i32
      %mul3A_273 = arith.muli %scan3A_214, %mul3A_272 : i32
      %add3A_274 = arith.constant 3 : i32
      %add3A_275 = arith.addi %mul3A_273, %add3A_274 : i32
      %dma_start3A_276 = arith.constant 0 : i32
      %dma_start3A_277 = tpu.memref_slice %arg9[%add3A_275, %dma_start3A_276] : memref<512x64xf32, #tpu.memory_space<vmem>> -> memref<1x64xf32, #tpu.memory_space<vmem>>
      %dma_start3A_278 = tpu.memref_squeeze %dma_start3A_277 : memref<1x64xf32, #tpu.memory_space<vmem>> -> memref<64xf32, #tpu.memory_space<vmem>>
      %dma_start3A_279 = arith.constant 0 : i32
      %dma_start3A_280 = tpu.memref_slice %arg4[%squeeze3A_271, %dma_start3A_279] : memref<1000000x64xf32, #tpu.memory_space<hbm>> -> memref<1x64xf32, #tpu.memory_space<hbm>>
      %dma_start3A_281 = tpu.memref_squeeze %dma_start3A_280 : memref<1x64xf32, #tpu.memory_space<hbm>> -> memref<64xf32, #tpu.memory_space<hbm>>
      %dma_start3A_282 = arith.constant 0 : i32
      %dma_start3A_283 = tpu.memref_slice %arg9[%add3A_275, %dma_start3A_282] : memref<512x64xf32, #tpu.memory_space<vmem>> -> memref<1x64xf32, #tpu.memory_space<vmem>>
      %dma_start3A_284 = tpu.memref_squeeze %dma_start3A_283 : memref<1x64xf32, #tpu.memory_space<vmem>> -> memref<64xf32, #tpu.memory_space<vmem>>
      %dma_start3A_285 = arith.constant 0 : i32
      %dma_start3A_286 = tpu.memref_slice %arg4[%squeeze3A_271, %dma_start3A_285] : memref<1000000x64xf32, #tpu.memory_space<hbm>> -> memref<1x64xf32, #tpu.memory_space<hbm>>
      %dma_start3A_287 = tpu.memref_squeeze %dma_start3A_286 : memref<1x64xf32, #tpu.memory_space<hbm>> -> memref<64xf32, #tpu.memory_space<hbm>>
      tpu.enqueue_dma source(%dma_start3A_287 : memref<64xf32, #tpu.memory_space<hbm>>) target(%dma_start3A_284 : memref<64xf32, #tpu.memory_space<vmem>>) target_semaphore(%arg13 : memref<!tpu.dma_semaphore, #tpu.memory_space<semaphore_mem>>)
      %slice3A_288 = vector.extract_strided_slice %get3A_218 {offsets = [4], sizes = [1], strides = [1]} : vector<16xi32> to vector<1xi32>
      %squeeze3A_289 = vector.extract %slice3A_288[0] : i32 from vector<1xi32>
      %mul3A_290 = arith.constant 16 : i32
      %mul3A_291 = arith.muli %scan3A_214, %mul3A_290 : i32
      %add3A_292 = arith.constant 4 : i32
      %add3A_293 = arith.addi %mul3A_291, %add3A_292 : i32
      %dma_start3A_294 = arith.constant 0 : i32
      %dma_start3A_295 = tpu.memref_slice %arg9[%add3A_293, %dma_start3A_294] : memref<512x64xf32, #tpu.memory_space<vmem>> -> memref<1x64xf32, #tpu.memory_space<vmem>>
      %dma_start3A_296 = tpu.memref_squeeze %dma_start3A_295 : memref<1x64xf32, #tpu.memory_space<vmem>> -> memref<64xf32, #tpu.memory_space<vmem>>
      %dma_start3A_297 = arith.constant 0 : i32
      %dma_start3A_298 = tpu.memref_slice %arg4[%squeeze3A_289, %dma_start3A_297] : memref<1000000x64xf32, #tpu.memory_space<hbm>> -> memref<1x64xf32, #tpu.memory_space<hbm>>
      %dma_start3A_299 = tpu.memref_squeeze %dma_start3A_298 : memref<1x64xf32, #tpu.memory_space<hbm>> -> memref<64xf32, #tpu.memory_space<hbm>>
      %dma_start3A_300 = arith.constant 0 : i32
      %dma_start3A_301 = tpu.memref_slice %arg9[%add3A_293, %dma_start3A_300] : memref<512x64xf32, #tpu.memory_space<vmem>> -> memref<1x64xf32, #tpu.memory_space<vmem>>
      %dma_start3A_302 = tpu.memref_squeeze %dma_start3A_301 : memref<1x64xf32, #tpu.memory_space<vmem>> -> memref<64xf32, #tpu.memory_space<vmem>>
      %dma_start3A_303 = arith.constant 0 : i32
      %dma_start3A_304 = tpu.memref_slice %arg4[%squeeze3A_289, %dma_start3A_303] : memref<1000000x64xf32, #tpu.memory_space<hbm>> -> memref<1x64xf32, #tpu.memory_space<hbm>>
      %dma_start3A_305 = tpu.memref_squeeze %dma_start3A_304 : memref<1x64xf32, #tpu.memory_space<hbm>> -> memref<64xf32, #tpu.memory_space<hbm>>
      tpu.enqueue_dma source(%dma_start3A_305 : memref<64xf32, #tpu.memory_space<hbm>>) target(%dma_start3A_302 : memref<64xf32, #tpu.memory_space<vmem>>) target_semaphore(%arg14 : memref<!tpu.dma_semaphore, #tpu.memory_space<semaphore_mem>>)
      %slice3A_306 = vector.extract_strided_slice %get3A_218 {offsets = [5], sizes = [1], strides = [1]} : vector<16xi32> to vector<1xi32>
      %squeeze3A_307 = vector.extract %slice3A_306[0] : i32 from vector<1xi32>
      %mul3A_308 = arith.constant 16 : i32
      %mul3A_309 = arith.muli %scan3A_214, %mul3A_308 : i32
      %add3A_310 = arith.constant 5 : i32
      %add3A_311 = arith.addi %mul3A_309, %add3A_310 : i32
      %dma_start3A_312 = arith.constant 0 : i32
      %dma_start3A_313 = tpu.memref_slice %arg9[%add3A_311, %dma_start3A_312] : memref<512x64xf32, #tpu.memory_space<vmem>> -> memref<1x64xf32, #tpu.memory_space<vmem>>
      %dma_start3A_314 = tpu.memref_squeeze %dma_start3A_313 : memref<1x64xf32, #tpu.memory_space<vmem>> -> memref<64xf32, #tpu.memory_space<vmem>>
      %dma_start3A_315 = arith.constant 0 : i32
      %dma_start3A_316 = tpu.memref_slice %arg4[%squeeze3A_307, %dma_start3A_315] : memref<1000000x64xf32, #tpu.memory_space<hbm>> -> memref<1x64xf32, #tpu.memory_space<hbm>>
      %dma_start3A_317 = tpu.memref_squeeze %dma_start3A_316 : memref<1x64xf32, #tpu.memory_space<hbm>> -> memref<64xf32, #tpu.memory_space<hbm>>
      %dma_start3A_318 = arith.constant 0 : i32
      %dma_start3A_319 = tpu.memref_slice %arg9[%add3A_311, %dma_start3A_318] : memref<512x64xf32, #tpu.memory_space<vmem>> -> memref<1x64xf32, #tpu.memory_space<vmem>>
      %dma_start3A_320 = tpu.memref_squeeze %dma_start3A_319 : memref<1x64xf32, #tpu.memory_space<vmem>> -> memref<64xf32, #tpu.memory_space<vmem>>
      %dma_start3A_321 = arith.constant 0 : i32
      %dma_start3A_322 = tpu.memref_slice %arg4[%squeeze3A_307, %dma_start3A_321] : memref<1000000x64xf32, #tpu.memory_space<hbm>> -> memref<1x64xf32, #tpu.memory_space<hbm>>
      %dma_start3A_323 = tpu.memref_squeeze %dma_start3A_322 : memref<1x64xf32, #tpu.memory_space<hbm>> -> memref<64xf32, #tpu.memory_space<hbm>>
      tpu.enqueue_dma source(%dma_start3A_323 : memref<64xf32, #tpu.memory_space<hbm>>) target(%dma_start3A_320 : memref<64xf32, #tpu.memory_space<vmem>>) target_semaphore(%arg15 : memref<!tpu.dma_semaphore, #tpu.memory_space<semaphore_mem>>)
      %slice3A_324 = vector.extract_strided_slice %get3A_218 {offsets = [6], sizes = [1], strides = [1]} : vector<16xi32> to vector<1xi32>
      %squeeze3A_325 = vector.extract %slice3A_324[0] : i32 from vector<1xi32>
      %mul3A_326 = arith.constant 16 : i32
      %mul3A_327 = arith.muli %scan3A_214, %mul3A_326 : i32
      %add3A_328 = arith.constant 6 : i32
      %add3A_329 = arith.addi %mul3A_327, %add3A_328 : i32
      %dma_start3A_330 = arith.constant 0 : i32
      %dma_start3A_331 = tpu.memref_slice %arg9[%add3A_329, %dma_start3A_330] : memref<512x64xf32, #tpu.memory_space<vmem>> -> memref<1x64xf32, #tpu.memory_space<vmem>>
      %dma_start3A_332 = tpu.memref_squeeze %dma_start3A_331 : memref<1x64xf32, #tpu.memory_space<vmem>> -> memref<64xf32, #tpu.memory_space<vmem>>
      %dma_start3A_333 = arith.constant 0 : i32
      %dma_start3A_334 = tpu.memref_slice %arg4[%squeeze3A_325, %dma_start3A_333] : memref<1000000x64xf32, #tpu.memory_space<hbm>> -> memref<1x64xf32, #tpu.memory_space<hbm>>
      %dma_start3A_335 = tpu.memref_squeeze %dma_start3A_334 : memref<1x64xf32, #tpu.memory_space<hbm>> -> memref<64xf32, #tpu.memory_space<hbm>>
      %dma_start3A_336 = arith.constant 0 : i32
      %dma_start3A_337 = tpu.memref_slice %arg9[%add3A_329, %dma_start3A_336] : memref<512x64xf32, #tpu.memory_space<vmem>> -> memref<1x64xf32, #tpu.memory_space<vmem>>
      %dma_start3A_338 = tpu.memref_squeeze %dma_start3A_337 : memref<1x64xf32, #tpu.memory_space<vmem>> -> memref<64xf32, #tpu.memory_space<vmem>>
      %dma_start3A_339 = arith.constant 0 : i32
      %dma_start3A_340 = tpu.memref_slice %arg4[%squeeze3A_325, %dma_start3A_339] : memref<1000000x64xf32, #tpu.memory_space<hbm>> -> memref<1x64xf32, #tpu.memory_space<hbm>>
      %dma_start3A_341 = tpu.memref_squeeze %dma_start3A_340 : memref<1x64xf32, #tpu.memory_space<hbm>> -> memref<64xf32, #tpu.memory_space<hbm>>
      tpu.enqueue_dma source(%dma_start3A_341 : memref<64xf32, #tpu.memory_space<hbm>>) target(%dma_start3A_338 : memref<64xf32, #tpu.memory_space<vmem>>) target_semaphore(%arg16 : memref<!tpu.dma_semaphore, #tpu.memory_space<semaphore_mem>>)
      %slice3A_342 = vector.extract_strided_slice %get3A_218 {offsets = [7], sizes = [1], strides = [1]} : vector<16xi32> to vector<1xi32>
      %squeeze3A_343 = vector.extract %slice3A_342[0] : i32 from vector<1xi32>
      %mul3A_344 = arith.constant 16 : i32
      %mul3A_345 = arith.muli %scan3A_214, %mul3A_344 : i32
      %add3A_346 = arith.constant 7 : i32
      %add3A_347 = arith.addi %mul3A_345, %add3A_346 : i32
      %dma_start3A_348 = arith.constant 0 : i32
      %dma_start3A_349 = tpu.memref_slice %arg9[%add3A_347, %dma_start3A_348] : memref<512x64xf32, #tpu.memory_space<vmem>> -> memref<1x64xf32, #tpu.memory_space<vmem>>
      %dma_start3A_350 = tpu.memref_squeeze %dma_start3A_349 : memref<1x64xf32, #tpu.memory_space<vmem>> -> memref<64xf32, #tpu.memory_space<vmem>>
      %dma_start3A_351 = arith.constant 0 : i32
      %dma_start3A_352 = tpu.memref_slice %arg4[%squeeze3A_343, %dma_start3A_351] : memref<1000000x64xf32, #tpu.memory_space<hbm>> -> memref<1x64xf32, #tpu.memory_space<hbm>>
      %dma_start3A_353 = tpu.memref_squeeze %dma_start3A_352 : memref<1x64xf32, #tpu.memory_space<hbm>> -> memref<64xf32, #tpu.memory_space<hbm>>
      %dma_start3A_354 = arith.constant 0 : i32
      %dma_start3A_355 = tpu.memref_slice %arg9[%add3A_347, %dma_start3A_354] : memref<512x64xf32, #tpu.memory_space<vmem>> -> memref<1x64xf32, #tpu.memory_space<vmem>>
      %dma_start3A_356 = tpu.memref_squeeze %dma_start3A_355 : memref<1x64xf32, #tpu.memory_space<vmem>> -> memref<64xf32, #tpu.memory_space<vmem>>
      %dma_start3A_357 = arith.constant 0 : i32
      %dma_start3A_358 = tpu.memref_slice %arg4[%squeeze3A_343, %dma_start3A_357] : memref<1000000x64xf32, #tpu.memory_space<hbm>> -> memref<1x64xf32, #tpu.memory_space<hbm>>
      %dma_start3A_359 = tpu.memref_squeeze %dma_start3A_358 : memref<1x64xf32, #tpu.memory_space<hbm>> -> memref<64xf32, #tpu.memory_space<hbm>>
      tpu.enqueue_dma source(%dma_start3A_359 : memref<64xf32, #tpu.memory_space<hbm>>) target(%dma_start3A_356 : memref<64xf32, #tpu.memory_space<vmem>>) target_semaphore(%arg17 : memref<!tpu.dma_semaphore, #tpu.memory_space<semaphore_mem>>)
      %slice3A_360 = vector.extract_strided_slice %get3A_218 {offsets = [8], sizes = [1], strides = [1]} : vector<16xi32> to vector<1xi32>
      %squeeze3A_361 = vector.extract %slice3A_360[0] : i32 from vector<1xi32>
      %mul3A_362 = arith.constant 16 : i32
      %mul3A_363 = arith.muli %scan3A_214, %mul3A_362 : i32
      %add3A_364 = arith.constant 8 : i32
      %add3A_365 = arith.addi %mul3A_363, %add3A_364 : i32
      %dma_start3A_366 = arith.constant 0 : i32
      %dma_start3A_367 = tpu.memref_slice %arg9[%add3A_365, %dma_start3A_366] : memref<512x64xf32, #tpu.memory_space<vmem>> -> memref<1x64xf32, #tpu.memory_space<vmem>>
      %dma_start3A_368 = tpu.memref_squeeze %dma_start3A_367 : memref<1x64xf32, #tpu.memory_space<vmem>> -> memref<64xf32, #tpu.memory_space<vmem>>
      %dma_start3A_369 = arith.constant 0 : i32
      %dma_start3A_370 = tpu.memref_slice %arg4[%squeeze3A_361, %dma_start3A_369] : memref<1000000x64xf32, #tpu.memory_space<hbm>> -> memref<1x64xf32, #tpu.memory_space<hbm>>
      %dma_start3A_371 = tpu.memref_squeeze %dma_start3A_370 : memref<1x64xf32, #tpu.memory_space<hbm>> -> memref<64xf32, #tpu.memory_space<hbm>>
      %dma_start3A_372 = arith.constant 0 : i32
      %dma_start3A_373 = tpu.memref_slice %arg9[%add3A_365, %dma_start3A_372] : memref<512x64xf32, #tpu.memory_space<vmem>> -> memref<1x64xf32, #tpu.memory_space<vmem>>
      %dma_start3A_374 = tpu.memref_squeeze %dma_start3A_373 : memref<1x64xf32, #tpu.memory_space<vmem>> -> memref<64xf32, #tpu.memory_space<vmem>>
      %dma_start3A_375 = arith.constant 0 : i32
      %dma_start3A_376 = tpu.memref_slice %arg4[%squeeze3A_361, %dma_start3A_375] : memref<1000000x64xf32, #tpu.memory_space<hbm>> -> memref<1x64xf32, #tpu.memory_space<hbm>>
      %dma_start3A_377 = tpu.memref_squeeze %dma_start3A_376 : memref<1x64xf32, #tpu.memory_space<hbm>> -> memref<64xf32, #tpu.memory_space<hbm>>
      tpu.enqueue_dma source(%dma_start3A_377 : memref<64xf32, #tpu.memory_space<hbm>>) target(%dma_start3A_374 : memref<64xf32, #tpu.memory_space<vmem>>) target_semaphore(%arg10 : memref<!tpu.dma_semaphore, #tpu.memory_space<semaphore_mem>>)
      %slice3A_378 = vector.extract_strided_slice %get3A_218 {offsets = [9], sizes = [1], strides = [1]} : vector<16xi32> to vector<1xi32>
      %squeeze3A_379 = vector.extract %slice3A_378[0] : i32 from vector<1xi32>
      %mul3A_380 = arith.constant 16 : i32
      %mul3A_381 = arith.muli %scan3A_214, %mul3A_380 : i32
      %add3A_382 = arith.constant 9 : i32
      %add3A_383 = arith.addi %mul3A_381, %add3A_382 : i32
      %dma_start3A_384 = arith.constant 0 : i32
      %dma_start3A_385 = tpu.memref_slice %arg9[%add3A_383, %dma_start3A_384] : memref<512x64xf32, #tpu.memory_space<vmem>> -> memref<1x64xf32, #tpu.memory_space<vmem>>
      %dma_start3A_386 = tpu.memref_squeeze %dma_start3A_385 : memref<1x64xf32, #tpu.memory_space<vmem>> -> memref<64xf32, #tpu.memory_space<vmem>>
      %dma_start3A_387 = arith.constant 0 : i32
      %dma_start3A_388 = tpu.memref_slice %arg4[%squeeze3A_379, %dma_start3A_387] : memref<1000000x64xf32, #tpu.memory_space<hbm>> -> memref<1x64xf32, #tpu.memory_space<hbm>>
      %dma_start3A_389 = tpu.memref_squeeze %dma_start3A_388 : memref<1x64xf32, #tpu.memory_space<hbm>> -> memref<64xf32, #tpu.memory_space<hbm>>
      %dma_start3A_390 = arith.constant 0 : i32
      %dma_start3A_391 = tpu.memref_slice %arg9[%add3A_383, %dma_start3A_390] : memref<512x64xf32, #tpu.memory_space<vmem>> -> memref<1x64xf32, #tpu.memory_space<vmem>>
      %dma_start3A_392 = tpu.memref_squeeze %dma_start3A_391 : memref<1x64xf32, #tpu.memory_space<vmem>> -> memref<64xf32, #tpu.memory_space<vmem>>
      %dma_start3A_393 = arith.constant 0 : i32
      %dma_start3A_394 = tpu.memref_slice %arg4[%squeeze3A_379, %dma_start3A_393] : memref<1000000x64xf32, #tpu.memory_space<hbm>> -> memref<1x64xf32, #tpu.memory_space<hbm>>
      %dma_start3A_395 = tpu.memref_squeeze %dma_start3A_394 : memref<1x64xf32, #tpu.memory_space<hbm>> -> memref<64xf32, #tpu.memory_space<hbm>>
      tpu.enqueue_dma source(%dma_start3A_395 : memref<64xf32, #tpu.memory_space<hbm>>) target(%dma_start3A_392 : memref<64xf32, #tpu.memory_space<vmem>>) target_semaphore(%arg11 : memref<!tpu.dma_semaphore, #tpu.memory_space<semaphore_mem>>)
      %slice3A_396 = vector.extract_strided_slice %get3A_218 {offsets = [10], sizes = [1], strides = [1]} : vector<16xi32> to vector<1xi32>
      %squeeze3A_397 = vector.extract %slice3A_396[0] : i32 from vector<1xi32>
      %mul3A_398 = arith.constant 16 : i32
      %mul3A_399 = arith.muli %scan3A_214, %mul3A_398 : i32
      %add3A_400 = arith.constant 10 : i32
      %add3A_401 = arith.addi %mul3A_399, %add3A_400 : i32
      %dma_start3A_402 = arith.constant 0 : i32
      %dma_start3A_403 = tpu.memref_slice %arg9[%add3A_401, %dma_start3A_402] : memref<512x64xf32, #tpu.memory_space<vmem>> -> memref<1x64xf32, #tpu.memory_space<vmem>>
      %dma_start3A_404 = tpu.memref_squeeze %dma_start3A_403 : memref<1x64xf32, #tpu.memory_space<vmem>> -> memref<64xf32, #tpu.memory_space<vmem>>
      %dma_start3A_405 = arith.constant 0 : i32
      %dma_start3A_406 = tpu.memref_slice %arg4[%squeeze3A_397, %dma_start3A_405] : memref<1000000x64xf32, #tpu.memory_space<hbm>> -> memref<1x64xf32, #tpu.memory_space<hbm>>
      %dma_start3A_407 = tpu.memref_squeeze %dma_start3A_406 : memref<1x64xf32, #tpu.memory_space<hbm>> -> memref<64xf32, #tpu.memory_space<hbm>>
      %dma_start3A_408 = arith.constant 0 : i32
      %dma_start3A_409 = tpu.memref_slice %arg9[%add3A_401, %dma_start3A_408] : memref<512x64xf32, #tpu.memory_space<vmem>> -> memref<1x64xf32, #tpu.memory_space<vmem>>
      %dma_start3A_410 = tpu.memref_squeeze %dma_start3A_409 : memref<1x64xf32, #tpu.memory_space<vmem>> -> memref<64xf32, #tpu.memory_space<vmem>>
      %dma_start3A_411 = arith.constant 0 : i32
      %dma_start3A_412 = tpu.memref_slice %arg4[%squeeze3A_397, %dma_start3A_411] : memref<1000000x64xf32, #tpu.memory_space<hbm>> -> memref<1x64xf32, #tpu.memory_space<hbm>>
      %dma_start3A_413 = tpu.memref_squeeze %dma_start3A_412 : memref<1x64xf32, #tpu.memory_space<hbm>> -> memref<64xf32, #tpu.memory_space<hbm>>
      tpu.enqueue_dma source(%dma_start3A_413 : memref<64xf32, #tpu.memory_space<hbm>>) target(%dma_start3A_410 : memref<64xf32, #tpu.memory_space<vmem>>) target_semaphore(%arg12 : memref<!tpu.dma_semaphore, #tpu.memory_space<semaphore_mem>>)
      %slice3A_414 = vector.extract_strided_slice %get3A_218 {offsets = [11], sizes = [1], strides = [1]} : vector<16xi32> to vector<1xi32>
      %squeeze3A_415 = vector.extract %slice3A_414[0] : i32 from vector<1xi32>
      %mul3A_416 = arith.constant 16 : i32
      %mul3A_417 = arith.muli %scan3A_214, %mul3A_416 : i32
      %add3A_418 = arith.constant 11 : i32
      %add3A_419 = arith.addi %mul3A_417, %add3A_418 : i32
      %dma_start3A_420 = arith.constant 0 : i32
      %dma_start3A_421 = tpu.memref_slice %arg9[%add3A_419, %dma_start3A_420] : memref<512x64xf32, #tpu.memory_space<vmem>> -> memref<1x64xf32, #tpu.memory_space<vmem>>
      %dma_start3A_422 = tpu.memref_squeeze %dma_start3A_421 : memref<1x64xf32, #tpu.memory_space<vmem>> -> memref<64xf32, #tpu.memory_space<vmem>>
      %dma_start3A_423 = arith.constant 0 : i32
      %dma_start3A_424 = tpu.memref_slice %arg4[%squeeze3A_415, %dma_start3A_423] : memref<1000000x64xf32, #tpu.memory_space<hbm>> -> memref<1x64xf32, #tpu.memory_space<hbm>>
      %dma_start3A_425 = tpu.memref_squeeze %dma_start3A_424 : memref<1x64xf32, #tpu.memory_space<hbm>> -> memref<64xf32, #tpu.memory_space<hbm>>
      %dma_start3A_426 = arith.constant 0 : i32
      %dma_start3A_427 = tpu.memref_slice %arg9[%add3A_419, %dma_start3A_426] : memref<512x64xf32, #tpu.memory_space<vmem>> -> memref<1x64xf32, #tpu.memory_space<vmem>>
      %dma_start3A_428 = tpu.memref_squeeze %dma_start3A_427 : memref<1x64xf32, #tpu.memory_space<vmem>> -> memref<64xf32, #tpu.memory_space<vmem>>
      %dma_start3A_429 = arith.constant 0 : i32
      %dma_start3A_430 = tpu.memref_slice %arg4[%squeeze3A_415, %dma_start3A_429] : memref<1000000x64xf32, #tpu.memory_space<hbm>> -> memref<1x64xf32, #tpu.memory_space<hbm>>
      %dma_start3A_431 = tpu.memref_squeeze %dma_start3A_430 : memref<1x64xf32, #tpu.memory_space<hbm>> -> memref<64xf32, #tpu.memory_space<hbm>>
      tpu.enqueue_dma source(%dma_start3A_431 : memref<64xf32, #tpu.memory_space<hbm>>) target(%dma_start3A_428 : memref<64xf32, #tpu.memory_space<vmem>>) target_semaphore(%arg13 : memref<!tpu.dma_semaphore, #tpu.memory_space<semaphore_mem>>)
      %slice3A_432 = vector.extract_strided_slice %get3A_218 {offsets = [12], sizes = [1], strides = [1]} : vector<16xi32> to vector<1xi32>
      %squeeze3A_433 = vector.extract %slice3A_432[0] : i32 from vector<1xi32>
      %mul3A_434 = arith.constant 16 : i32
      %mul3A_435 = arith.muli %scan3A_214, %mul3A_434 : i32
      %add3A_436 = arith.constant 12 : i32
      %add3A_437 = arith.addi %mul3A_435, %add3A_436 : i32
      %dma_start3A_438 = arith.constant 0 : i32
      %dma_start3A_439 = tpu.memref_slice %arg9[%add3A_437, %dma_start3A_438] : memref<512x64xf32, #tpu.memory_space<vmem>> -> memref<1x64xf32, #tpu.memory_space<vmem>>
      %dma_start3A_440 = tpu.memref_squeeze %dma_start3A_439 : memref<1x64xf32, #tpu.memory_space<vmem>> -> memref<64xf32, #tpu.memory_space<vmem>>
      %dma_start3A_441 = arith.constant 0 : i32
      %dma_start3A_442 = tpu.memref_slice %arg4[%squeeze3A_433, %dma_start3A_441] : memref<1000000x64xf32, #tpu.memory_space<hbm>> -> memref<1x64xf32, #tpu.memory_space<hbm>>
      %dma_start3A_443 = tpu.memref_squeeze %dma_start3A_442 : memref<1x64xf32, #tpu.memory_space<hbm>> -> memref<64xf32, #tpu.memory_space<hbm>>
      %dma_start3A_444 = arith.constant 0 : i32
      %dma_start3A_445 = tpu.memref_slice %arg9[%add3A_437, %dma_start3A_444] : memref<512x64xf32, #tpu.memory_space<vmem>> -> memref<1x64xf32, #tpu.memory_space<vmem>>
      %dma_start3A_446 = tpu.memref_squeeze %dma_start3A_445 : memref<1x64xf32, #tpu.memory_space<vmem>> -> memref<64xf32, #tpu.memory_space<vmem>>
      %dma_start3A_447 = arith.constant 0 : i32
      %dma_start3A_448 = tpu.memref_slice %arg4[%squeeze3A_433, %dma_start3A_447] : memref<1000000x64xf32, #tpu.memory_space<hbm>> -> memref<1x64xf32, #tpu.memory_space<hbm>>
      %dma_start3A_449 = tpu.memref_squeeze %dma_start3A_448 : memref<1x64xf32, #tpu.memory_space<hbm>> -> memref<64xf32, #tpu.memory_space<hbm>>
      tpu.enqueue_dma source(%dma_start3A_449 : memref<64xf32, #tpu.memory_space<hbm>>) target(%dma_start3A_446 : memref<64xf32, #tpu.memory_space<vmem>>) target_semaphore(%arg14 : memref<!tpu.dma_semaphore, #tpu.memory_space<semaphore_mem>>)
      %slice3A_450 = vector.extract_strided_slice %get3A_218 {offsets = [13], sizes = [1], strides = [1]} : vector<16xi32> to vector<1xi32>
      %squeeze3A_451 = vector.extract %slice3A_450[0] : i32 from vector<1xi32>
      %mul3A_452 = arith.constant 16 : i32
      %mul3A_453 = arith.muli %scan3A_214, %mul3A_452 : i32
      %add3A_454 = arith.constant 13 : i32
      %add3A_455 = arith.addi %mul3A_453, %add3A_454 : i32
      %dma_start3A_456 = arith.constant 0 : i32
      %dma_start3A_457 = tpu.memref_slice %arg9[%add3A_455, %dma_start3A_456] : memref<512x64xf32, #tpu.memory_space<vmem>> -> memref<1x64xf32, #tpu.memory_space<vmem>>
      %dma_start3A_458 = tpu.memref_squeeze %dma_start3A_457 : memref<1x64xf32, #tpu.memory_space<vmem>> -> memref<64xf32, #tpu.memory_space<vmem>>
      %dma_start3A_459 = arith.constant 0 : i32
      %dma_start3A_460 = tpu.memref_slice %arg4[%squeeze3A_451, %dma_start3A_459] : memref<1000000x64xf32, #tpu.memory_space<hbm>> -> memref<1x64xf32, #tpu.memory_space<hbm>>
      %dma_start3A_461 = tpu.memref_squeeze %dma_start3A_460 : memref<1x64xf32, #tpu.memory_space<hbm>> -> memref<64xf32, #tpu.memory_space<hbm>>
      %dma_start3A_462 = arith.constant 0 : i32
      %dma_start3A_463 = tpu.memref_slice %arg9[%add3A_455, %dma_start3A_462] : memref<512x64xf32, #tpu.memory_space<vmem>> -> memref<1x64xf32, #tpu.memory_space<vmem>>
      %dma_start3A_464 = tpu.memref_squeeze %dma_start3A_463 : memref<1x64xf32, #tpu.memory_space<vmem>> -> memref<64xf32, #tpu.memory_space<vmem>>
      %dma_start3A_465 = arith.constant 0 : i32
      %dma_start3A_466 = tpu.memref_slice %arg4[%squeeze3A_451, %dma_start3A_465] : memref<1000000x64xf32, #tpu.memory_space<hbm>> -> memref<1x64xf32, #tpu.memory_space<hbm>>
      %dma_start3A_467 = tpu.memref_squeeze %dma_start3A_466 : memref<1x64xf32, #tpu.memory_space<hbm>> -> memref<64xf32, #tpu.memory_space<hbm>>
      tpu.enqueue_dma source(%dma_start3A_467 : memref<64xf32, #tpu.memory_space<hbm>>) target(%dma_start3A_464 : memref<64xf32, #tpu.memory_space<vmem>>) target_semaphore(%arg15 : memref<!tpu.dma_semaphore, #tpu.memory_space<semaphore_mem>>)
      %slice3A_468 = vector.extract_strided_slice %get3A_218 {offsets = [14], sizes = [1], strides = [1]} : vector<16xi32> to vector<1xi32>
      %squeeze3A_469 = vector.extract %slice3A_468[0] : i32 from vector<1xi32>
      %mul3A_470 = arith.constant 16 : i32
      %mul3A_471 = arith.muli %scan3A_214, %mul3A_470 : i32
      %add3A_472 = arith.constant 14 : i32
      %add3A_473 = arith.addi %mul3A_471, %add3A_472 : i32
      %dma_start3A_474 = arith.constant 0 : i32
      %dma_start3A_475 = tpu.memref_slice %arg9[%add3A_473, %dma_start3A_474] : memref<512x64xf32, #tpu.memory_space<vmem>> -> memref<1x64xf32, #tpu.memory_space<vmem>>
      %dma_start3A_476 = tpu.memref_squeeze %dma_start3A_475 : memref<1x64xf32, #tpu.memory_space<vmem>> -> memref<64xf32, #tpu.memory_space<vmem>>
      %dma_start3A_477 = arith.constant 0 : i32
      %dma_start3A_478 = tpu.memref_slice %arg4[%squeeze3A_469, %dma_start3A_477] : memref<1000000x64xf32, #tpu.memory_space<hbm>> -> memref<1x64xf32, #tpu.memory_space<hbm>>
      %dma_start3A_479 = tpu.memref_squeeze %dma_start3A_478 : memref<1x64xf32, #tpu.memory_space<hbm>> -> memref<64xf32, #tpu.memory_space<hbm>>
      %dma_start3A_480 = arith.constant 0 : i32
      %dma_start3A_481 = tpu.memref_slice %arg9[%add3A_473, %dma_start3A_480] : memref<512x64xf32, #tpu.memory_space<vmem>> -> memref<1x64xf32, #tpu.memory_space<vmem>>
      %dma_start3A_482 = tpu.memref_squeeze %dma_start3A_481 : memref<1x64xf32, #tpu.memory_space<vmem>> -> memref<64xf32, #tpu.memory_space<vmem>>
      %dma_start3A_483 = arith.constant 0 : i32
      %dma_start3A_484 = tpu.memref_slice %arg4[%squeeze3A_469, %dma_start3A_483] : memref<1000000x64xf32, #tpu.memory_space<hbm>> -> memref<1x64xf32, #tpu.memory_space<hbm>>
      %dma_start3A_485 = tpu.memref_squeeze %dma_start3A_484 : memref<1x64xf32, #tpu.memory_space<hbm>> -> memref<64xf32, #tpu.memory_space<hbm>>
      tpu.enqueue_dma source(%dma_start3A_485 : memref<64xf32, #tpu.memory_space<hbm>>) target(%dma_start3A_482 : memref<64xf32, #tpu.memory_space<vmem>>) target_semaphore(%arg16 : memref<!tpu.dma_semaphore, #tpu.memory_space<semaphore_mem>>)
      %slice3A_486 = vector.extract_strided_slice %get3A_218 {offsets = [15], sizes = [1], strides = [1]} : vector<16xi32> to vector<1xi32>
      %squeeze3A_487 = vector.extract %slice3A_486[0] : i32 from vector<1xi32>
      %mul3A_488 = arith.constant 16 : i32
      %mul3A_489 = arith.muli %scan3A_214, %mul3A_488 : i32
      %add3A_490 = arith.constant 15 : i32
      %add3A_491 = arith.addi %mul3A_489, %add3A_490 : i32
      %dma_start3A_492 = arith.constant 0 : i32
      %dma_start3A_493 = tpu.memref_slice %arg9[%add3A_491, %dma_start3A_492] : memref<512x64xf32, #tpu.memory_space<vmem>> -> memref<1x64xf32, #tpu.memory_space<vmem>>
      %dma_start3A_494 = tpu.memref_squeeze %dma_start3A_493 : memref<1x64xf32, #tpu.memory_space<vmem>> -> memref<64xf32, #tpu.memory_space<vmem>>
      %dma_start3A_495 = arith.constant 0 : i32
      %dma_start3A_496 = tpu.memref_slice %arg4[%squeeze3A_487, %dma_start3A_495] : memref<1000000x64xf32, #tpu.memory_space<hbm>> -> memref<1x64xf32, #tpu.memory_space<hbm>>
      %dma_start3A_497 = tpu.memref_squeeze %dma_start3A_496 : memref<1x64xf32, #tpu.memory_space<hbm>> -> memref<64xf32, #tpu.memory_space<hbm>>
      %dma_start3A_498 = arith.constant 0 : i32
      %dma_start3A_499 = tpu.memref_slice %arg9[%add3A_491, %dma_start3A_498] : memref<512x64xf32, #tpu.memory_space<vmem>> -> memref<1x64xf32, #tpu.memory_space<vmem>>
      %dma_start3A_500 = tpu.memref_squeeze %dma_start3A_499 : memref<1x64xf32, #tpu.memory_space<vmem>> -> memref<64xf32, #tpu.memory_space<vmem>>
      %dma_start3A_501 = arith.constant 0 : i32
      %dma_start3A_502 = tpu.memref_slice %arg4[%squeeze3A_487, %dma_start3A_501] : memref<1000000x64xf32, #tpu.memory_space<hbm>> -> memref<1x64xf32, #tpu.memory_space<hbm>>
      %dma_start3A_503 = tpu.memref_squeeze %dma_start3A_502 : memref<1x64xf32, #tpu.memory_space<hbm>> -> memref<64xf32, #tpu.memory_space<hbm>>
      tpu.enqueue_dma source(%dma_start3A_503 : memref<64xf32, #tpu.memory_space<hbm>>) target(%dma_start3A_500 : memref<64xf32, #tpu.memory_space<vmem>>) target_semaphore(%arg17 : memref<!tpu.dma_semaphore, #tpu.memory_space<semaphore_mem>>)
    }
    %scan3A_6 = arith.constant 32 : i32
    %dma_wait3A = arith.constant 0 : i32
    %dma_wait3A_7 = arith.constant 0 : i32
    %dma_wait3A_8 = tpu.memref_slice %arg9[%dma_wait3A, %dma_wait3A_7] : memref<512x64xf32, #tpu.memory_space<vmem>> -> memref<64x64xf32, #tpu.memory_space<vmem>>
    %dma_wait3A_9 = arith.constant 0 : i32
    %dma_wait3A_10 = arith.constant 0 : i32
    %dma_wait3A_11 = tpu.memref_slice %arg4[%dma_wait3A_9, %dma_wait3A_10] : memref<1000000x64xf32, #tpu.memory_space<hbm>> -> memref<64x64xf32, #tpu.memory_space<hbm>>
    %dma_wait3A_12 = arith.constant 0 : i32
    %dma_wait3A_13 = arith.constant 0 : i32
    %dma_wait3A_14 = tpu.memref_slice %arg9[%dma_wait3A_12, %dma_wait3A_13] : memref<512x64xf32, #tpu.memory_space<vmem>> -> memref<64x64xf32, #tpu.memory_space<vmem>>
    %dma_wait3A_15 = arith.constant 0 : i32
    %dma_wait3A_16 = arith.constant 0 : i32
    %dma_wait3A_17 = tpu.memref_slice %arg4[%dma_wait3A_15, %dma_wait3A_16] : memref<1000000x64xf32, #tpu.memory_space<hbm>> -> memref<64x64xf32, #tpu.memory_space<hbm>>
    tpu.wait_dma2 semaphore(%arg10 : memref<!tpu.dma_semaphore, #tpu.memory_space<semaphore_mem>>) src(%dma_wait3A_17 : memref<64x64xf32, #tpu.memory_space<hbm>>) dst(%dma_wait3A_14 : memref<64x64xf32, #tpu.memory_space<vmem>>)
    %dma_wait3A_18 = arith.constant 0 : i32
    %dma_wait3A_19 = arith.constant 0 : i32
    %dma_wait3A_20 = tpu.memref_slice %arg9[%dma_wait3A_18, %dma_wait3A_19] : memref<512x64xf32, #tpu.memory_space<vmem>> -> memref<64x64xf32, #tpu.memory_space<vmem>>
    %dma_wait3A_21 = arith.constant 0 : i32
    %dma_wait3A_22 = arith.constant 0 : i32
    %dma_wait3A_23 = tpu.memref_slice %arg4[%dma_wait3A_21, %dma_wait3A_22] : memref<1000000x64xf32, #tpu.memory_space<hbm>> -> memref<64x64xf32, #tpu.memory_space<hbm>>
    %dma_wait3A_24 = arith.constant 0 : i32
    %dma_wait3A_25 = arith.constant 0 : i32
    %dma_wait3A_26 = tpu.memref_slice %arg9[%dma_wait3A_24, %dma_wait3A_25] : memref<512x64xf32, #tpu.memory_space<vmem>> -> memref<64x64xf32, #tpu.memory_space<vmem>>
    %dma_wait3A_27 = arith.constant 0 : i32
    %dma_wait3A_28 = arith.constant 0 : i32
    %dma_wait3A_29 = tpu.memref_slice %arg4[%dma_wait3A_27, %dma_wait3A_28] : memref<1000000x64xf32, #tpu.memory_space<hbm>> -> memref<64x64xf32, #tpu.memory_space<hbm>>
    tpu.wait_dma2 semaphore(%arg11 : memref<!tpu.dma_semaphore, #tpu.memory_space<semaphore_mem>>) src(%dma_wait3A_29 : memref<64x64xf32, #tpu.memory_space<hbm>>) dst(%dma_wait3A_26 : memref<64x64xf32, #tpu.memory_space<vmem>>)
    %dma_wait3A_30 = arith.constant 0 : i32
    %dma_wait3A_31 = arith.constant 0 : i32
    %dma_wait3A_32 = tpu.memref_slice %arg9[%dma_wait3A_30, %dma_wait3A_31] : memref<512x64xf32, #tpu.memory_space<vmem>> -> memref<64x64xf32, #tpu.memory_space<vmem>>
    %dma_wait3A_33 = arith.constant 0 : i32
    %dma_wait3A_34 = arith.constant 0 : i32
    %dma_wait3A_35 = tpu.memref_slice %arg4[%dma_wait3A_33, %dma_wait3A_34] : memref<1000000x64xf32, #tpu.memory_space<hbm>> -> memref<64x64xf32, #tpu.memory_space<hbm>>
    %dma_wait3A_36 = arith.constant 0 : i32
    %dma_wait3A_37 = arith.constant 0 : i32
    %dma_wait3A_38 = tpu.memref_slice %arg9[%dma_wait3A_36, %dma_wait3A_37] : memref<512x64xf32, #tpu.memory_space<vmem>> -> memref<64x64xf32, #tpu.memory_space<vmem>>
    %dma_wait3A_39 = arith.constant 0 : i32
    %dma_wait3A_40 = arith.constant 0 : i32
    %dma_wait3A_41 = tpu.memref_slice %arg4[%dma_wait3A_39, %dma_wait3A_40] : memref<1000000x64xf32, #tpu.memory_space<hbm>> -> memref<64x64xf32, #tpu.memory_space<hbm>>
    tpu.wait_dma2 semaphore(%arg12 : memref<!tpu.dma_semaphore, #tpu.memory_space<semaphore_mem>>) src(%dma_wait3A_41 : memref<64x64xf32, #tpu.memory_space<hbm>>) dst(%dma_wait3A_38 : memref<64x64xf32, #tpu.memory_space<vmem>>)
    %dma_wait3A_42 = arith.constant 0 : i32
    %dma_wait3A_43 = arith.constant 0 : i32
    %dma_wait3A_44 = tpu.memref_slice %arg9[%dma_wait3A_42, %dma_wait3A_43] : memref<512x64xf32, #tpu.memory_space<vmem>> -> memref<64x64xf32, #tpu.memory_space<vmem>>
    %dma_wait3A_45 = arith.constant 0 : i32
    %dma_wait3A_46 = arith.constant 0 : i32
    %dma_wait3A_47 = tpu.memref_slice %arg4[%dma_wait3A_45, %dma_wait3A_46] : memref<1000000x64xf32, #tpu.memory_space<hbm>> -> memref<64x64xf32, #tpu.memory_space<hbm>>
    %dma_wait3A_48 = arith.constant 0 : i32
    %dma_wait3A_49 = arith.constant 0 : i32
    %dma_wait3A_50 = tpu.memref_slice %arg9[%dma_wait3A_48, %dma_wait3A_49] : memref<512x64xf32, #tpu.memory_space<vmem>> -> memref<64x64xf32, #tpu.memory_space<vmem>>
    %dma_wait3A_51 = arith.constant 0 : i32
    %dma_wait3A_52 = arith.constant 0 : i32
    %dma_wait3A_53 = tpu.memref_slice %arg4[%dma_wait3A_51, %dma_wait3A_52] : memref<1000000x64xf32, #tpu.memory_space<hbm>> -> memref<64x64xf32, #tpu.memory_space<hbm>>
    tpu.wait_dma2 semaphore(%arg13 : memref<!tpu.dma_semaphore, #tpu.memory_space<semaphore_mem>>) src(%dma_wait3A_53 : memref<64x64xf32, #tpu.memory_space<hbm>>) dst(%dma_wait3A_50 : memref<64x64xf32, #tpu.memory_space<vmem>>)
    %dma_wait3A_54 = arith.constant 0 : i32
    %dma_wait3A_55 = arith.constant 0 : i32
    %dma_wait3A_56 = tpu.memref_slice %arg9[%dma_wait3A_54, %dma_wait3A_55] : memref<512x64xf32, #tpu.memory_space<vmem>> -> memref<64x64xf32, #tpu.memory_space<vmem>>
    %dma_wait3A_57 = arith.constant 0 : i32
    %dma_wait3A_58 = arith.constant 0 : i32
    %dma_wait3A_59 = tpu.memref_slice %arg4[%dma_wait3A_57, %dma_wait3A_58] : memref<1000000x64xf32, #tpu.memory_space<hbm>> -> memref<64x64xf32, #tpu.memory_space<hbm>>
    %dma_wait3A_60 = arith.constant 0 : i32
    %dma_wait3A_61 = arith.constant 0 : i32
    %dma_wait3A_62 = tpu.memref_slice %arg9[%dma_wait3A_60, %dma_wait3A_61] : memref<512x64xf32, #tpu.memory_space<vmem>> -> memref<64x64xf32, #tpu.memory_space<vmem>>
    %dma_wait3A_63 = arith.constant 0 : i32
    %dma_wait3A_64 = arith.constant 0 : i32
    %dma_wait3A_65 = tpu.memref_slice %arg4[%dma_wait3A_63, %dma_wait3A_64] : memref<1000000x64xf32, #tpu.memory_space<hbm>> -> memref<64x64xf32, #tpu.memory_space<hbm>>
    tpu.wait_dma2 semaphore(%arg14 : memref<!tpu.dma_semaphore, #tpu.memory_space<semaphore_mem>>) src(%dma_wait3A_65 : memref<64x64xf32, #tpu.memory_space<hbm>>) dst(%dma_wait3A_62 : memref<64x64xf32, #tpu.memory_space<vmem>>)
    %dma_wait3A_66 = arith.constant 0 : i32
    %dma_wait3A_67 = arith.constant 0 : i32
    %dma_wait3A_68 = tpu.memref_slice %arg9[%dma_wait3A_66, %dma_wait3A_67] : memref<512x64xf32, #tpu.memory_space<vmem>> -> memref<64x64xf32, #tpu.memory_space<vmem>>
    %dma_wait3A_69 = arith.constant 0 : i32
    %dma_wait3A_70 = arith.constant 0 : i32
    %dma_wait3A_71 = tpu.memref_slice %arg4[%dma_wait3A_69, %dma_wait3A_70] : memref<1000000x64xf32, #tpu.memory_space<hbm>> -> memref<64x64xf32, #tpu.memory_space<hbm>>
    %dma_wait3A_72 = arith.constant 0 : i32
    %dma_wait3A_73 = arith.constant 0 : i32
    %dma_wait3A_74 = tpu.memref_slice %arg9[%dma_wait3A_72, %dma_wait3A_73] : memref<512x64xf32, #tpu.memory_space<vmem>> -> memref<64x64xf32, #tpu.memory_space<vmem>>
    %dma_wait3A_75 = arith.constant 0 : i32
    %dma_wait3A_76 = arith.constant 0 : i32
    %dma_wait3A_77 = tpu.memref_slice %arg4[%dma_wait3A_75, %dma_wait3A_76] : memref<1000000x64xf32, #tpu.memory_space<hbm>> -> memref<64x64xf32, #tpu.memory_space<hbm>>
    tpu.wait_dma2 semaphore(%arg15 : memref<!tpu.dma_semaphore, #tpu.memory_space<semaphore_mem>>) src(%dma_wait3A_77 : memref<64x64xf32, #tpu.memory_space<hbm>>) dst(%dma_wait3A_74 : memref<64x64xf32, #tpu.memory_space<vmem>>)
    %dma_wait3A_78 = arith.constant 0 : i32
    %dma_wait3A_79 = arith.constant 0 : i32
    %dma_wait3A_80 = tpu.memref_slice %arg9[%dma_wait3A_78, %dma_wait3A_79] : memref<512x64xf32, #tpu.memory_space<vmem>> -> memref<64x64xf32, #tpu.memory_space<vmem>>
    %dma_wait3A_81 = arith.constant 0 : i32
    %dma_wait3A_82 = arith.constant 0 : i32
    %dma_wait3A_83 = tpu.memref_slice %arg4[%dma_wait3A_81, %dma_wait3A_82] : memref<1000000x64xf32, #tpu.memory_space<hbm>> -> memref<64x64xf32, #tpu.memory_space<hbm>>
    %dma_wait3A_84 = arith.constant 0 : i32
    %dma_wait3A_85 = arith.constant 0 : i32
    %dma_wait3A_86 = tpu.memref_slice %arg9[%dma_wait3A_84, %dma_wait3A_85] : memref<512x64xf32, #tpu.memory_space<vmem>> -> memref<64x64xf32, #tpu.memory_space<vmem>>
    %dma_wait3A_87 = arith.constant 0 : i32
    %dma_wait3A_88 = arith.constant 0 : i32
    %dma_wait3A_89 = tpu.memref_slice %arg4[%dma_wait3A_87, %dma_wait3A_88] : memref<1000000x64xf32, #tpu.memory_space<hbm>> -> memref<64x64xf32, #tpu.memory_space<hbm>>
    tpu.wait_dma2 semaphore(%arg16 : memref<!tpu.dma_semaphore, #tpu.memory_space<semaphore_mem>>) src(%dma_wait3A_89 : memref<64x64xf32, #tpu.memory_space<hbm>>) dst(%dma_wait3A_86 : memref<64x64xf32, #tpu.memory_space<vmem>>)
    %dma_wait3A_90 = arith.constant 0 : i32
    %dma_wait3A_91 = arith.constant 0 : i32
    %dma_wait3A_92 = tpu.memref_slice %arg9[%dma_wait3A_90, %dma_wait3A_91] : memref<512x64xf32, #tpu.memory_space<vmem>> -> memref<64x64xf32, #tpu.memory_space<vmem>>
    %dma_wait3A_93 = arith.constant 0 : i32
    %dma_wait3A_94 = arith.constant 0 : i32
    %dma_wait3A_95 = tpu.memref_slice %arg4[%dma_wait3A_93, %dma_wait3A_94] : memref<1000000x64xf32, #tpu.memory_space<hbm>> -> memref<64x64xf32, #tpu.memory_space<hbm>>
    %dma_wait3A_96 = arith.constant 0 : i32
    %dma_wait3A_97 = arith.constant 0 : i32
    %dma_wait3A_98 = tpu.memref_slice %arg9[%dma_wait3A_96, %dma_wait3A_97] : memref<512x64xf32, #tpu.memory_space<vmem>> -> memref<64x64xf32, #tpu.memory_space<vmem>>
    %dma_wait3A_99 = arith.constant 0 : i32
    %dma_wait3A_100 = arith.constant 0 : i32
    %dma_wait3A_101 = tpu.memref_slice %arg4[%dma_wait3A_99, %dma_wait3A_100] : memref<1000000x64xf32, #tpu.memory_space<hbm>> -> memref<64x64xf32, #tpu.memory_space<hbm>>
    tpu.wait_dma2 semaphore(%arg17 : memref<!tpu.dma_semaphore, #tpu.memory_space<semaphore_mem>>) src(%dma_wait3A_101 : memref<64x64xf32, #tpu.memory_space<hbm>>) dst(%dma_wait3A_98 : memref<64x64xf32, #tpu.memory_space<vmem>>)
    %scan3A_102 = arith.constant 0 : i32
    %scan3A_103 = arith.constant 128 : i32
    %scan3A_104 = arith.addi %scan3A_102, %scan3A_103 : i32
    %scan3A_105 = arith.constant 1 : i32
    scf.for %scan3A_214 = %scan3A_102 to %scan3A_104 step %scan3A_105  : i32 {
      %mul3A_215 = arith.constant 4 : i32
      %mul3A_216 = arith.muli %scan3A_214, %mul3A_215 : i32
      %add3A_217 = arith.constant 0 : i32
      %add3A_218 = arith.addi %mul3A_216, %add3A_217 : i32
      %get3A = arith.index_cast %add3A_218 : i32 to index
      %get3A_219 = arith.constant 0 : index
      %get3A_220 = tpu.vector_load %arg9[%get3A, %get3A_219] {strides = array<i32>} : memref<512x64xf32, #tpu.memory_space<vmem>>, vector<1x16xf32>,
      %get3A_221 = vector.shape_cast %get3A_220 : vector<1x16xf32> to vector<16xf32>
      %get3A_222 = arith.index_cast %add3A_218 : i32 to index
      %get3A_223 = arith.constant 16 : index
      %get3A_224 = tpu.vector_load %arg9[%get3A_222, %get3A_223] {strides = array<i32>} : memref<512x64xf32, #tpu.memory_space<vmem>>, vector<1x16xf32>,
      %get3A_225 = vector.shape_cast %get3A_224 : vector<1x16xf32> to vector<16xf32>
      %get3A_226 = arith.index_cast %add3A_218 : i32 to index
      %get3A_227 = arith.constant 32 : index
      %get3A_228 = tpu.vector_load %arg9[%get3A_226, %get3A_227] {strides = array<i32>} : memref<512x64xf32, #tpu.memory_space<vmem>>, vector<1x16xf32>,
      %get3A_229 = vector.shape_cast %get3A_228 : vector<1x16xf32> to vector<16xf32>
      %get3A_230 = arith.index_cast %add3A_218 : i32 to index
      %get3A_231 = arith.constant 48 : index
      %get3A_232 = tpu.vector_load %arg9[%get3A_230, %get3A_231] {strides = array<i32>} : memref<512x64xf32, #tpu.memory_space<vmem>>, vector<1x16xf32>,
      %get3A_233 = vector.shape_cast %get3A_232 : vector<1x16xf32> to vector<16xf32>
      %mul3A_234 = arith.mulf %get3A_221, %get3A_221 : vector<16xf32>
      %mul3A_235 = arith.mulf %get3A_225, %get3A_225 : vector<16xf32>
      %add3A_236 = arith.addf %mul3A_234, %mul3A_235 : vector<16xf32>
      %mul3A_237 = arith.mulf %get3A_229, %get3A_229 : vector<16xf32>
      %add3A_238 = arith.addf %add3A_236, %mul3A_237 : vector<16xf32>
      %mul3A_239 = arith.mulf %get3A_233, %get3A_233 : vector<16xf32>
      %add3A_240 = arith.addf %add3A_238, %mul3A_239 : vector<16xf32>
      %xor3A = arith.constant 1 : i32
      %xor3A_241 = vector.broadcast %xor3A : i32 to vector<16xi32>
      %xor3A_242 = arith.xori %iota3A, %xor3A_241 : vector<16xi32>
      %broadcast_in_dim3A = vector.shape_cast %xor3A_242 : vector<16xi32> to vector<16x1xi32>
      %gather3A = vector.shape_cast %broadcast_in_dim3A : vector<16x1xi32> to vector<16xi32>
      %gather3A_243 = tpu.dynamic_gather %add3A_240[%gather3A] in [0] : vector<16xf32>, vector<16xi32> -> vector<16xf32>
      %add3A_244 = arith.addf %add3A_240, %gather3A_243 : vector<16xf32>
      %xor3A_245 = arith.constant 2 : i32
      %xor3A_246 = vector.broadcast %xor3A_245 : i32 to vector<16xi32>
      %xor3A_247 = arith.xori %iota3A, %xor3A_246 : vector<16xi32>
      %broadcast_in_dim3A_248 = vector.shape_cast %xor3A_247 : vector<16xi32> to vector<16x1xi32>
      %gather3A_249 = vector.shape_cast %broadcast_in_dim3A_248 : vector<16x1xi32> to vector<16xi32>
      %gather3A_250 = tpu.dynamic_gather %add3A_244[%gather3A_249] in [0] : vector<16xf32>, vector<16xi32> -> vector<16xf32>
      %add3A_251 = arith.addf %add3A_244, %gather3A_250 : vector<16xf32>
      %xor3A_252 = arith.constant 4 : i32
      %xor3A_253 = vector.broadcast %xor3A_252 : i32 to vector<16xi32>
      %xor3A_254 = arith.xori %iota3A, %xor3A_253 : vector<16xi32>
      %broadcast_in_dim3A_255 = vector.shape_cast %xor3A_254 : vector<16xi32> to vector<16x1xi32>
      %gather3A_256 = vector.shape_cast %broadcast_in_dim3A_255 : vector<16x1xi32> to vector<16xi32>
      %gather3A_257 = tpu.dynamic_gather %add3A_251[%gather3A_256] in [0] : vector<16xf32>, vector<16xi32> -> vector<16xf32>
      %add3A_258 = arith.addf %add3A_251, %gather3A_257 : vector<16xf32>
      %xor3A_259 = arith.constant 8 : i32
      %xor3A_260 = vector.broadcast %xor3A_259 : i32 to vector<16xi32>
      %xor3A_261 = arith.xori %iota3A, %xor3A_260 : vector<16xi32>
      %broadcast_in_dim3A_262 = vector.shape_cast %xor3A_261 : vector<16xi32> to vector<16x1xi32>
      %gather3A_263 = vector.shape_cast %broadcast_in_dim3A_262 : vector<16x1xi32> to vector<16xi32>
      %gather3A_264 = tpu.dynamic_gather %add3A_258[%gather3A_263] in [0] : vector<16xf32>, vector<16xi32> -> vector<16xf32>
      %add3A_265 = arith.addf %add3A_258, %gather3A_264 : vector<16xf32>
      %max3A = arith.constant 1.000000e-24 : f32
      %max3A_266 = vector.broadcast %max3A : f32 to vector<16xf32>
      %max3A_267 = arith.maximumf %add3A_265, %max3A_266 : vector<16xf32>
      %bitcast_convert_type3A = tpu.bitcast %max3A_267 : vector<16xf32> -> vector<16xi32>
      %shift_right_logical3A = arith.constant 1 : i32
      %shift_right_logical3A_268 = vector.broadcast %shift_right_logical3A : i32 to vector<16xi32>
      %shift_right_logical3A_269 = arith.shrui %bitcast_convert_type3A, %shift_right_logical3A_268 : vector<16xi32>
      %sub3A = arith.constant 1597463007 : i32
      %sub3A_270 = vector.broadcast %sub3A : i32 to vector<16xi32>
      %sub3A_271 = arith.subi %sub3A_270, %shift_right_logical3A_269 : vector<16xi32>
      %bitcast_convert_type3A_272 = tpu.bitcast %sub3A_271 : vector<16xi32> -> vector<16xf32>
      %mul3A_273 = arith.constant 5.000000e-01 : f32
      %mul3A_274 = vector.broadcast %mul3A_273 : f32 to vector<16xf32>
      %mul3A_275 = arith.mulf %mul3A_274, %max3A_267 : vector<16xf32>
      %mul3A_276 = arith.mulf %mul3A_275, %bitcast_convert_type3A_272 : vector<16xf32>
      %mul3A_277 = arith.mulf %mul3A_276, %bitcast_convert_type3A_272 : vector<16xf32>
      %sub3A_278 = arith.constant 1.500000e+00 : f32
      %sub3A_279 = vector.broadcast %sub3A_278 : f32 to vector<16xf32>
      %sub3A_280 = arith.subf %sub3A_279, %mul3A_277 : vector<16xf32>
      %mul3A_281 = arith.mulf %bitcast_convert_type3A_272, %sub3A_280 : vector<16xf32>
      %mul3A_282 = arith.constant 5.000000e-01 : f32
      %mul3A_283 = vector.broadcast %mul3A_282 : f32 to vector<16xf32>
      %mul3A_284 = arith.mulf %mul3A_283, %max3A_267 : vector<16xf32>
      %mul3A_285 = arith.mulf %mul3A_284, %mul3A_281 : vector<16xf32>
      %mul3A_286 = arith.mulf %mul3A_285, %mul3A_281 : vector<16xf32>
      %sub3A_287 = arith.constant 1.500000e+00 : f32
      %sub3A_288 = vector.broadcast %sub3A_287 : f32 to vector<16xf32>
      %sub3A_289 = arith.subf %sub3A_288, %mul3A_286 : vector<16xf32>
      %mul3A_290 = arith.mulf %mul3A_281, %sub3A_289 : vector<16xf32>
      %mul3A_291 = arith.mulf %get3A_221, %mul3A_290 : vector<16xf32>
      %swap3A = arith.index_cast %add3A_218 : i32 to index
      %swap3A_292 = arith.constant 0 : index
      %swap3A_293 = tpu.vector_load %arg9[%swap3A, %swap3A_292] {strides = array<i32>} : memref<512x64xf32, #tpu.memory_space<vmem>>, vector<1x16xf32>,
      %swap3A_294 = vector.shape_cast %swap3A_293 : vector<1x16xf32> to vector<16xf32>
      %swap3A_295 = vector.shape_cast %mul3A_291 : vector<16xf32> to vector<1x16xf32>
      tpu.vector_store %arg9[%swap3A, %swap3A_292], %swap3A_295 {strides = array<i32>} : memref<512x64xf32, #tpu.memory_space<vmem>>, vector<1x16xf32>,
      %mul3A_296 = arith.mulf %get3A_225, %mul3A_290 : vector<16xf32>
      %swap3A_297 = arith.index_cast %add3A_218 : i32 to index
      %swap3A_298 = arith.constant 16 : index
      %swap3A_299 = tpu.vector_load %arg9[%swap3A_297, %swap3A_298] {strides = array<i32>} : memref<512x64xf32, #tpu.memory_space<vmem>>, vector<1x16xf32>,
      %swap3A_300 = vector.shape_cast %swap3A_299 : vector<1x16xf32> to vector<16xf32>
      %swap3A_301 = vector.shape_cast %mul3A_296 : vector<16xf32> to vector<1x16xf32>
      tpu.vector_store %arg9[%swap3A_297, %swap3A_298], %swap3A_301 {strides = array<i32>} : memref<512x64xf32, #tpu.memory_space<vmem>>, vector<1x16xf32>,
      %mul3A_302 = arith.mulf %get3A_229, %mul3A_290 : vector<16xf32>
      %swap3A_303 = arith.index_cast %add3A_218 : i32 to index
      %swap3A_304 = arith.constant 32 : index
      %swap3A_305 = tpu.vector_load %arg9[%swap3A_303, %swap3A_304] {strides = array<i32>} : memref<512x64xf32, #tpu.memory_space<vmem>>, vector<1x16xf32>,
      %swap3A_306 = vector.shape_cast %swap3A_305 : vector<1x16xf32> to vector<16xf32>
      %swap3A_307 = vector.shape_cast %mul3A_302 : vector<16xf32> to vector<1x16xf32>
      tpu.vector_store %arg9[%swap3A_303, %swap3A_304], %swap3A_307 {strides = array<i32>} : memref<512x64xf32, #tpu.memory_space<vmem>>, vector<1x16xf32>,
      %mul3A_308 = arith.mulf %get3A_233, %mul3A_290 : vector<16xf32>
      %swap3A_309 = arith.index_cast %add3A_218 : i32 to index
      %swap3A_310 = arith.constant 48 : index
      %swap3A_311 = tpu.vector_load %arg9[%swap3A_309, %swap3A_310] {strides = array<i32>} : memref<512x64xf32, #tpu.memory_space<vmem>>, vector<1x16xf32>,
      %swap3A_312 = vector.shape_cast %swap3A_311 : vector<1x16xf32> to vector<16xf32>
      %swap3A_313 = vector.shape_cast %mul3A_308 : vector<16xf32> to vector<1x16xf32>
      tpu.vector_store %arg9[%swap3A_309, %swap3A_310], %swap3A_313 {strides = array<i32>} : memref<512x64xf32, #tpu.memory_space<vmem>>, vector<1x16xf32>,
      %mul3A_314 = arith.constant 4 : i32
      %mul3A_315 = arith.muli %scan3A_214, %mul3A_314 : i32
      %add3A_316 = arith.constant 1 : i32
      %add3A_317 = arith.addi %mul3A_315, %add3A_316 : i32
      %get3A_318 = arith.index_cast %add3A_317 : i32 to index
      %get3A_319 = arith.constant 0 : index
      %get3A_320 = tpu.vector_load %arg9[%get3A_318, %get3A_319] {strides = array<i32>} : memref<512x64xf32, #tpu.memory_space<vmem>>, vector<1x16xf32>,
      %get3A_321 = vector.shape_cast %get3A_320 : vector<1x16xf32> to vector<16xf32>
      %get3A_322 = arith.index_cast %add3A_317 : i32 to index
      %get3A_323 = arith.constant 16 : index
      %get3A_324 = tpu.vector_load %arg9[%get3A_322, %get3A_323] {strides = array<i32>} : memref<512x64xf32, #tpu.memory_space<vmem>>, vector<1x16xf32>,
      %get3A_325 = vector.shape_cast %get3A_324 : vector<1x16xf32> to vector<16xf32>
      %get3A_326 = arith.index_cast %add3A_317 : i32 to index
      %get3A_327 = arith.constant 32 : index
      %get3A_328 = tpu.vector_load %arg9[%get3A_326, %get3A_327] {strides = array<i32>} : memref<512x64xf32, #tpu.memory_space<vmem>>, vector<1x16xf32>,
      %get3A_329 = vector.shape_cast %get3A_328 : vector<1x16xf32> to vector<16xf32>
      %get3A_330 = arith.index_cast %add3A_317 : i32 to index
      %get3A_331 = arith.constant 48 : index
      %get3A_332 = tpu.vector_load %arg9[%get3A_330, %get3A_331] {strides = array<i32>} : memref<512x64xf32, #tpu.memory_space<vmem>>, vector<1x16xf32>,
      %get3A_333 = vector.shape_cast %get3A_332 : vector<1x16xf32> to vector<16xf32>
      %mul3A_334 = arith.mulf %get3A_321, %get3A_321 : vector<16xf32>
      %mul3A_335 = arith.mulf %get3A_325, %get3A_325 : vector<16xf32>
      %add3A_336 = arith.addf %mul3A_334, %mul3A_335 : vector<16xf32>
      %mul3A_337 = arith.mulf %get3A_329, %get3A_329 : vector<16xf32>
      %add3A_338 = arith.addf %add3A_336, %mul3A_337 : vector<16xf32>
      %mul3A_339 = arith.mulf %get3A_333, %get3A_333 : vector<16xf32>
      %add3A_340 = arith.addf %add3A_338, %mul3A_339 : vector<16xf32>
      %xor3A_341 = arith.constant 1 : i32
      %xor3A_342 = vector.broadcast %xor3A_341 : i32 to vector<16xi32>
      %xor3A_343 = arith.xori %iota3A, %xor3A_342 : vector<16xi32>
      %broadcast_in_dim3A_344 = vector.shape_cast %xor3A_343 : vector<16xi32> to vector<16x1xi32>
      %gather3A_345 = vector.shape_cast %broadcast_in_dim3A_344 : vector<16x1xi32> to vector<16xi32>
      %gather3A_346 = tpu.dynamic_gather %add3A_340[%gather3A_345] in [0] : vector<16xf32>, vector<16xi32> -> vector<16xf32>
      %add3A_347 = arith.addf %add3A_340, %gather3A_346 : vector<16xf32>
      %xor3A_348 = arith.constant 2 : i32
      %xor3A_349 = vector.broadcast %xor3A_348 : i32 to vector<16xi32>
      %xor3A_350 = arith.xori %iota3A, %xor3A_349 : vector<16xi32>
      %broadcast_in_dim3A_351 = vector.shape_cast %xor3A_350 : vector<16xi32> to vector<16x1xi32>
      %gather3A_352 = vector.shape_cast %broadcast_in_dim3A_351 : vector<16x1xi32> to vector<16xi32>
      %gather3A_353 = tpu.dynamic_gather %add3A_347[%gather3A_352] in [0] : vector<16xf32>, vector<16xi32> -> vector<16xf32>
      %add3A_354 = arith.addf %add3A_347, %gather3A_353 : vector<16xf32>
      %xor3A_355 = arith.constant 4 : i32
      %xor3A_356 = vector.broadcast %xor3A_355 : i32 to vector<16xi32>
      %xor3A_357 = arith.xori %iota3A, %xor3A_356 : vector<16xi32>
      %broadcast_in_dim3A_358 = vector.shape_cast %xor3A_357 : vector<16xi32> to vector<16x1xi32>
      %gather3A_359 = vector.shape_cast %broadcast_in_dim3A_358 : vector<16x1xi32> to vector<16xi32>
      %gather3A_360 = tpu.dynamic_gather %add3A_354[%gather3A_359] in [0] : vector<16xf32>, vector<16xi32> -> vector<16xf32>
      %add3A_361 = arith.addf %add3A_354, %gather3A_360 : vector<16xf32>
      %xor3A_362 = arith.constant 8 : i32
      %xor3A_363 = vector.broadcast %xor3A_362 : i32 to vector<16xi32>
      %xor3A_364 = arith.xori %iota3A, %xor3A_363 : vector<16xi32>
      %broadcast_in_dim3A_365 = vector.shape_cast %xor3A_364 : vector<16xi32> to vector<16x1xi32>
      %gather3A_366 = vector.shape_cast %broadcast_in_dim3A_365 : vector<16x1xi32> to vector<16xi32>
      %gather3A_367 = tpu.dynamic_gather %add3A_361[%gather3A_366] in [0] : vector<16xf32>, vector<16xi32> -> vector<16xf32>
      %add3A_368 = arith.addf %add3A_361, %gather3A_367 : vector<16xf32>
      %max3A_369 = arith.constant 1.000000e-24 : f32
      %max3A_370 = vector.broadcast %max3A_369 : f32 to vector<16xf32>
      %max3A_371 = arith.maximumf %add3A_368, %max3A_370 : vector<16xf32>
      %bitcast_convert_type3A_372 = tpu.bitcast %max3A_371 : vector<16xf32> -> vector<16xi32>
      %shift_right_logical3A_373 = arith.constant 1 : i32
      %shift_right_logical3A_374 = vector.broadcast %shift_right_logical3A_373 : i32 to vector<16xi32>
      %shift_right_logical3A_375 = arith.shrui %bitcast_convert_type3A_372, %shift_right_logical3A_374 : vector<16xi32>
      %sub3A_376 = arith.constant 1597463007 : i32
      %sub3A_377 = vector.broadcast %sub3A_376 : i32 to vector<16xi32>
      %sub3A_378 = arith.subi %sub3A_377, %shift_right_logical3A_375 : vector<16xi32>
      %bitcast_convert_type3A_379 = tpu.bitcast %sub3A_378 : vector<16xi32> -> vector<16xf32>
      %mul3A_380 = arith.constant 5.000000e-01 : f32
      %mul3A_381 = vector.broadcast %mul3A_380 : f32 to vector<16xf32>
      %mul3A_382 = arith.mulf %mul3A_381, %max3A_371 : vector<16xf32>
      %mul3A_383 = arith.mulf %mul3A_382, %bitcast_convert_type3A_379 : vector<16xf32>
      %mul3A_384 = arith.mulf %mul3A_383, %bitcast_convert_type3A_379 : vector<16xf32>
      %sub3A_385 = arith.constant 1.500000e+00 : f32
      %sub3A_386 = vector.broadcast %sub3A_385 : f32 to vector<16xf32>
      %sub3A_387 = arith.subf %sub3A_386, %mul3A_384 : vector<16xf32>
      %mul3A_388 = arith.mulf %bitcast_convert_type3A_379, %sub3A_387 : vector<16xf32>
      %mul3A_389 = arith.constant 5.000000e-01 : f32
      %mul3A_390 = vector.broadcast %mul3A_389 : f32 to vector<16xf32>
      %mul3A_391 = arith.mulf %mul3A_390, %max3A_371 : vector<16xf32>
      %mul3A_392 = arith.mulf %mul3A_391, %mul3A_388 : vector<16xf32>
      %mul3A_393 = arith.mulf %mul3A_392, %mul3A_388 : vector<16xf32>
      %sub3A_394 = arith.constant 1.500000e+00 : f32
      %sub3A_395 = vector.broadcast %sub3A_394 : f32 to vector<16xf32>
      %sub3A_396 = arith.subf %sub3A_395, %mul3A_393 : vector<16xf32>
      %mul3A_397 = arith.mulf %mul3A_388, %sub3A_396 : vector<16xf32>
      %mul3A_398 = arith.mulf %get3A_321, %mul3A_397 : vector<16xf32>
      %swap3A_399 = arith.index_cast %add3A_317 : i32 to index
      %swap3A_400 = arith.constant 0 : index
      %swap3A_401 = tpu.vector_load %arg9[%swap3A_399, %swap3A_400] {strides = array<i32>} : memref<512x64xf32, #tpu.memory_space<vmem>>, vector<1x16xf32>,
      %swap3A_402 = vector.shape_cast %swap3A_401 : vector<1x16xf32> to vector<16xf32>
      %swap3A_403 = vector.shape_cast %mul3A_398 : vector<16xf32> to vector<1x16xf32>
      tpu.vector_store %arg9[%swap3A_399, %swap3A_400], %swap3A_403 {strides = array<i32>} : memref<512x64xf32, #tpu.memory_space<vmem>>, vector<1x16xf32>,
      %mul3A_404 = arith.mulf %get3A_325, %mul3A_397 : vector<16xf32>
      %swap3A_405 = arith.index_cast %add3A_317 : i32 to index
      %swap3A_406 = arith.constant 16 : index
      %swap3A_407 = tpu.vector_load %arg9[%swap3A_405, %swap3A_406] {strides = array<i32>} : memref<512x64xf32, #tpu.memory_space<vmem>>, vector<1x16xf32>,
      %swap3A_408 = vector.shape_cast %swap3A_407 : vector<1x16xf32> to vector<16xf32>
      %swap3A_409 = vector.shape_cast %mul3A_404 : vector<16xf32> to vector<1x16xf32>
      tpu.vector_store %arg9[%swap3A_405, %swap3A_406], %swap3A_409 {strides = array<i32>} : memref<512x64xf32, #tpu.memory_space<vmem>>, vector<1x16xf32>,
      %mul3A_410 = arith.mulf %get3A_329, %mul3A_397 : vector<16xf32>
      %swap3A_411 = arith.index_cast %add3A_317 : i32 to index
      %swap3A_412 = arith.constant 32 : index
      %swap3A_413 = tpu.vector_load %arg9[%swap3A_411, %swap3A_412] {strides = array<i32>} : memref<512x64xf32, #tpu.memory_space<vmem>>, vector<1x16xf32>,
      %swap3A_414 = vector.shape_cast %swap3A_413 : vector<1x16xf32> to vector<16xf32>
      %swap3A_415 = vector.shape_cast %mul3A_410 : vector<16xf32> to vector<1x16xf32>
      tpu.vector_store %arg9[%swap3A_411, %swap3A_412], %swap3A_415 {strides = array<i32>} : memref<512x64xf32, #tpu.memory_space<vmem>>, vector<1x16xf32>,
      %mul3A_416 = arith.mulf %get3A_333, %mul3A_397 : vector<16xf32>
      %swap3A_417 = arith.index_cast %add3A_317 : i32 to index
      %swap3A_418 = arith.constant 48 : index
      %swap3A_419 = tpu.vector_load %arg9[%swap3A_417, %swap3A_418] {strides = array<i32>} : memref<512x64xf32, #tpu.memory_space<vmem>>, vector<1x16xf32>,
      %swap3A_420 = vector.shape_cast %swap3A_419 : vector<1x16xf32> to vector<16xf32>
      %swap3A_421 = vector.shape_cast %mul3A_416 : vector<16xf32> to vector<1x16xf32>
      tpu.vector_store %arg9[%swap3A_417, %swap3A_418], %swap3A_421 {strides = array<i32>} : memref<512x64xf32, #tpu.memory_space<vmem>>, vector<1x16xf32>,
      %mul3A_422 = arith.constant 4 : i32
      %mul3A_423 = arith.muli %scan3A_214, %mul3A_422 : i32
      %add3A_424 = arith.constant 2 : i32
      %add3A_425 = arith.addi %mul3A_423, %add3A_424 : i32
      %get3A_426 = arith.index_cast %add3A_425 : i32 to index
      %get3A_427 = arith.constant 0 : index
      %get3A_428 = tpu.vector_load %arg9[%get3A_426, %get3A_427] {strides = array<i32>} : memref<512x64xf32, #tpu.memory_space<vmem>>, vector<1x16xf32>,
      %get3A_429 = vector.shape_cast %get3A_428 : vector<1x16xf32> to vector<16xf32>
      %get3A_430 = arith.index_cast %add3A_425 : i32 to index
      %get3A_431 = arith.constant 16 : index
      %get3A_432 = tpu.vector_load %arg9[%get3A_430, %get3A_431] {strides = array<i32>} : memref<512x64xf32, #tpu.memory_space<vmem>>, vector<1x16xf32>,
      %get3A_433 = vector.shape_cast %get3A_432 : vector<1x16xf32> to vector<16xf32>
      %get3A_434 = arith.index_cast %add3A_425 : i32 to index
      %get3A_435 = arith.constant 32 : index
      %get3A_436 = tpu.vector_load %arg9[%get3A_434, %get3A_435] {strides = array<i32>} : memref<512x64xf32, #tpu.memory_space<vmem>>, vector<1x16xf32>,
      %get3A_437 = vector.shape_cast %get3A_436 : vector<1x16xf32> to vector<16xf32>
      %get3A_438 = arith.index_cast %add3A_425 : i32 to index
      %get3A_439 = arith.constant 48 : index
      %get3A_440 = tpu.vector_load %arg9[%get3A_438, %get3A_439] {strides = array<i32>} : memref<512x64xf32, #tpu.memory_space<vmem>>, vector<1x16xf32>,
      %get3A_441 = vector.shape_cast %get3A_440 : vector<1x16xf32> to vector<16xf32>
      %mul3A_442 = arith.mulf %get3A_429, %get3A_429 : vector<16xf32>
      %mul3A_443 = arith.mulf %get3A_433, %get3A_433 : vector<16xf32>
      %add3A_444 = arith.addf %mul3A_442, %mul3A_443 : vector<16xf32>
      %mul3A_445 = arith.mulf %get3A_437, %get3A_437 : vector<16xf32>
      %add3A_446 = arith.addf %add3A_444, %mul3A_445 : vector<16xf32>
      %mul3A_447 = arith.mulf %get3A_441, %get3A_441 : vector<16xf32>
      %add3A_448 = arith.addf %add3A_446, %mul3A_447 : vector<16xf32>
      %xor3A_449 = arith.constant 1 : i32
      %xor3A_450 = vector.broadcast %xor3A_449 : i32 to vector<16xi32>
      %xor3A_451 = arith.xori %iota3A, %xor3A_450 : vector<16xi32>
      %broadcast_in_dim3A_452 = vector.shape_cast %xor3A_451 : vector<16xi32> to vector<16x1xi32>
      %gather3A_453 = vector.shape_cast %broadcast_in_dim3A_452 : vector<16x1xi32> to vector<16xi32>
      %gather3A_454 = tpu.dynamic_gather %add3A_448[%gather3A_453] in [0] : vector<16xf32>, vector<16xi32> -> vector<16xf32>
      %add3A_455 = arith.addf %add3A_448, %gather3A_454 : vector<16xf32>
      %xor3A_456 = arith.constant 2 : i32
      %xor3A_457 = vector.broadcast %xor3A_456 : i32 to vector<16xi32>
      %xor3A_458 = arith.xori %iota3A, %xor3A_457 : vector<16xi32>
      %broadcast_in_dim3A_459 = vector.shape_cast %xor3A_458 : vector<16xi32> to vector<16x1xi32>
      %gather3A_460 = vector.shape_cast %broadcast_in_dim3A_459 : vector<16x1xi32> to vector<16xi32>
      %gather3A_461 = tpu.dynamic_gather %add3A_455[%gather3A_460] in [0] : vector<16xf32>, vector<16xi32> -> vector<16xf32>
      %add3A_462 = arith.addf %add3A_455, %gather3A_461 : vector<16xf32>
      %xor3A_463 = arith.constant 4 : i32
      %xor3A_464 = vector.broadcast %xor3A_463 : i32 to vector<16xi32>
      %xor3A_465 = arith.xori %iota3A, %xor3A_464 : vector<16xi32>
      %broadcast_in_dim3A_466 = vector.shape_cast %xor3A_465 : vector<16xi32> to vector<16x1xi32>
      %gather3A_467 = vector.shape_cast %broadcast_in_dim3A_466 : vector<16x1xi32> to vector<16xi32>
      %gather3A_468 = tpu.dynamic_gather %add3A_462[%gather3A_467] in [0] : vector<16xf32>, vector<16xi32> -> vector<16xf32>
      %add3A_469 = arith.addf %add3A_462, %gather3A_468 : vector<16xf32>
      %xor3A_470 = arith.constant 8 : i32
      %xor3A_471 = vector.broadcast %xor3A_470 : i32 to vector<16xi32>
      %xor3A_472 = arith.xori %iota3A, %xor3A_471 : vector<16xi32>
      %broadcast_in_dim3A_473 = vector.shape_cast %xor3A_472 : vector<16xi32> to vector<16x1xi32>
      %gather3A_474 = vector.shape_cast %broadcast_in_dim3A_473 : vector<16x1xi32> to vector<16xi32>
      %gather3A_475 = tpu.dynamic_gather %add3A_469[%gather3A_474] in [0] : vector<16xf32>, vector<16xi32> -> vector<16xf32>
      %add3A_476 = arith.addf %add3A_469, %gather3A_475 : vector<16xf32>
      %max3A_477 = arith.constant 1.000000e-24 : f32
      %max3A_478 = vector.broadcast %max3A_477 : f32 to vector<16xf32>
      %max3A_479 = arith.maximumf %add3A_476, %max3A_478 : vector<16xf32>
      %bitcast_convert_type3A_480 = tpu.bitcast %max3A_479 : vector<16xf32> -> vector<16xi32>
      %shift_right_logical3A_481 = arith.constant 1 : i32
      %shift_right_logical3A_482 = vector.broadcast %shift_right_logical3A_481 : i32 to vector<16xi32>
      %shift_right_logical3A_483 = arith.shrui %bitcast_convert_type3A_480, %shift_right_logical3A_482 : vector<16xi32>
      %sub3A_484 = arith.constant 1597463007 : i32
      %sub3A_485 = vector.broadcast %sub3A_484 : i32 to vector<16xi32>
      %sub3A_486 = arith.subi %sub3A_485, %shift_right_logical3A_483 : vector<16xi32>
      %bitcast_convert_type3A_487 = tpu.bitcast %sub3A_486 : vector<16xi32> -> vector<16xf32>
      %mul3A_488 = arith.constant 5.000000e-01 : f32
      %mul3A_489 = vector.broadcast %mul3A_488 : f32 to vector<16xf32>
      %mul3A_490 = arith.mulf %mul3A_489, %max3A_479 : vector<16xf32>
      %mul3A_491 = arith.mulf %mul3A_490, %bitcast_convert_type3A_487 : vector<16xf32>
      %mul3A_492 = arith.mulf %mul3A_491, %bitcast_convert_type3A_487 : vector<16xf32>
      %sub3A_493 = arith.constant 1.500000e+00 : f32
      %sub3A_494 = vector.broadcast %sub3A_493 : f32 to vector<16xf32>
      %sub3A_495 = arith.subf %sub3A_494, %mul3A_492 : vector<16xf32>
      %mul3A_496 = arith.mulf %bitcast_convert_type3A_487, %sub3A_495 : vector<16xf32>
      %mul3A_497 = arith.constant 5.000000e-01 : f32
      %mul3A_498 = vector.broadcast %mul3A_497 : f32 to vector<16xf32>
      %mul3A_499 = arith.mulf %mul3A_498, %max3A_479 : vector<16xf32>
      %mul3A_500 = arith.mulf %mul3A_499, %mul3A_496 : vector<16xf32>
      %mul3A_501 = arith.mulf %mul3A_500, %mul3A_496 : vector<16xf32>
      %sub3A_502 = arith.constant 1.500000e+00 : f32
      %sub3A_503 = vector.broadcast %sub3A_502 : f32 to vector<16xf32>
      %sub3A_504 = arith.subf %sub3A_503, %mul3A_501 : vector<16xf32>
      %mul3A_505 = arith.mulf %mul3A_496, %sub3A_504 : vector<16xf32>
      %mul3A_506 = arith.mulf %get3A_429, %mul3A_505 : vector<16xf32>
      %swap3A_507 = arith.index_cast %add3A_425 : i32 to index
      %swap3A_508 = arith.constant 0 : index
      %swap3A_509 = tpu.vector_load %arg9[%swap3A_507, %swap3A_508] {strides = array<i32>} : memref<512x64xf32, #tpu.memory_space<vmem>>, vector<1x16xf32>,
      %swap3A_510 = vector.shape_cast %swap3A_509 : vector<1x16xf32> to vector<16xf32>
      %swap3A_511 = vector.shape_cast %mul3A_506 : vector<16xf32> to vector<1x16xf32>
      tpu.vector_store %arg9[%swap3A_507, %swap3A_508], %swap3A_511 {strides = array<i32>} : memref<512x64xf32, #tpu.memory_space<vmem>>, vector<1x16xf32>,
      %mul3A_512 = arith.mulf %get3A_433, %mul3A_505 : vector<16xf32>
      %swap3A_513 = arith.index_cast %add3A_425 : i32 to index
      %swap3A_514 = arith.constant 16 : index
      %swap3A_515 = tpu.vector_load %arg9[%swap3A_513, %swap3A_514] {strides = array<i32>} : memref<512x64xf32, #tpu.memory_space<vmem>>, vector<1x16xf32>,
      %swap3A_516 = vector.shape_cast %swap3A_515 : vector<1x16xf32> to vector<16xf32>
      %swap3A_517 = vector.shape_cast %mul3A_512 : vector<16xf32> to vector<1x16xf32>
      tpu.vector_store %arg9[%swap3A_513, %swap3A_514], %swap3A_517 {strides = array<i32>} : memref<512x64xf32, #tpu.memory_space<vmem>>, vector<1x16xf32>,
      %mul3A_518 = arith.mulf %get3A_437, %mul3A_505 : vector<16xf32>
      %swap3A_519 = arith.index_cast %add3A_425 : i32 to index
      %swap3A_520 = arith.constant 32 : index
      %swap3A_521 = tpu.vector_load %arg9[%swap3A_519, %swap3A_520] {strides = array<i32>} : memref<512x64xf32, #tpu.memory_space<vmem>>, vector<1x16xf32>,
      %swap3A_522 = vector.shape_cast %swap3A_521 : vector<1x16xf32> to vector<16xf32>
      %swap3A_523 = vector.shape_cast %mul3A_518 : vector<16xf32> to vector<1x16xf32>
      tpu.vector_store %arg9[%swap3A_519, %swap3A_520], %swap3A_523 {strides = array<i32>} : memref<512x64xf32, #tpu.memory_space<vmem>>, vector<1x16xf32>,
      %mul3A_524 = arith.mulf %get3A_441, %mul3A_505 : vector<16xf32>
      %swap3A_525 = arith.index_cast %add3A_425 : i32 to index
      %swap3A_526 = arith.constant 48 : index
      %swap3A_527 = tpu.vector_load %arg9[%swap3A_525, %swap3A_526] {strides = array<i32>} : memref<512x64xf32, #tpu.memory_space<vmem>>, vector<1x16xf32>,
      %swap3A_528 = vector.shape_cast %swap3A_527 : vector<1x16xf32> to vector<16xf32>
      %swap3A_529 = vector.shape_cast %mul3A_524 : vector<16xf32> to vector<1x16xf32>
      tpu.vector_store %arg9[%swap3A_525, %swap3A_526], %swap3A_529 {strides = array<i32>} : memref<512x64xf32, #tpu.memory_space<vmem>>, vector<1x16xf32>,
      %mul3A_530 = arith.constant 4 : i32
      %mul3A_531 = arith.muli %scan3A_214, %mul3A_530 : i32
      %add3A_532 = arith.constant 3 : i32
      %add3A_533 = arith.addi %mul3A_531, %add3A_532 : i32
      %get3A_534 = arith.index_cast %add3A_533 : i32 to index
      %get3A_535 = arith.constant 0 : index
      %get3A_536 = tpu.vector_load %arg9[%get3A_534, %get3A_535] {strides = array<i32>} : memref<512x64xf32, #tpu.memory_space<vmem>>, vector<1x16xf32>,
      %get3A_537 = vector.shape_cast %get3A_536 : vector<1x16xf32> to vector<16xf32>
      %get3A_538 = arith.index_cast %add3A_533 : i32 to index
      %get3A_539 = arith.constant 16 : index
      %get3A_540 = tpu.vector_load %arg9[%get3A_538, %get3A_539] {strides = array<i32>} : memref<512x64xf32, #tpu.memory_space<vmem>>, vector<1x16xf32>,
      %get3A_541 = vector.shape_cast %get3A_540 : vector<1x16xf32> to vector<16xf32>
      %get3A_542 = arith.index_cast %add3A_533 : i32 to index
      %get3A_543 = arith.constant 32 : index
      %get3A_544 = tpu.vector_load %arg9[%get3A_542, %get3A_543] {strides = array<i32>} : memref<512x64xf32, #tpu.memory_space<vmem>>, vector<1x16xf32>,
      %get3A_545 = vector.shape_cast %get3A_544 : vector<1x16xf32> to vector<16xf32>
      %get3A_546 = arith.index_cast %add3A_533 : i32 to index
      %get3A_547 = arith.constant 48 : index
      %get3A_548 = tpu.vector_load %arg9[%get3A_546, %get3A_547] {strides = array<i32>} : memref<512x64xf32, #tpu.memory_space<vmem>>, vector<1x16xf32>,
      %get3A_549 = vector.shape_cast %get3A_548 : vector<1x16xf32> to vector<16xf32>
      %mul3A_550 = arith.mulf %get3A_537, %get3A_537 : vector<16xf32>
      %mul3A_551 = arith.mulf %get3A_541, %get3A_541 : vector<16xf32>
      %add3A_552 = arith.addf %mul3A_550, %mul3A_551 : vector<16xf32>
      %mul3A_553 = arith.mulf %get3A_545, %get3A_545 : vector<16xf32>
      %add3A_554 = arith.addf %add3A_552, %mul3A_553 : vector<16xf32>
      %mul3A_555 = arith.mulf %get3A_549, %get3A_549 : vector<16xf32>
      %add3A_556 = arith.addf %add3A_554, %mul3A_555 : vector<16xf32>
      %xor3A_557 = arith.constant 1 : i32
      %xor3A_558 = vector.broadcast %xor3A_557 : i32 to vector<16xi32>
      %xor3A_559 = arith.xori %iota3A, %xor3A_558 : vector<16xi32>
      %broadcast_in_dim3A_560 = vector.shape_cast %xor3A_559 : vector<16xi32> to vector<16x1xi32>
      %gather3A_561 = vector.shape_cast %broadcast_in_dim3A_560 : vector<16x1xi32> to vector<16xi32>
      %gather3A_562 = tpu.dynamic_gather %add3A_556[%gather3A_561] in [0] : vector<16xf32>, vector<16xi32> -> vector<16xf32>
      %add3A_563 = arith.addf %add3A_556, %gather3A_562 : vector<16xf32>
      %xor3A_564 = arith.constant 2 : i32
      %xor3A_565 = vector.broadcast %xor3A_564 : i32 to vector<16xi32>
      %xor3A_566 = arith.xori %iota3A, %xor3A_565 : vector<16xi32>
      %broadcast_in_dim3A_567 = vector.shape_cast %xor3A_566 : vector<16xi32> to vector<16x1xi32>
      %gather3A_568 = vector.shape_cast %broadcast_in_dim3A_567 : vector<16x1xi32> to vector<16xi32>
      %gather3A_569 = tpu.dynamic_gather %add3A_563[%gather3A_568] in [0] : vector<16xf32>, vector<16xi32> -> vector<16xf32>
      %add3A_570 = arith.addf %add3A_563, %gather3A_569 : vector<16xf32>
      %xor3A_571 = arith.constant 4 : i32
      %xor3A_572 = vector.broadcast %xor3A_571 : i32 to vector<16xi32>
      %xor3A_573 = arith.xori %iota3A, %xor3A_572 : vector<16xi32>
      %broadcast_in_dim3A_574 = vector.shape_cast %xor3A_573 : vector<16xi32> to vector<16x1xi32>
      %gather3A_575 = vector.shape_cast %broadcast_in_dim3A_574 : vector<16x1xi32> to vector<16xi32>
      %gather3A_576 = tpu.dynamic_gather %add3A_570[%gather3A_575] in [0] : vector<16xf32>, vector<16xi32> -> vector<16xf32>
      %add3A_577 = arith.addf %add3A_570, %gather3A_576 : vector<16xf32>
      %xor3A_578 = arith.constant 8 : i32
      %xor3A_579 = vector.broadcast %xor3A_578 : i32 to vector<16xi32>
      %xor3A_580 = arith.xori %iota3A, %xor3A_579 : vector<16xi32>
      %broadcast_in_dim3A_581 = vector.shape_cast %xor3A_580 : vector<16xi32> to vector<16x1xi32>
      %gather3A_582 = vector.shape_cast %broadcast_in_dim3A_581 : vector<16x1xi32> to vector<16xi32>
      %gather3A_583 = tpu.dynamic_gather %add3A_577[%gather3A_582] in [0] : vector<16xf32>, vector<16xi32> -> vector<16xf32>
      %add3A_584 = arith.addf %add3A_577, %gather3A_583 : vector<16xf32>
      %max3A_585 = arith.constant 1.000000e-24 : f32
      %max3A_586 = vector.broadcast %max3A_585 : f32 to vector<16xf32>
      %max3A_587 = arith.maximumf %add3A_584, %max3A_586 : vector<16xf32>
      %bitcast_convert_type3A_588 = tpu.bitcast %max3A_587 : vector<16xf32> -> vector<16xi32>
      %shift_right_logical3A_589 = arith.constant 1 : i32
      %shift_right_logical3A_590 = vector.broadcast %shift_right_logical3A_589 : i32 to vector<16xi32>
      %shift_right_logical3A_591 = arith.shrui %bitcast_convert_type3A_588, %shift_right_logical3A_590 : vector<16xi32>
      %sub3A_592 = arith.constant 1597463007 : i32
      %sub3A_593 = vector.broadcast %sub3A_592 : i32 to vector<16xi32>
      %sub3A_594 = arith.subi %sub3A_593, %shift_right_logical3A_591 : vector<16xi32>
      %bitcast_convert_type3A_595 = tpu.bitcast %sub3A_594 : vector<16xi32> -> vector<16xf32>
      %mul3A_596 = arith.constant 5.000000e-01 : f32
      %mul3A_597 = vector.broadcast %mul3A_596 : f32 to vector<16xf32>
      %mul3A_598 = arith.mulf %mul3A_597, %max3A_587 : vector<16xf32>
      %mul3A_599 = arith.mulf %mul3A_598, %bitcast_convert_type3A_595 : vector<16xf32>
      %mul3A_600 = arith.mulf %mul3A_599, %bitcast_convert_type3A_595 : vector<16xf32>
      %sub3A_601 = arith.constant 1.500000e+00 : f32
      %sub3A_602 = vector.broadcast %sub3A_601 : f32 to vector<16xf32>
      %sub3A_603 = arith.subf %sub3A_602, %mul3A_600 : vector<16xf32>
      %mul3A_604 = arith.mulf %bitcast_convert_type3A_595, %sub3A_603 : vector<16xf32>
      %mul3A_605 = arith.constant 5.000000e-01 : f32
      %mul3A_606 = vector.broadcast %mul3A_605 : f32 to vector<16xf32>
      %mul3A_607 = arith.mulf %mul3A_606, %max3A_587 : vector<16xf32>
      %mul3A_608 = arith.mulf %mul3A_607, %mul3A_604 : vector<16xf32>
      %mul3A_609 = arith.mulf %mul3A_608, %mul3A_604 : vector<16xf32>
      %sub3A_610 = arith.constant 1.500000e+00 : f32
      %sub3A_611 = vector.broadcast %sub3A_610 : f32 to vector<16xf32>
      %sub3A_612 = arith.subf %sub3A_611, %mul3A_609 : vector<16xf32>
      %mul3A_613 = arith.mulf %mul3A_604, %sub3A_612 : vector<16xf32>
      %mul3A_614 = arith.mulf %get3A_537, %mul3A_613 : vector<16xf32>
      %swap3A_615 = arith.index_cast %add3A_533 : i32 to index
      %swap3A_616 = arith.constant 0 : index
      %swap3A_617 = tpu.vector_load %arg9[%swap3A_615, %swap3A_616] {strides = array<i32>} : memref<512x64xf32, #tpu.memory_space<vmem>>, vector<1x16xf32>,
      %swap3A_618 = vector.shape_cast %swap3A_617 : vector<1x16xf32> to vector<16xf32>
      %swap3A_619 = vector.shape_cast %mul3A_614 : vector<16xf32> to vector<1x16xf32>
      tpu.vector_store %arg9[%swap3A_615, %swap3A_616], %swap3A_619 {strides = array<i32>} : memref<512x64xf32, #tpu.memory_space<vmem>>, vector<1x16xf32>,
      %mul3A_620 = arith.mulf %get3A_541, %mul3A_613 : vector<16xf32>
      %swap3A_621 = arith.index_cast %add3A_533 : i32 to index
      %swap3A_622 = arith.constant 16 : index
      %swap3A_623 = tpu.vector_load %arg9[%swap3A_621, %swap3A_622] {strides = array<i32>} : memref<512x64xf32, #tpu.memory_space<vmem>>, vector<1x16xf32>,
      %swap3A_624 = vector.shape_cast %swap3A_623 : vector<1x16xf32> to vector<16xf32>
      %swap3A_625 = vector.shape_cast %mul3A_620 : vector<16xf32> to vector<1x16xf32>
      tpu.vector_store %arg9[%swap3A_621, %swap3A_622], %swap3A_625 {strides = array<i32>} : memref<512x64xf32, #tpu.memory_space<vmem>>, vector<1x16xf32>,
      %mul3A_626 = arith.mulf %get3A_545, %mul3A_613 : vector<16xf32>
      %swap3A_627 = arith.index_cast %add3A_533 : i32 to index
      %swap3A_628 = arith.constant 32 : index
      %swap3A_629 = tpu.vector_load %arg9[%swap3A_627, %swap3A_628] {strides = array<i32>} : memref<512x64xf32, #tpu.memory_space<vmem>>, vector<1x16xf32>,
      %swap3A_630 = vector.shape_cast %swap3A_629 : vector<1x16xf32> to vector<16xf32>
      %swap3A_631 = vector.shape_cast %mul3A_626 : vector<16xf32> to vector<1x16xf32>
      tpu.vector_store %arg9[%swap3A_627, %swap3A_628], %swap3A_631 {strides = array<i32>} : memref<512x64xf32, #tpu.memory_space<vmem>>, vector<1x16xf32>,
      %mul3A_632 = arith.mulf %get3A_549, %mul3A_613 : vector<16xf32>
      %swap3A_633 = arith.index_cast %add3A_533 : i32 to index
      %swap3A_634 = arith.constant 48 : index
      %swap3A_635 = tpu.vector_load %arg9[%swap3A_633, %swap3A_634] {strides = array<i32>} : memref<512x64xf32, #tpu.memory_space<vmem>>, vector<1x16xf32>,
      %swap3A_636 = vector.shape_cast %swap3A_635 : vector<1x16xf32> to vector<16xf32>
      %swap3A_637 = vector.shape_cast %mul3A_632 : vector<16xf32> to vector<1x16xf32>
      tpu.vector_store %arg9[%swap3A_633, %swap3A_634], %swap3A_637 {strides = array<i32>} : memref<512x64xf32, #tpu.memory_space<vmem>>, vector<1x16xf32>,
    }
    %scan3A_106 = arith.constant 128 : i32
    %run_scoped3A = arith.constant 0 : i32
    "tpu.region"() ({
      %run_scoped3A_214 = tpu.sem_alloc : memref<!tpu.dma_semaphore, #tpu.memory_space<semaphore_mem>>
      %dma_start3A = arith.constant 0 : i32
      %dma_start3A_215 = tpu.memref_slice %arg6[%run_scoped3A, %mul3A_2, %dma_start3A] : memref<2x16384x64xf32, #tpu.memory_space<hbm>> -> memref<1x512x64xf32, #tpu.memory_space<hbm>>
      %dma_start3A_216 = tpu.memref_squeeze %dma_start3A_215 : memref<1x512x64xf32, #tpu.memory_space<hbm>> -> memref<512x64xf32, #tpu.memory_space<hbm>>
      %dma_start3A_217 = arith.constant 0 : i32
      %dma_start3A_218 = tpu.memref_slice %arg6[%run_scoped3A, %mul3A_2, %dma_start3A_217] : memref<2x16384x64xf32, #tpu.memory_space<hbm>> -> memref<1x512x64xf32, #tpu.memory_space<hbm>>
      %dma_start3A_219 = tpu.memref_squeeze %dma_start3A_218 : memref<1x512x64xf32, #tpu.memory_space<hbm>> -> memref<512x64xf32, #tpu.memory_space<hbm>>
      tpu.enqueue_dma source(%arg9 : memref<512x64xf32, #tpu.memory_space<vmem>>) target(%dma_start3A_219 : memref<512x64xf32, #tpu.memory_space<hbm>>) target_semaphore(%run_scoped3A_214 : memref<!tpu.dma_semaphore, #tpu.memory_space<semaphore_mem>>)
      %dma_wait3A_220 = arith.constant 0 : i32
      %dma_wait3A_221 = tpu.memref_slice %arg6[%run_scoped3A, %mul3A_2, %dma_wait3A_220] : memref<2x16384x64xf32, #tpu.memory_space<hbm>> -> memref<1x512x64xf32, #tpu.memory_space<hbm>>
      %dma_wait3A_222 = tpu.memref_squeeze %dma_wait3A_221 : memref<1x512x64xf32, #tpu.memory_space<hbm>> -> memref<512x64xf32, #tpu.memory_space<hbm>>
      %dma_wait3A_223 = arith.constant 0 : i32
      %dma_wait3A_224 = tpu.memref_slice %arg6[%run_scoped3A, %mul3A_2, %dma_wait3A_223] : memref<2x16384x64xf32, #tpu.memory_space<hbm>> -> memref<1x512x64xf32, #tpu.memory_space<hbm>>
      %dma_wait3A_225 = tpu.memref_squeeze %dma_wait3A_224 : memref<1x512x64xf32, #tpu.memory_space<hbm>> -> memref<512x64xf32, #tpu.memory_space<hbm>>
      tpu.wait_dma2 semaphore(%run_scoped3A_214 : memref<!tpu.dma_semaphore, #tpu.memory_space<semaphore_mem>>) src(%arg9 : memref<512x64xf32, #tpu.memory_space<vmem>>) dst(%dma_wait3A_225 : memref<512x64xf32, #tpu.memory_space<hbm>>)
      tpu.yield
    }) : () -> ()
    %scan3A_107 = arith.constant 0 : i32
    %scan3A_108 = arith.constant 32 : i32
    %scan3A_109 = arith.addi %scan3A_107, %scan3A_108 : i32
    %scan3A_110 = arith.constant 1 : i32
    scf.for %scan3A_214 = %scan3A_107 to %scan3A_109 step %scan3A_110  : i32 {
      %mul3A_215 = arith.constant 16 : i32
      %mul3A_216 = arith.muli %scan3A_214, %mul3A_215 : i32
      %get3A = arith.index_cast %mul3A_216 : i32 to index
      %get3A_217 = tpu.vector_load %arg8[%get3A] {strides = array<i32>} : memref<512xi32, #tpu.memory_space<vmem>>, vector<16xi32>,
      %get3A_218 = vector.shape_cast %get3A_217 : vector<16xi32> to vector<16xi32>
      %slice3A = vector.extract_strided_slice %get3A_218 {offsets = [0], sizes = [1], strides = [1]} : vector<16xi32> to vector<1xi32>
      %squeeze3A = vector.extract %slice3A[0] : i32 from vector<1xi32>
      %mul3A_219 = arith.constant 16 : i32
      %mul3A_220 = arith.muli %scan3A_214, %mul3A_219 : i32
      %add3A_221 = arith.constant 0 : i32
      %add3A_222 = arith.addi %mul3A_220, %add3A_221 : i32
      %dma_start3A = arith.constant 0 : i32
      %dma_start3A_223 = tpu.memref_slice %arg9[%add3A_222, %dma_start3A] : memref<512x64xf32, #tpu.memory_space<vmem>> -> memref<1x64xf32, #tpu.memory_space<vmem>>
      %dma_start3A_224 = tpu.memref_squeeze %dma_start3A_223 : memref<1x64xf32, #tpu.memory_space<vmem>> -> memref<64xf32, #tpu.memory_space<vmem>>
      %dma_start3A_225 = arith.constant 0 : i32
      %dma_start3A_226 = tpu.memref_slice %arg5[%squeeze3A, %dma_start3A_225] : memref<1000000x64xf32, #tpu.memory_space<hbm>> -> memref<1x64xf32, #tpu.memory_space<hbm>>
      %dma_start3A_227 = tpu.memref_squeeze %dma_start3A_226 : memref<1x64xf32, #tpu.memory_space<hbm>> -> memref<64xf32, #tpu.memory_space<hbm>>
      %dma_start3A_228 = arith.constant 0 : i32
      %dma_start3A_229 = tpu.memref_slice %arg9[%add3A_222, %dma_start3A_228] : memref<512x64xf32, #tpu.memory_space<vmem>> -> memref<1x64xf32, #tpu.memory_space<vmem>>
      %dma_start3A_230 = tpu.memref_squeeze %dma_start3A_229 : memref<1x64xf32, #tpu.memory_space<vmem>> -> memref<64xf32, #tpu.memory_space<vmem>>
      %dma_start3A_231 = arith.constant 0 : i32
      %dma_start3A_232 = tpu.memref_slice %arg5[%squeeze3A, %dma_start3A_231] : memref<1000000x64xf32, #tpu.memory_space<hbm>> -> memref<1x64xf32, #tpu.memory_space<hbm>>
      %dma_start3A_233 = tpu.memref_squeeze %dma_start3A_232 : memref<1x64xf32, #tpu.memory_space<hbm>> -> memref<64xf32, #tpu.memory_space<hbm>>
      tpu.enqueue_dma source(%dma_start3A_233 : memref<64xf32, #tpu.memory_space<hbm>>) target(%dma_start3A_230 : memref<64xf32, #tpu.memory_space<vmem>>) target_semaphore(%arg10 : memref<!tpu.dma_semaphore, #tpu.memory_space<semaphore_mem>>)
      %slice3A_234 = vector.extract_strided_slice %get3A_218 {offsets = [1], sizes = [1], strides = [1]} : vector<16xi32> to vector<1xi32>
      %squeeze3A_235 = vector.extract %slice3A_234[0] : i32 from vector<1xi32>
      %mul3A_236 = arith.constant 16 : i32
      %mul3A_237 = arith.muli %scan3A_214, %mul3A_236 : i32
      %add3A_238 = arith.constant 1 : i32
      %add3A_239 = arith.addi %mul3A_237, %add3A_238 : i32
      %dma_start3A_240 = arith.constant 0 : i32
      %dma_start3A_241 = tpu.memref_slice %arg9[%add3A_239, %dma_start3A_240] : memref<512x64xf32, #tpu.memory_space<vmem>> -> memref<1x64xf32, #tpu.memory_space<vmem>>
      %dma_start3A_242 = tpu.memref_squeeze %dma_start3A_241 : memref<1x64xf32, #tpu.memory_space<vmem>> -> memref<64xf32, #tpu.memory_space<vmem>>
      %dma_start3A_243 = arith.constant 0 : i32
      %dma_start3A_244 = tpu.memref_slice %arg5[%squeeze3A_235, %dma_start3A_243] : memref<1000000x64xf32, #tpu.memory_space<hbm>> -> memref<1x64xf32, #tpu.memory_space<hbm>>
      %dma_start3A_245 = tpu.memref_squeeze %dma_start3A_244 : memref<1x64xf32, #tpu.memory_space<hbm>> -> memref<64xf32, #tpu.memory_space<hbm>>
      %dma_start3A_246 = arith.constant 0 : i32
      %dma_start3A_247 = tpu.memref_slice %arg9[%add3A_239, %dma_start3A_246] : memref<512x64xf32, #tpu.memory_space<vmem>> -> memref<1x64xf32, #tpu.memory_space<vmem>>
      %dma_start3A_248 = tpu.memref_squeeze %dma_start3A_247 : memref<1x64xf32, #tpu.memory_space<vmem>> -> memref<64xf32, #tpu.memory_space<vmem>>
      %dma_start3A_249 = arith.constant 0 : i32
      %dma_start3A_250 = tpu.memref_slice %arg5[%squeeze3A_235, %dma_start3A_249] : memref<1000000x64xf32, #tpu.memory_space<hbm>> -> memref<1x64xf32, #tpu.memory_space<hbm>>
      %dma_start3A_251 = tpu.memref_squeeze %dma_start3A_250 : memref<1x64xf32, #tpu.memory_space<hbm>> -> memref<64xf32, #tpu.memory_space<hbm>>
      tpu.enqueue_dma source(%dma_start3A_251 : memref<64xf32, #tpu.memory_space<hbm>>) target(%dma_start3A_248 : memref<64xf32, #tpu.memory_space<vmem>>) target_semaphore(%arg11 : memref<!tpu.dma_semaphore, #tpu.memory_space<semaphore_mem>>)
      %slice3A_252 = vector.extract_strided_slice %get3A_218 {offsets = [2], sizes = [1], strides = [1]} : vector<16xi32> to vector<1xi32>
      %squeeze3A_253 = vector.extract %slice3A_252[0] : i32 from vector<1xi32>
      %mul3A_254 = arith.constant 16 : i32
      %mul3A_255 = arith.muli %scan3A_214, %mul3A_254 : i32
      %add3A_256 = arith.constant 2 : i32
      %add3A_257 = arith.addi %mul3A_255, %add3A_256 : i32
      %dma_start3A_258 = arith.constant 0 : i32
      %dma_start3A_259 = tpu.memref_slice %arg9[%add3A_257, %dma_start3A_258] : memref<512x64xf32, #tpu.memory_space<vmem>> -> memref<1x64xf32, #tpu.memory_space<vmem>>
      %dma_start3A_260 = tpu.memref_squeeze %dma_start3A_259 : memref<1x64xf32, #tpu.memory_space<vmem>> -> memref<64xf32, #tpu.memory_space<vmem>>
      %dma_start3A_261 = arith.constant 0 : i32
      %dma_start3A_262 = tpu.memref_slice %arg5[%squeeze3A_253, %dma_start3A_261] : memref<1000000x64xf32, #tpu.memory_space<hbm>> -> memref<1x64xf32, #tpu.memory_space<hbm>>
      %dma_start3A_263 = tpu.memref_squeeze %dma_start3A_262 : memref<1x64xf32, #tpu.memory_space<hbm>> -> memref<64xf32, #tpu.memory_space<hbm>>
      %dma_start3A_264 = arith.constant 0 : i32
      %dma_start3A_265 = tpu.memref_slice %arg9[%add3A_257, %dma_start3A_264] : memref<512x64xf32, #tpu.memory_space<vmem>> -> memref<1x64xf32, #tpu.memory_space<vmem>>
      %dma_start3A_266 = tpu.memref_squeeze %dma_start3A_265 : memref<1x64xf32, #tpu.memory_space<vmem>> -> memref<64xf32, #tpu.memory_space<vmem>>
      %dma_start3A_267 = arith.constant 0 : i32
      %dma_start3A_268 = tpu.memref_slice %arg5[%squeeze3A_253, %dma_start3A_267] : memref<1000000x64xf32, #tpu.memory_space<hbm>> -> memref<1x64xf32, #tpu.memory_space<hbm>>
      %dma_start3A_269 = tpu.memref_squeeze %dma_start3A_268 : memref<1x64xf32, #tpu.memory_space<hbm>> -> memref<64xf32, #tpu.memory_space<hbm>>
      tpu.enqueue_dma source(%dma_start3A_269 : memref<64xf32, #tpu.memory_space<hbm>>) target(%dma_start3A_266 : memref<64xf32, #tpu.memory_space<vmem>>) target_semaphore(%arg12 : memref<!tpu.dma_semaphore, #tpu.memory_space<semaphore_mem>>)
      %slice3A_270 = vector.extract_strided_slice %get3A_218 {offsets = [3], sizes = [1], strides = [1]} : vector<16xi32> to vector<1xi32>
      %squeeze3A_271 = vector.extract %slice3A_270[0] : i32 from vector<1xi32>
      %mul3A_272 = arith.constant 16 : i32
      %mul3A_273 = arith.muli %scan3A_214, %mul3A_272 : i32
      %add3A_274 = arith.constant 3 : i32
      %add3A_275 = arith.addi %mul3A_273, %add3A_274 : i32
      %dma_start3A_276 = arith.constant 0 : i32
      %dma_start3A_277 = tpu.memref_slice %arg9[%add3A_275, %dma_start3A_276] : memref<512x64xf32, #tpu.memory_space<vmem>> -> memref<1x64xf32, #tpu.memory_space<vmem>>
      %dma_start3A_278 = tpu.memref_squeeze %dma_start3A_277 : memref<1x64xf32, #tpu.memory_space<vmem>> -> memref<64xf32, #tpu.memory_space<vmem>>
      %dma_start3A_279 = arith.constant 0 : i32
      %dma_start3A_280 = tpu.memref_slice %arg5[%squeeze3A_271, %dma_start3A_279] : memref<1000000x64xf32, #tpu.memory_space<hbm>> -> memref<1x64xf32, #tpu.memory_space<hbm>>
      %dma_start3A_281 = tpu.memref_squeeze %dma_start3A_280 : memref<1x64xf32, #tpu.memory_space<hbm>> -> memref<64xf32, #tpu.memory_space<hbm>>
      %dma_start3A_282 = arith.constant 0 : i32
      %dma_start3A_283 = tpu.memref_slice %arg9[%add3A_275, %dma_start3A_282] : memref<512x64xf32, #tpu.memory_space<vmem>> -> memref<1x64xf32, #tpu.memory_space<vmem>>
      %dma_start3A_284 = tpu.memref_squeeze %dma_start3A_283 : memref<1x64xf32, #tpu.memory_space<vmem>> -> memref<64xf32, #tpu.memory_space<vmem>>
      %dma_start3A_285 = arith.constant 0 : i32
      %dma_start3A_286 = tpu.memref_slice %arg5[%squeeze3A_271, %dma_start3A_285] : memref<1000000x64xf32, #tpu.memory_space<hbm>> -> memref<1x64xf32, #tpu.memory_space<hbm>>
      %dma_start3A_287 = tpu.memref_squeeze %dma_start3A_286 : memref<1x64xf32, #tpu.memory_space<hbm>> -> memref<64xf32, #tpu.memory_space<hbm>>
      tpu.enqueue_dma source(%dma_start3A_287 : memref<64xf32, #tpu.memory_space<hbm>>) target(%dma_start3A_284 : memref<64xf32, #tpu.memory_space<vmem>>) target_semaphore(%arg13 : memref<!tpu.dma_semaphore, #tpu.memory_space<semaphore_mem>>)
      %slice3A_288 = vector.extract_strided_slice %get3A_218 {offsets = [4], sizes = [1], strides = [1]} : vector<16xi32> to vector<1xi32>
      %squeeze3A_289 = vector.extract %slice3A_288[0] : i32 from vector<1xi32>
      %mul3A_290 = arith.constant 16 : i32
      %mul3A_291 = arith.muli %scan3A_214, %mul3A_290 : i32
      %add3A_292 = arith.constant 4 : i32
      %add3A_293 = arith.addi %mul3A_291, %add3A_292 : i32
      %dma_start3A_294 = arith.constant 0 : i32
      %dma_start3A_295 = tpu.memref_slice %arg9[%add3A_293, %dma_start3A_294] : memref<512x64xf32, #tpu.memory_space<vmem>> -> memref<1x64xf32, #tpu.memory_space<vmem>>
      %dma_start3A_296 = tpu.memref_squeeze %dma_start3A_295 : memref<1x64xf32, #tpu.memory_space<vmem>> -> memref<64xf32, #tpu.memory_space<vmem>>
      %dma_start3A_297 = arith.constant 0 : i32
      %dma_start3A_298 = tpu.memref_slice %arg5[%squeeze3A_289, %dma_start3A_297] : memref<1000000x64xf32, #tpu.memory_space<hbm>> -> memref<1x64xf32, #tpu.memory_space<hbm>>
      %dma_start3A_299 = tpu.memref_squeeze %dma_start3A_298 : memref<1x64xf32, #tpu.memory_space<hbm>> -> memref<64xf32, #tpu.memory_space<hbm>>
      %dma_start3A_300 = arith.constant 0 : i32
      %dma_start3A_301 = tpu.memref_slice %arg9[%add3A_293, %dma_start3A_300] : memref<512x64xf32, #tpu.memory_space<vmem>> -> memref<1x64xf32, #tpu.memory_space<vmem>>
      %dma_start3A_302 = tpu.memref_squeeze %dma_start3A_301 : memref<1x64xf32, #tpu.memory_space<vmem>> -> memref<64xf32, #tpu.memory_space<vmem>>
      %dma_start3A_303 = arith.constant 0 : i32
      %dma_start3A_304 = tpu.memref_slice %arg5[%squeeze3A_289, %dma_start3A_303] : memref<1000000x64xf32, #tpu.memory_space<hbm>> -> memref<1x64xf32, #tpu.memory_space<hbm>>
      %dma_start3A_305 = tpu.memref_squeeze %dma_start3A_304 : memref<1x64xf32, #tpu.memory_space<hbm>> -> memref<64xf32, #tpu.memory_space<hbm>>
      tpu.enqueue_dma source(%dma_start3A_305 : memref<64xf32, #tpu.memory_space<hbm>>) target(%dma_start3A_302 : memref<64xf32, #tpu.memory_space<vmem>>) target_semaphore(%arg14 : memref<!tpu.dma_semaphore, #tpu.memory_space<semaphore_mem>>)
      %slice3A_306 = vector.extract_strided_slice %get3A_218 {offsets = [5], sizes = [1], strides = [1]} : vector<16xi32> to vector<1xi32>
      %squeeze3A_307 = vector.extract %slice3A_306[0] : i32 from vector<1xi32>
      %mul3A_308 = arith.constant 16 : i32
      %mul3A_309 = arith.muli %scan3A_214, %mul3A_308 : i32
      %add3A_310 = arith.constant 5 : i32
      %add3A_311 = arith.addi %mul3A_309, %add3A_310 : i32
      %dma_start3A_312 = arith.constant 0 : i32
      %dma_start3A_313 = tpu.memref_slice %arg9[%add3A_311, %dma_start3A_312] : memref<512x64xf32, #tpu.memory_space<vmem>> -> memref<1x64xf32, #tpu.memory_space<vmem>>
      %dma_start3A_314 = tpu.memref_squeeze %dma_start3A_313 : memref<1x64xf32, #tpu.memory_space<vmem>> -> memref<64xf32, #tpu.memory_space<vmem>>
      %dma_start3A_315 = arith.constant 0 : i32
      %dma_start3A_316 = tpu.memref_slice %arg5[%squeeze3A_307, %dma_start3A_315] : memref<1000000x64xf32, #tpu.memory_space<hbm>> -> memref<1x64xf32, #tpu.memory_space<hbm>>
      %dma_start3A_317 = tpu.memref_squeeze %dma_start3A_316 : memref<1x64xf32, #tpu.memory_space<hbm>> -> memref<64xf32, #tpu.memory_space<hbm>>
      %dma_start3A_318 = arith.constant 0 : i32
      %dma_start3A_319 = tpu.memref_slice %arg9[%add3A_311, %dma_start3A_318] : memref<512x64xf32, #tpu.memory_space<vmem>> -> memref<1x64xf32, #tpu.memory_space<vmem>>
      %dma_start3A_320 = tpu.memref_squeeze %dma_start3A_319 : memref<1x64xf32, #tpu.memory_space<vmem>> -> memref<64xf32, #tpu.memory_space<vmem>>
      %dma_start3A_321 = arith.constant 0 : i32
      %dma_start3A_322 = tpu.memref_slice %arg5[%squeeze3A_307, %dma_start3A_321] : memref<1000000x64xf32, #tpu.memory_space<hbm>> -> memref<1x64xf32, #tpu.memory_space<hbm>>
      %dma_start3A_323 = tpu.memref_squeeze %dma_start3A_322 : memref<1x64xf32, #tpu.memory_space<hbm>> -> memref<64xf32, #tpu.memory_space<hbm>>
      tpu.enqueue_dma source(%dma_start3A_323 : memref<64xf32, #tpu.memory_space<hbm>>) target(%dma_start3A_320 : memref<64xf32, #tpu.memory_space<vmem>>) target_semaphore(%arg15 : memref<!tpu.dma_semaphore, #tpu.memory_space<semaphore_mem>>)
      %slice3A_324 = vector.extract_strided_slice %get3A_218 {offsets = [6], sizes = [1], strides = [1]} : vector<16xi32> to vector<1xi32>
      %squeeze3A_325 = vector.extract %slice3A_324[0] : i32 from vector<1xi32>
      %mul3A_326 = arith.constant 16 : i32
      %mul3A_327 = arith.muli %scan3A_214, %mul3A_326 : i32
      %add3A_328 = arith.constant 6 : i32
      %add3A_329 = arith.addi %mul3A_327, %add3A_328 : i32
      %dma_start3A_330 = arith.constant 0 : i32
      %dma_start3A_331 = tpu.memref_slice %arg9[%add3A_329, %dma_start3A_330] : memref<512x64xf32, #tpu.memory_space<vmem>> -> memref<1x64xf32, #tpu.memory_space<vmem>>
      %dma_start3A_332 = tpu.memref_squeeze %dma_start3A_331 : memref<1x64xf32, #tpu.memory_space<vmem>> -> memref<64xf32, #tpu.memory_space<vmem>>
      %dma_start3A_333 = arith.constant 0 : i32
      %dma_start3A_334 = tpu.memref_slice %arg5[%squeeze3A_325, %dma_start3A_333] : memref<1000000x64xf32, #tpu.memory_space<hbm>> -> memref<1x64xf32, #tpu.memory_space<hbm>>
      %dma_start3A_335 = tpu.memref_squeeze %dma_start3A_334 : memref<1x64xf32, #tpu.memory_space<hbm>> -> memref<64xf32, #tpu.memory_space<hbm>>
      %dma_start3A_336 = arith.constant 0 : i32
      %dma_start3A_337 = tpu.memref_slice %arg9[%add3A_329, %dma_start3A_336] : memref<512x64xf32, #tpu.memory_space<vmem>> -> memref<1x64xf32, #tpu.memory_space<vmem>>
      %dma_start3A_338 = tpu.memref_squeeze %dma_start3A_337 : memref<1x64xf32, #tpu.memory_space<vmem>> -> memref<64xf32, #tpu.memory_space<vmem>>
      %dma_start3A_339 = arith.constant 0 : i32
      %dma_start3A_340 = tpu.memref_slice %arg5[%squeeze3A_325, %dma_start3A_339] : memref<1000000x64xf32, #tpu.memory_space<hbm>> -> memref<1x64xf32, #tpu.memory_space<hbm>>
      %dma_start3A_341 = tpu.memref_squeeze %dma_start3A_340 : memref<1x64xf32, #tpu.memory_space<hbm>> -> memref<64xf32, #tpu.memory_space<hbm>>
      tpu.enqueue_dma source(%dma_start3A_341 : memref<64xf32, #tpu.memory_space<hbm>>) target(%dma_start3A_338 : memref<64xf32, #tpu.memory_space<vmem>>) target_semaphore(%arg16 : memref<!tpu.dma_semaphore, #tpu.memory_space<semaphore_mem>>)
      %slice3A_342 = vector.extract_strided_slice %get3A_218 {offsets = [7], sizes = [1], strides = [1]} : vector<16xi32> to vector<1xi32>
      %squeeze3A_343 = vector.extract %slice3A_342[0] : i32 from vector<1xi32>
      %mul3A_344 = arith.constant 16 : i32
      %mul3A_345 = arith.muli %scan3A_214, %mul3A_344 : i32
      %add3A_346 = arith.constant 7 : i32
      %add3A_347 = arith.addi %mul3A_345, %add3A_346 : i32
      %dma_start3A_348 = arith.constant 0 : i32
      %dma_start3A_349 = tpu.memref_slice %arg9[%add3A_347, %dma_start3A_348] : memref<512x64xf32, #tpu.memory_space<vmem>> -> memref<1x64xf32, #tpu.memory_space<vmem>>
      %dma_start3A_350 = tpu.memref_squeeze %dma_start3A_349 : memref<1x64xf32, #tpu.memory_space<vmem>> -> memref<64xf32, #tpu.memory_space<vmem>>
      %dma_start3A_351 = arith.constant 0 : i32
      %dma_start3A_352 = tpu.memref_slice %arg5[%squeeze3A_343, %dma_start3A_351] : memref<1000000x64xf32, #tpu.memory_space<hbm>> -> memref<1x64xf32, #tpu.memory_space<hbm>>
      %dma_start3A_353 = tpu.memref_squeeze %dma_start3A_352 : memref<1x64xf32, #tpu.memory_space<hbm>> -> memref<64xf32, #tpu.memory_space<hbm>>
      %dma_start3A_354 = arith.constant 0 : i32
      %dma_start3A_355 = tpu.memref_slice %arg9[%add3A_347, %dma_start3A_354] : memref<512x64xf32, #tpu.memory_space<vmem>> -> memref<1x64xf32, #tpu.memory_space<vmem>>
      %dma_start3A_356 = tpu.memref_squeeze %dma_start3A_355 : memref<1x64xf32, #tpu.memory_space<vmem>> -> memref<64xf32, #tpu.memory_space<vmem>>
      %dma_start3A_357 = arith.constant 0 : i32
      %dma_start3A_358 = tpu.memref_slice %arg5[%squeeze3A_343, %dma_start3A_357] : memref<1000000x64xf32, #tpu.memory_space<hbm>> -> memref<1x64xf32, #tpu.memory_space<hbm>>
      %dma_start3A_359 = tpu.memref_squeeze %dma_start3A_358 : memref<1x64xf32, #tpu.memory_space<hbm>> -> memref<64xf32, #tpu.memory_space<hbm>>
      tpu.enqueue_dma source(%dma_start3A_359 : memref<64xf32, #tpu.memory_space<hbm>>) target(%dma_start3A_356 : memref<64xf32, #tpu.memory_space<vmem>>) target_semaphore(%arg17 : memref<!tpu.dma_semaphore, #tpu.memory_space<semaphore_mem>>)
      %slice3A_360 = vector.extract_strided_slice %get3A_218 {offsets = [8], sizes = [1], strides = [1]} : vector<16xi32> to vector<1xi32>
      %squeeze3A_361 = vector.extract %slice3A_360[0] : i32 from vector<1xi32>
      %mul3A_362 = arith.constant 16 : i32
      %mul3A_363 = arith.muli %scan3A_214, %mul3A_362 : i32
      %add3A_364 = arith.constant 8 : i32
      %add3A_365 = arith.addi %mul3A_363, %add3A_364 : i32
      %dma_start3A_366 = arith.constant 0 : i32
      %dma_start3A_367 = tpu.memref_slice %arg9[%add3A_365, %dma_start3A_366] : memref<512x64xf32, #tpu.memory_space<vmem>> -> memref<1x64xf32, #tpu.memory_space<vmem>>
      %dma_start3A_368 = tpu.memref_squeeze %dma_start3A_367 : memref<1x64xf32, #tpu.memory_space<vmem>> -> memref<64xf32, #tpu.memory_space<vmem>>
      %dma_start3A_369 = arith.constant 0 : i32
      %dma_start3A_370 = tpu.memref_slice %arg5[%squeeze3A_361, %dma_start3A_369] : memref<1000000x64xf32, #tpu.memory_space<hbm>> -> memref<1x64xf32, #tpu.memory_space<hbm>>
      %dma_start3A_371 = tpu.memref_squeeze %dma_start3A_370 : memref<1x64xf32, #tpu.memory_space<hbm>> -> memref<64xf32, #tpu.memory_space<hbm>>
      %dma_start3A_372 = arith.constant 0 : i32
      %dma_start3A_373 = tpu.memref_slice %arg9[%add3A_365, %dma_start3A_372] : memref<512x64xf32, #tpu.memory_space<vmem>> -> memref<1x64xf32, #tpu.memory_space<vmem>>
      %dma_start3A_374 = tpu.memref_squeeze %dma_start3A_373 : memref<1x64xf32, #tpu.memory_space<vmem>> -> memref<64xf32, #tpu.memory_space<vmem>>
      %dma_start3A_375 = arith.constant 0 : i32
      %dma_start3A_376 = tpu.memref_slice %arg5[%squeeze3A_361, %dma_start3A_375] : memref<1000000x64xf32, #tpu.memory_space<hbm>> -> memref<1x64xf32, #tpu.memory_space<hbm>>
      %dma_start3A_377 = tpu.memref_squeeze %dma_start3A_376 : memref<1x64xf32, #tpu.memory_space<hbm>> -> memref<64xf32, #tpu.memory_space<hbm>>
      tpu.enqueue_dma source(%dma_start3A_377 : memref<64xf32, #tpu.memory_space<hbm>>) target(%dma_start3A_374 : memref<64xf32, #tpu.memory_space<vmem>>) target_semaphore(%arg10 : memref<!tpu.dma_semaphore, #tpu.memory_space<semaphore_mem>>)
      %slice3A_378 = vector.extract_strided_slice %get3A_218 {offsets = [9], sizes = [1], strides = [1]} : vector<16xi32> to vector<1xi32>
      %squeeze3A_379 = vector.extract %slice3A_378[0] : i32 from vector<1xi32>
      %mul3A_380 = arith.constant 16 : i32
      %mul3A_381 = arith.muli %scan3A_214, %mul3A_380 : i32
      %add3A_382 = arith.constant 9 : i32
      %add3A_383 = arith.addi %mul3A_381, %add3A_382 : i32
      %dma_start3A_384 = arith.constant 0 : i32
      %dma_start3A_385 = tpu.memref_slice %arg9[%add3A_383, %dma_start3A_384] : memref<512x64xf32, #tpu.memory_space<vmem>> -> memref<1x64xf32, #tpu.memory_space<vmem>>
      %dma_start3A_386 = tpu.memref_squeeze %dma_start3A_385 : memref<1x64xf32, #tpu.memory_space<vmem>> -> memref<64xf32, #tpu.memory_space<vmem>>
      %dma_start3A_387 = arith.constant 0 : i32
      %dma_start3A_388 = tpu.memref_slice %arg5[%squeeze3A_379, %dma_start3A_387] : memref<1000000x64xf32, #tpu.memory_space<hbm>> -> memref<1x64xf32, #tpu.memory_space<hbm>>
      %dma_start3A_389 = tpu.memref_squeeze %dma_start3A_388 : memref<1x64xf32, #tpu.memory_space<hbm>> -> memref<64xf32, #tpu.memory_space<hbm>>
      %dma_start3A_390 = arith.constant 0 : i32
      %dma_start3A_391 = tpu.memref_slice %arg9[%add3A_383, %dma_start3A_390] : memref<512x64xf32, #tpu.memory_space<vmem>> -> memref<1x64xf32, #tpu.memory_space<vmem>>
      %dma_start3A_392 = tpu.memref_squeeze %dma_start3A_391 : memref<1x64xf32, #tpu.memory_space<vmem>> -> memref<64xf32, #tpu.memory_space<vmem>>
      %dma_start3A_393 = arith.constant 0 : i32
      %dma_start3A_394 = tpu.memref_slice %arg5[%squeeze3A_379, %dma_start3A_393] : memref<1000000x64xf32, #tpu.memory_space<hbm>> -> memref<1x64xf32, #tpu.memory_space<hbm>>
      %dma_start3A_395 = tpu.memref_squeeze %dma_start3A_394 : memref<1x64xf32, #tpu.memory_space<hbm>> -> memref<64xf32, #tpu.memory_space<hbm>>
      tpu.enqueue_dma source(%dma_start3A_395 : memref<64xf32, #tpu.memory_space<hbm>>) target(%dma_start3A_392 : memref<64xf32, #tpu.memory_space<vmem>>) target_semaphore(%arg11 : memref<!tpu.dma_semaphore, #tpu.memory_space<semaphore_mem>>)
      %slice3A_396 = vector.extract_strided_slice %get3A_218 {offsets = [10], sizes = [1], strides = [1]} : vector<16xi32> to vector<1xi32>
      %squeeze3A_397 = vector.extract %slice3A_396[0] : i32 from vector<1xi32>
      %mul3A_398 = arith.constant 16 : i32
      %mul3A_399 = arith.muli %scan3A_214, %mul3A_398 : i32
      %add3A_400 = arith.constant 10 : i32
      %add3A_401 = arith.addi %mul3A_399, %add3A_400 : i32
      %dma_start3A_402 = arith.constant 0 : i32
      %dma_start3A_403 = tpu.memref_slice %arg9[%add3A_401, %dma_start3A_402] : memref<512x64xf32, #tpu.memory_space<vmem>> -> memref<1x64xf32, #tpu.memory_space<vmem>>
      %dma_start3A_404 = tpu.memref_squeeze %dma_start3A_403 : memref<1x64xf32, #tpu.memory_space<vmem>> -> memref<64xf32, #tpu.memory_space<vmem>>
      %dma_start3A_405 = arith.constant 0 : i32
      %dma_start3A_406 = tpu.memref_slice %arg5[%squeeze3A_397, %dma_start3A_405] : memref<1000000x64xf32, #tpu.memory_space<hbm>> -> memref<1x64xf32, #tpu.memory_space<hbm>>
      %dma_start3A_407 = tpu.memref_squeeze %dma_start3A_406 : memref<1x64xf32, #tpu.memory_space<hbm>> -> memref<64xf32, #tpu.memory_space<hbm>>
      %dma_start3A_408 = arith.constant 0 : i32
      %dma_start3A_409 = tpu.memref_slice %arg9[%add3A_401, %dma_start3A_408] : memref<512x64xf32, #tpu.memory_space<vmem>> -> memref<1x64xf32, #tpu.memory_space<vmem>>
      %dma_start3A_410 = tpu.memref_squeeze %dma_start3A_409 : memref<1x64xf32, #tpu.memory_space<vmem>> -> memref<64xf32, #tpu.memory_space<vmem>>
      %dma_start3A_411 = arith.constant 0 : i32
      %dma_start3A_412 = tpu.memref_slice %arg5[%squeeze3A_397, %dma_start3A_411] : memref<1000000x64xf32, #tpu.memory_space<hbm>> -> memref<1x64xf32, #tpu.memory_space<hbm>>
      %dma_start3A_413 = tpu.memref_squeeze %dma_start3A_412 : memref<1x64xf32, #tpu.memory_space<hbm>> -> memref<64xf32, #tpu.memory_space<hbm>>
      tpu.enqueue_dma source(%dma_start3A_413 : memref<64xf32, #tpu.memory_space<hbm>>) target(%dma_start3A_410 : memref<64xf32, #tpu.memory_space<vmem>>) target_semaphore(%arg12 : memref<!tpu.dma_semaphore, #tpu.memory_space<semaphore_mem>>)
      %slice3A_414 = vector.extract_strided_slice %get3A_218 {offsets = [11], sizes = [1], strides = [1]} : vector<16xi32> to vector<1xi32>
      %squeeze3A_415 = vector.extract %slice3A_414[0] : i32 from vector<1xi32>
      %mul3A_416 = arith.constant 16 : i32
      %mul3A_417 = arith.muli %scan3A_214, %mul3A_416 : i32
      %add3A_418 = arith.constant 11 : i32
      %add3A_419 = arith.addi %mul3A_417, %add3A_418 : i32
      %dma_start3A_420 = arith.constant 0 : i32
      %dma_start3A_421 = tpu.memref_slice %arg9[%add3A_419, %dma_start3A_420] : memref<512x64xf32, #tpu.memory_space<vmem>> -> memref<1x64xf32, #tpu.memory_space<vmem>>
      %dma_start3A_422 = tpu.memref_squeeze %dma_start3A_421 : memref<1x64xf32, #tpu.memory_space<vmem>> -> memref<64xf32, #tpu.memory_space<vmem>>
      %dma_start3A_423 = arith.constant 0 : i32
      %dma_start3A_424 = tpu.memref_slice %arg5[%squeeze3A_415, %dma_start3A_423] : memref<1000000x64xf32, #tpu.memory_space<hbm>> -> memref<1x64xf32, #tpu.memory_space<hbm>>
      %dma_start3A_425 = tpu.memref_squeeze %dma_start3A_424 : memref<1x64xf32, #tpu.memory_space<hbm>> -> memref<64xf32, #tpu.memory_space<hbm>>
      %dma_start3A_426 = arith.constant 0 : i32
      %dma_start3A_427 = tpu.memref_slice %arg9[%add3A_419, %dma_start3A_426] : memref<512x64xf32, #tpu.memory_space<vmem>> -> memref<1x64xf32, #tpu.memory_space<vmem>>
      %dma_start3A_428 = tpu.memref_squeeze %dma_start3A_427 : memref<1x64xf32, #tpu.memory_space<vmem>> -> memref<64xf32, #tpu.memory_space<vmem>>
      %dma_start3A_429 = arith.constant 0 : i32
      %dma_start3A_430 = tpu.memref_slice %arg5[%squeeze3A_415, %dma_start3A_429] : memref<1000000x64xf32, #tpu.memory_space<hbm>> -> memref<1x64xf32, #tpu.memory_space<hbm>>
      %dma_start3A_431 = tpu.memref_squeeze %dma_start3A_430 : memref<1x64xf32, #tpu.memory_space<hbm>> -> memref<64xf32, #tpu.memory_space<hbm>>
      tpu.enqueue_dma source(%dma_start3A_431 : memref<64xf32, #tpu.memory_space<hbm>>) target(%dma_start3A_428 : memref<64xf32, #tpu.memory_space<vmem>>) target_semaphore(%arg13 : memref<!tpu.dma_semaphore, #tpu.memory_space<semaphore_mem>>)
      %slice3A_432 = vector.extract_strided_slice %get3A_218 {offsets = [12], sizes = [1], strides = [1]} : vector<16xi32> to vector<1xi32>
      %squeeze3A_433 = vector.extract %slice3A_432[0] : i32 from vector<1xi32>
      %mul3A_434 = arith.constant 16 : i32
      %mul3A_435 = arith.muli %scan3A_214, %mul3A_434 : i32
      %add3A_436 = arith.constant 12 : i32
      %add3A_437 = arith.addi %mul3A_435, %add3A_436 : i32
      %dma_start3A_438 = arith.constant 0 : i32
      %dma_start3A_439 = tpu.memref_slice %arg9[%add3A_437, %dma_start3A_438] : memref<512x64xf32, #tpu.memory_space<vmem>> -> memref<1x64xf32, #tpu.memory_space<vmem>>
      %dma_start3A_440 = tpu.memref_squeeze %dma_start3A_439 : memref<1x64xf32, #tpu.memory_space<vmem>> -> memref<64xf32, #tpu.memory_space<vmem>>
      %dma_start3A_441 = arith.constant 0 : i32
      %dma_start3A_442 = tpu.memref_slice %arg5[%squeeze3A_433, %dma_start3A_441] : memref<1000000x64xf32, #tpu.memory_space<hbm>> -> memref<1x64xf32, #tpu.memory_space<hbm>>
      %dma_start3A_443 = tpu.memref_squeeze %dma_start3A_442 : memref<1x64xf32, #tpu.memory_space<hbm>> -> memref<64xf32, #tpu.memory_space<hbm>>
      %dma_start3A_444 = arith.constant 0 : i32
      %dma_start3A_445 = tpu.memref_slice %arg9[%add3A_437, %dma_start3A_444] : memref<512x64xf32, #tpu.memory_space<vmem>> -> memref<1x64xf32, #tpu.memory_space<vmem>>
      %dma_start3A_446 = tpu.memref_squeeze %dma_start3A_445 : memref<1x64xf32, #tpu.memory_space<vmem>> -> memref<64xf32, #tpu.memory_space<vmem>>
      %dma_start3A_447 = arith.constant 0 : i32
      %dma_start3A_448 = tpu.memref_slice %arg5[%squeeze3A_433, %dma_start3A_447] : memref<1000000x64xf32, #tpu.memory_space<hbm>> -> memref<1x64xf32, #tpu.memory_space<hbm>>
      %dma_start3A_449 = tpu.memref_squeeze %dma_start3A_448 : memref<1x64xf32, #tpu.memory_space<hbm>> -> memref<64xf32, #tpu.memory_space<hbm>>
      tpu.enqueue_dma source(%dma_start3A_449 : memref<64xf32, #tpu.memory_space<hbm>>) target(%dma_start3A_446 : memref<64xf32, #tpu.memory_space<vmem>>) target_semaphore(%arg14 : memref<!tpu.dma_semaphore, #tpu.memory_space<semaphore_mem>>)
      %slice3A_450 = vector.extract_strided_slice %get3A_218 {offsets = [13], sizes = [1], strides = [1]} : vector<16xi32> to vector<1xi32>
      %squeeze3A_451 = vector.extract %slice3A_450[0] : i32 from vector<1xi32>
      %mul3A_452 = arith.constant 16 : i32
      %mul3A_453 = arith.muli %scan3A_214, %mul3A_452 : i32
      %add3A_454 = arith.constant 13 : i32
      %add3A_455 = arith.addi %mul3A_453, %add3A_454 : i32
      %dma_start3A_456 = arith.constant 0 : i32
      %dma_start3A_457 = tpu.memref_slice %arg9[%add3A_455, %dma_start3A_456] : memref<512x64xf32, #tpu.memory_space<vmem>> -> memref<1x64xf32, #tpu.memory_space<vmem>>
      %dma_start3A_458 = tpu.memref_squeeze %dma_start3A_457 : memref<1x64xf32, #tpu.memory_space<vmem>> -> memref<64xf32, #tpu.memory_space<vmem>>
      %dma_start3A_459 = arith.constant 0 : i32
      %dma_start3A_460 = tpu.memref_slice %arg5[%squeeze3A_451, %dma_start3A_459] : memref<1000000x64xf32, #tpu.memory_space<hbm>> -> memref<1x64xf32, #tpu.memory_space<hbm>>
      %dma_start3A_461 = tpu.memref_squeeze %dma_start3A_460 : memref<1x64xf32, #tpu.memory_space<hbm>> -> memref<64xf32, #tpu.memory_space<hbm>>
      %dma_start3A_462 = arith.constant 0 : i32
      %dma_start3A_463 = tpu.memref_slice %arg9[%add3A_455, %dma_start3A_462] : memref<512x64xf32, #tpu.memory_space<vmem>> -> memref<1x64xf32, #tpu.memory_space<vmem>>
      %dma_start3A_464 = tpu.memref_squeeze %dma_start3A_463 : memref<1x64xf32, #tpu.memory_space<vmem>> -> memref<64xf32, #tpu.memory_space<vmem>>
      %dma_start3A_465 = arith.constant 0 : i32
      %dma_start3A_466 = tpu.memref_slice %arg5[%squeeze3A_451, %dma_start3A_465] : memref<1000000x64xf32, #tpu.memory_space<hbm>> -> memref<1x64xf32, #tpu.memory_space<hbm>>
      %dma_start3A_467 = tpu.memref_squeeze %dma_start3A_466 : memref<1x64xf32, #tpu.memory_space<hbm>> -> memref<64xf32, #tpu.memory_space<hbm>>
      tpu.enqueue_dma source(%dma_start3A_467 : memref<64xf32, #tpu.memory_space<hbm>>) target(%dma_start3A_464 : memref<64xf32, #tpu.memory_space<vmem>>) target_semaphore(%arg15 : memref<!tpu.dma_semaphore, #tpu.memory_space<semaphore_mem>>)
      %slice3A_468 = vector.extract_strided_slice %get3A_218 {offsets = [14], sizes = [1], strides = [1]} : vector<16xi32> to vector<1xi32>
      %squeeze3A_469 = vector.extract %slice3A_468[0] : i32 from vector<1xi32>
      %mul3A_470 = arith.constant 16 : i32
      %mul3A_471 = arith.muli %scan3A_214, %mul3A_470 : i32
      %add3A_472 = arith.constant 14 : i32
      %add3A_473 = arith.addi %mul3A_471, %add3A_472 : i32
      %dma_start3A_474 = arith.constant 0 : i32
      %dma_start3A_475 = tpu.memref_slice %arg9[%add3A_473, %dma_start3A_474] : memref<512x64xf32, #tpu.memory_space<vmem>> -> memref<1x64xf32, #tpu.memory_space<vmem>>
      %dma_start3A_476 = tpu.memref_squeeze %dma_start3A_475 : memref<1x64xf32, #tpu.memory_space<vmem>> -> memref<64xf32, #tpu.memory_space<vmem>>
      %dma_start3A_477 = arith.constant 0 : i32
      %dma_start3A_478 = tpu.memref_slice %arg5[%squeeze3A_469, %dma_start3A_477] : memref<1000000x64xf32, #tpu.memory_space<hbm>> -> memref<1x64xf32, #tpu.memory_space<hbm>>
      %dma_start3A_479 = tpu.memref_squeeze %dma_start3A_478 : memref<1x64xf32, #tpu.memory_space<hbm>> -> memref<64xf32, #tpu.memory_space<hbm>>
      %dma_start3A_480 = arith.constant 0 : i32
      %dma_start3A_481 = tpu.memref_slice %arg9[%add3A_473, %dma_start3A_480] : memref<512x64xf32, #tpu.memory_space<vmem>> -> memref<1x64xf32, #tpu.memory_space<vmem>>
      %dma_start3A_482 = tpu.memref_squeeze %dma_start3A_481 : memref<1x64xf32, #tpu.memory_space<vmem>> -> memref<64xf32, #tpu.memory_space<vmem>>
      %dma_start3A_483 = arith.constant 0 : i32
      %dma_start3A_484 = tpu.memref_slice %arg5[%squeeze3A_469, %dma_start3A_483] : memref<1000000x64xf32, #tpu.memory_space<hbm>> -> memref<1x64xf32, #tpu.memory_space<hbm>>
      %dma_start3A_485 = tpu.memref_squeeze %dma_start3A_484 : memref<1x64xf32, #tpu.memory_space<hbm>> -> memref<64xf32, #tpu.memory_space<hbm>>
      tpu.enqueue_dma source(%dma_start3A_485 : memref<64xf32, #tpu.memory_space<hbm>>) target(%dma_start3A_482 : memref<64xf32, #tpu.memory_space<vmem>>) target_semaphore(%arg16 : memref<!tpu.dma_semaphore, #tpu.memory_space<semaphore_mem>>)
      %slice3A_486 = vector.extract_strided_slice %get3A_218 {offsets = [15], sizes = [1], strides = [1]} : vector<16xi32> to vector<1xi32>
      %squeeze3A_487 = vector.extract %slice3A_486[0] : i32 from vector<1xi32>
      %mul3A_488 = arith.constant 16 : i32
      %mul3A_489 = arith.muli %scan3A_214, %mul3A_488 : i32
      %add3A_490 = arith.constant 15 : i32
      %add3A_491 = arith.addi %mul3A_489, %add3A_490 : i32
      %dma_start3A_492 = arith.constant 0 : i32
      %dma_start3A_493 = tpu.memref_slice %arg9[%add3A_491, %dma_start3A_492] : memref<512x64xf32, #tpu.memory_space<vmem>> -> memref<1x64xf32, #tpu.memory_space<vmem>>
      %dma_start3A_494 = tpu.memref_squeeze %dma_start3A_493 : memref<1x64xf32, #tpu.memory_space<vmem>> -> memref<64xf32, #tpu.memory_space<vmem>>
      %dma_start3A_495 = arith.constant 0 : i32
      %dma_start3A_496 = tpu.memref_slice %arg5[%squeeze3A_487, %dma_start3A_495] : memref<1000000x64xf32, #tpu.memory_space<hbm>> -> memref<1x64xf32, #tpu.memory_space<hbm>>
      %dma_start3A_497 = tpu.memref_squeeze %dma_start3A_496 : memref<1x64xf32, #tpu.memory_space<hbm>> -> memref<64xf32, #tpu.memory_space<hbm>>
      %dma_start3A_498 = arith.constant 0 : i32
      %dma_start3A_499 = tpu.memref_slice %arg9[%add3A_491, %dma_start3A_498] : memref<512x64xf32, #tpu.memory_space<vmem>> -> memref<1x64xf32, #tpu.memory_space<vmem>>
      %dma_start3A_500 = tpu.memref_squeeze %dma_start3A_499 : memref<1x64xf32, #tpu.memory_space<vmem>> -> memref<64xf32, #tpu.memory_space<vmem>>
      %dma_start3A_501 = arith.constant 0 : i32
      %dma_start3A_502 = tpu.memref_slice %arg5[%squeeze3A_487, %dma_start3A_501] : memref<1000000x64xf32, #tpu.memory_space<hbm>> -> memref<1x64xf32, #tpu.memory_space<hbm>>
      %dma_start3A_503 = tpu.memref_squeeze %dma_start3A_502 : memref<1x64xf32, #tpu.memory_space<hbm>> -> memref<64xf32, #tpu.memory_space<hbm>>
      tpu.enqueue_dma source(%dma_start3A_503 : memref<64xf32, #tpu.memory_space<hbm>>) target(%dma_start3A_500 : memref<64xf32, #tpu.memory_space<vmem>>) target_semaphore(%arg17 : memref<!tpu.dma_semaphore, #tpu.memory_space<semaphore_mem>>)
    }
    %scan3A_111 = arith.constant 32 : i32
    %dma_wait3A_112 = arith.constant 0 : i32
    %dma_wait3A_113 = arith.constant 0 : i32
    %dma_wait3A_114 = tpu.memref_slice %arg9[%dma_wait3A_112, %dma_wait3A_113] : memref<512x64xf32, #tpu.memory_space<vmem>> -> memref<64x64xf32, #tpu.memory_space<vmem>>
    %dma_wait3A_115 = arith.constant 0 : i32
    %dma_wait3A_116 = arith.constant 0 : i32
    %dma_wait3A_117 = tpu.memref_slice %arg5[%dma_wait3A_115, %dma_wait3A_116] : memref<1000000x64xf32, #tpu.memory_space<hbm>> -> memref<64x64xf32, #tpu.memory_space<hbm>>
    %dma_wait3A_118 = arith.constant 0 : i32
    %dma_wait3A_119 = arith.constant 0 : i32
    %dma_wait3A_120 = tpu.memref_slice %arg9[%dma_wait3A_118, %dma_wait3A_119] : memref<512x64xf32, #tpu.memory_space<vmem>> -> memref<64x64xf32, #tpu.memory_space<vmem>>
    %dma_wait3A_121 = arith.constant 0 : i32
    %dma_wait3A_122 = arith.constant 0 : i32
    %dma_wait3A_123 = tpu.memref_slice %arg5[%dma_wait3A_121, %dma_wait3A_122] : memref<1000000x64xf32, #tpu.memory_space<hbm>> -> memref<64x64xf32, #tpu.memory_space<hbm>>
    tpu.wait_dma2 semaphore(%arg10 : memref<!tpu.dma_semaphore, #tpu.memory_space<semaphore_mem>>) src(%dma_wait3A_123 : memref<64x64xf32, #tpu.memory_space<hbm>>) dst(%dma_wait3A_120 : memref<64x64xf32, #tpu.memory_space<vmem>>)
    %dma_wait3A_124 = arith.constant 0 : i32
    %dma_wait3A_125 = arith.constant 0 : i32
    %dma_wait3A_126 = tpu.memref_slice %arg9[%dma_wait3A_124, %dma_wait3A_125] : memref<512x64xf32, #tpu.memory_space<vmem>> -> memref<64x64xf32, #tpu.memory_space<vmem>>
    %dma_wait3A_127 = arith.constant 0 : i32
    %dma_wait3A_128 = arith.constant 0 : i32
    %dma_wait3A_129 = tpu.memref_slice %arg5[%dma_wait3A_127, %dma_wait3A_128] : memref<1000000x64xf32, #tpu.memory_space<hbm>> -> memref<64x64xf32, #tpu.memory_space<hbm>>
    %dma_wait3A_130 = arith.constant 0 : i32
    %dma_wait3A_131 = arith.constant 0 : i32
    %dma_wait3A_132 = tpu.memref_slice %arg9[%dma_wait3A_130, %dma_wait3A_131] : memref<512x64xf32, #tpu.memory_space<vmem>> -> memref<64x64xf32, #tpu.memory_space<vmem>>
    %dma_wait3A_133 = arith.constant 0 : i32
    %dma_wait3A_134 = arith.constant 0 : i32
    %dma_wait3A_135 = tpu.memref_slice %arg5[%dma_wait3A_133, %dma_wait3A_134] : memref<1000000x64xf32, #tpu.memory_space<hbm>> -> memref<64x64xf32, #tpu.memory_space<hbm>>
    tpu.wait_dma2 semaphore(%arg11 : memref<!tpu.dma_semaphore, #tpu.memory_space<semaphore_mem>>) src(%dma_wait3A_135 : memref<64x64xf32, #tpu.memory_space<hbm>>) dst(%dma_wait3A_132 : memref<64x64xf32, #tpu.memory_space<vmem>>)
    %dma_wait3A_136 = arith.constant 0 : i32
    %dma_wait3A_137 = arith.constant 0 : i32
    %dma_wait3A_138 = tpu.memref_slice %arg9[%dma_wait3A_136, %dma_wait3A_137] : memref<512x64xf32, #tpu.memory_space<vmem>> -> memref<64x64xf32, #tpu.memory_space<vmem>>
    %dma_wait3A_139 = arith.constant 0 : i32
    %dma_wait3A_140 = arith.constant 0 : i32
    %dma_wait3A_141 = tpu.memref_slice %arg5[%dma_wait3A_139, %dma_wait3A_140] : memref<1000000x64xf32, #tpu.memory_space<hbm>> -> memref<64x64xf32, #tpu.memory_space<hbm>>
    %dma_wait3A_142 = arith.constant 0 : i32
    %dma_wait3A_143 = arith.constant 0 : i32
    %dma_wait3A_144 = tpu.memref_slice %arg9[%dma_wait3A_142, %dma_wait3A_143] : memref<512x64xf32, #tpu.memory_space<vmem>> -> memref<64x64xf32, #tpu.memory_space<vmem>>
    %dma_wait3A_145 = arith.constant 0 : i32
    %dma_wait3A_146 = arith.constant 0 : i32
    %dma_wait3A_147 = tpu.memref_slice %arg5[%dma_wait3A_145, %dma_wait3A_146] : memref<1000000x64xf32, #tpu.memory_space<hbm>> -> memref<64x64xf32, #tpu.memory_space<hbm>>
    tpu.wait_dma2 semaphore(%arg12 : memref<!tpu.dma_semaphore, #tpu.memory_space<semaphore_mem>>) src(%dma_wait3A_147 : memref<64x64xf32, #tpu.memory_space<hbm>>) dst(%dma_wait3A_144 : memref<64x64xf32, #tpu.memory_space<vmem>>)
    %dma_wait3A_148 = arith.constant 0 : i32
    %dma_wait3A_149 = arith.constant 0 : i32
    %dma_wait3A_150 = tpu.memref_slice %arg9[%dma_wait3A_148, %dma_wait3A_149] : memref<512x64xf32, #tpu.memory_space<vmem>> -> memref<64x64xf32, #tpu.memory_space<vmem>>
    %dma_wait3A_151 = arith.constant 0 : i32
    %dma_wait3A_152 = arith.constant 0 : i32
    %dma_wait3A_153 = tpu.memref_slice %arg5[%dma_wait3A_151, %dma_wait3A_152] : memref<1000000x64xf32, #tpu.memory_space<hbm>> -> memref<64x64xf32, #tpu.memory_space<hbm>>
    %dma_wait3A_154 = arith.constant 0 : i32
    %dma_wait3A_155 = arith.constant 0 : i32
    %dma_wait3A_156 = tpu.memref_slice %arg9[%dma_wait3A_154, %dma_wait3A_155] : memref<512x64xf32, #tpu.memory_space<vmem>> -> memref<64x64xf32, #tpu.memory_space<vmem>>
    %dma_wait3A_157 = arith.constant 0 : i32
    %dma_wait3A_158 = arith.constant 0 : i32
    %dma_wait3A_159 = tpu.memref_slice %arg5[%dma_wait3A_157, %dma_wait3A_158] : memref<1000000x64xf32, #tpu.memory_space<hbm>> -> memref<64x64xf32, #tpu.memory_space<hbm>>
    tpu.wait_dma2 semaphore(%arg13 : memref<!tpu.dma_semaphore, #tpu.memory_space<semaphore_mem>>) src(%dma_wait3A_159 : memref<64x64xf32, #tpu.memory_space<hbm>>) dst(%dma_wait3A_156 : memref<64x64xf32, #tpu.memory_space<vmem>>)
    %dma_wait3A_160 = arith.constant 0 : i32
    %dma_wait3A_161 = arith.constant 0 : i32
    %dma_wait3A_162 = tpu.memref_slice %arg9[%dma_wait3A_160, %dma_wait3A_161] : memref<512x64xf32, #tpu.memory_space<vmem>> -> memref<64x64xf32, #tpu.memory_space<vmem>>
    %dma_wait3A_163 = arith.constant 0 : i32
    %dma_wait3A_164 = arith.constant 0 : i32
    %dma_wait3A_165 = tpu.memref_slice %arg5[%dma_wait3A_163, %dma_wait3A_164] : memref<1000000x64xf32, #tpu.memory_space<hbm>> -> memref<64x64xf32, #tpu.memory_space<hbm>>
    %dma_wait3A_166 = arith.constant 0 : i32
    %dma_wait3A_167 = arith.constant 0 : i32
    %dma_wait3A_168 = tpu.memref_slice %arg9[%dma_wait3A_166, %dma_wait3A_167] : memref<512x64xf32, #tpu.memory_space<vmem>> -> memref<64x64xf32, #tpu.memory_space<vmem>>
    %dma_wait3A_169 = arith.constant 0 : i32
    %dma_wait3A_170 = arith.constant 0 : i32
    %dma_wait3A_171 = tpu.memref_slice %arg5[%dma_wait3A_169, %dma_wait3A_170] : memref<1000000x64xf32, #tpu.memory_space<hbm>> -> memref<64x64xf32, #tpu.memory_space<hbm>>
    tpu.wait_dma2 semaphore(%arg14 : memref<!tpu.dma_semaphore, #tpu.memory_space<semaphore_mem>>) src(%dma_wait3A_171 : memref<64x64xf32, #tpu.memory_space<hbm>>) dst(%dma_wait3A_168 : memref<64x64xf32, #tpu.memory_space<vmem>>)
    %dma_wait3A_172 = arith.constant 0 : i32
    %dma_wait3A_173 = arith.constant 0 : i32
    %dma_wait3A_174 = tpu.memref_slice %arg9[%dma_wait3A_172, %dma_wait3A_173] : memref<512x64xf32, #tpu.memory_space<vmem>> -> memref<64x64xf32, #tpu.memory_space<vmem>>
    %dma_wait3A_175 = arith.constant 0 : i32
    %dma_wait3A_176 = arith.constant 0 : i32
    %dma_wait3A_177 = tpu.memref_slice %arg5[%dma_wait3A_175, %dma_wait3A_176] : memref<1000000x64xf32, #tpu.memory_space<hbm>> -> memref<64x64xf32, #tpu.memory_space<hbm>>
    %dma_wait3A_178 = arith.constant 0 : i32
    %dma_wait3A_179 = arith.constant 0 : i32
    %dma_wait3A_180 = tpu.memref_slice %arg9[%dma_wait3A_178, %dma_wait3A_179] : memref<512x64xf32, #tpu.memory_space<vmem>> -> memref<64x64xf32, #tpu.memory_space<vmem>>
    %dma_wait3A_181 = arith.constant 0 : i32
    %dma_wait3A_182 = arith.constant 0 : i32
    %dma_wait3A_183 = tpu.memref_slice %arg5[%dma_wait3A_181, %dma_wait3A_182] : memref<1000000x64xf32, #tpu.memory_space<hbm>> -> memref<64x64xf32, #tpu.memory_space<hbm>>
    tpu.wait_dma2 semaphore(%arg15 : memref<!tpu.dma_semaphore, #tpu.memory_space<semaphore_mem>>) src(%dma_wait3A_183 : memref<64x64xf32, #tpu.memory_space<hbm>>) dst(%dma_wait3A_180 : memref<64x64xf32, #tpu.memory_space<vmem>>)
    %dma_wait3A_184 = arith.constant 0 : i32
    %dma_wait3A_185 = arith.constant 0 : i32
    %dma_wait3A_186 = tpu.memref_slice %arg9[%dma_wait3A_184, %dma_wait3A_185] : memref<512x64xf32, #tpu.memory_space<vmem>> -> memref<64x64xf32, #tpu.memory_space<vmem>>
    %dma_wait3A_187 = arith.constant 0 : i32
    %dma_wait3A_188 = arith.constant 0 : i32
    %dma_wait3A_189 = tpu.memref_slice %arg5[%dma_wait3A_187, %dma_wait3A_188] : memref<1000000x64xf32, #tpu.memory_space<hbm>> -> memref<64x64xf32, #tpu.memory_space<hbm>>
    %dma_wait3A_190 = arith.constant 0 : i32
    %dma_wait3A_191 = arith.constant 0 : i32
    %dma_wait3A_192 = tpu.memref_slice %arg9[%dma_wait3A_190, %dma_wait3A_191] : memref<512x64xf32, #tpu.memory_space<vmem>> -> memref<64x64xf32, #tpu.memory_space<vmem>>
    %dma_wait3A_193 = arith.constant 0 : i32
    %dma_wait3A_194 = arith.constant 0 : i32
    %dma_wait3A_195 = tpu.memref_slice %arg5[%dma_wait3A_193, %dma_wait3A_194] : memref<1000000x64xf32, #tpu.memory_space<hbm>> -> memref<64x64xf32, #tpu.memory_space<hbm>>
    tpu.wait_dma2 semaphore(%arg16 : memref<!tpu.dma_semaphore, #tpu.memory_space<semaphore_mem>>) src(%dma_wait3A_195 : memref<64x64xf32, #tpu.memory_space<hbm>>) dst(%dma_wait3A_192 : memref<64x64xf32, #tpu.memory_space<vmem>>)
    %dma_wait3A_196 = arith.constant 0 : i32
    %dma_wait3A_197 = arith.constant 0 : i32
    %dma_wait3A_198 = tpu.memref_slice %arg9[%dma_wait3A_196, %dma_wait3A_197] : memref<512x64xf32, #tpu.memory_space<vmem>> -> memref<64x64xf32, #tpu.memory_space<vmem>>
    %dma_wait3A_199 = arith.constant 0 : i32
    %dma_wait3A_200 = arith.constant 0 : i32
    %dma_wait3A_201 = tpu.memref_slice %arg5[%dma_wait3A_199, %dma_wait3A_200] : memref<1000000x64xf32, #tpu.memory_space<hbm>> -> memref<64x64xf32, #tpu.memory_space<hbm>>
    %dma_wait3A_202 = arith.constant 0 : i32
    %dma_wait3A_203 = arith.constant 0 : i32
    %dma_wait3A_204 = tpu.memref_slice %arg9[%dma_wait3A_202, %dma_wait3A_203] : memref<512x64xf32, #tpu.memory_space<vmem>> -> memref<64x64xf32, #tpu.memory_space<vmem>>
    %dma_wait3A_205 = arith.constant 0 : i32
    %dma_wait3A_206 = arith.constant 0 : i32
    %dma_wait3A_207 = tpu.memref_slice %arg5[%dma_wait3A_205, %dma_wait3A_206] : memref<1000000x64xf32, #tpu.memory_space<hbm>> -> memref<64x64xf32, #tpu.memory_space<hbm>>
    tpu.wait_dma2 semaphore(%arg17 : memref<!tpu.dma_semaphore, #tpu.memory_space<semaphore_mem>>) src(%dma_wait3A_207 : memref<64x64xf32, #tpu.memory_space<hbm>>) dst(%dma_wait3A_204 : memref<64x64xf32, #tpu.memory_space<vmem>>)
    %scan3A_208 = arith.constant 0 : i32
    %scan3A_209 = arith.constant 128 : i32
    %scan3A_210 = arith.addi %scan3A_208, %scan3A_209 : i32
    %scan3A_211 = arith.constant 1 : i32
    scf.for %scan3A_214 = %scan3A_208 to %scan3A_210 step %scan3A_211  : i32 {
      %mul3A_215 = arith.constant 4 : i32
      %mul3A_216 = arith.muli %scan3A_214, %mul3A_215 : i32
      %add3A_217 = arith.constant 0 : i32
      %add3A_218 = arith.addi %mul3A_216, %add3A_217 : i32
      %get3A = arith.index_cast %add3A_218 : i32 to index
      %get3A_219 = arith.constant 0 : index
      %get3A_220 = tpu.vector_load %arg9[%get3A, %get3A_219] {strides = array<i32>} : memref<512x64xf32, #tpu.memory_space<vmem>>, vector<1x16xf32>,
      %get3A_221 = vector.shape_cast %get3A_220 : vector<1x16xf32> to vector<16xf32>
      %get3A_222 = arith.index_cast %add3A_218 : i32 to index
      %get3A_223 = arith.constant 16 : index
      %get3A_224 = tpu.vector_load %arg9[%get3A_222, %get3A_223] {strides = array<i32>} : memref<512x64xf32, #tpu.memory_space<vmem>>, vector<1x16xf32>,
      %get3A_225 = vector.shape_cast %get3A_224 : vector<1x16xf32> to vector<16xf32>
      %get3A_226 = arith.index_cast %add3A_218 : i32 to index
      %get3A_227 = arith.constant 32 : index
      %get3A_228 = tpu.vector_load %arg9[%get3A_226, %get3A_227] {strides = array<i32>} : memref<512x64xf32, #tpu.memory_space<vmem>>, vector<1x16xf32>,
      %get3A_229 = vector.shape_cast %get3A_228 : vector<1x16xf32> to vector<16xf32>
      %get3A_230 = arith.index_cast %add3A_218 : i32 to index
      %get3A_231 = arith.constant 48 : index
      %get3A_232 = tpu.vector_load %arg9[%get3A_230, %get3A_231] {strides = array<i32>} : memref<512x64xf32, #tpu.memory_space<vmem>>, vector<1x16xf32>,
      %get3A_233 = vector.shape_cast %get3A_232 : vector<1x16xf32> to vector<16xf32>
      %mul3A_234 = arith.mulf %get3A_221, %get3A_221 : vector<16xf32>
      %mul3A_235 = arith.mulf %get3A_225, %get3A_225 : vector<16xf32>
      %add3A_236 = arith.addf %mul3A_234, %mul3A_235 : vector<16xf32>
      %mul3A_237 = arith.mulf %get3A_229, %get3A_229 : vector<16xf32>
      %add3A_238 = arith.addf %add3A_236, %mul3A_237 : vector<16xf32>
      %mul3A_239 = arith.mulf %get3A_233, %get3A_233 : vector<16xf32>
      %add3A_240 = arith.addf %add3A_238, %mul3A_239 : vector<16xf32>
      %xor3A = arith.constant 1 : i32
      %xor3A_241 = vector.broadcast %xor3A : i32 to vector<16xi32>
      %xor3A_242 = arith.xori %iota3A, %xor3A_241 : vector<16xi32>
      %broadcast_in_dim3A = vector.shape_cast %xor3A_242 : vector<16xi32> to vector<16x1xi32>
      %gather3A = vector.shape_cast %broadcast_in_dim3A : vector<16x1xi32> to vector<16xi32>
      %gather3A_243 = tpu.dynamic_gather %add3A_240[%gather3A] in [0] : vector<16xf32>, vector<16xi32> -> vector<16xf32>
      %add3A_244 = arith.addf %add3A_240, %gather3A_243 : vector<16xf32>
      %xor3A_245 = arith.constant 2 : i32
      %xor3A_246 = vector.broadcast %xor3A_245 : i32 to vector<16xi32>
      %xor3A_247 = arith.xori %iota3A, %xor3A_246 : vector<16xi32>
      %broadcast_in_dim3A_248 = vector.shape_cast %xor3A_247 : vector<16xi32> to vector<16x1xi32>
      %gather3A_249 = vector.shape_cast %broadcast_in_dim3A_248 : vector<16x1xi32> to vector<16xi32>
      %gather3A_250 = tpu.dynamic_gather %add3A_244[%gather3A_249] in [0] : vector<16xf32>, vector<16xi32> -> vector<16xf32>
      %add3A_251 = arith.addf %add3A_244, %gather3A_250 : vector<16xf32>
      %xor3A_252 = arith.constant 4 : i32
      %xor3A_253 = vector.broadcast %xor3A_252 : i32 to vector<16xi32>
      %xor3A_254 = arith.xori %iota3A, %xor3A_253 : vector<16xi32>
      %broadcast_in_dim3A_255 = vector.shape_cast %xor3A_254 : vector<16xi32> to vector<16x1xi32>
      %gather3A_256 = vector.shape_cast %broadcast_in_dim3A_255 : vector<16x1xi32> to vector<16xi32>
      %gather3A_257 = tpu.dynamic_gather %add3A_251[%gather3A_256] in [0] : vector<16xf32>, vector<16xi32> -> vector<16xf32>
      %add3A_258 = arith.addf %add3A_251, %gather3A_257 : vector<16xf32>
      %xor3A_259 = arith.constant 8 : i32
      %xor3A_260 = vector.broadcast %xor3A_259 : i32 to vector<16xi32>
      %xor3A_261 = arith.xori %iota3A, %xor3A_260 : vector<16xi32>
      %broadcast_in_dim3A_262 = vector.shape_cast %xor3A_261 : vector<16xi32> to vector<16x1xi32>
      %gather3A_263 = vector.shape_cast %broadcast_in_dim3A_262 : vector<16x1xi32> to vector<16xi32>
      %gather3A_264 = tpu.dynamic_gather %add3A_258[%gather3A_263] in [0] : vector<16xf32>, vector<16xi32> -> vector<16xf32>
      %add3A_265 = arith.addf %add3A_258, %gather3A_264 : vector<16xf32>
      %max3A = arith.constant 1.000000e-24 : f32
      %max3A_266 = vector.broadcast %max3A : f32 to vector<16xf32>
      %max3A_267 = arith.maximumf %add3A_265, %max3A_266 : vector<16xf32>
      %bitcast_convert_type3A = tpu.bitcast %max3A_267 : vector<16xf32> -> vector<16xi32>
      %shift_right_logical3A = arith.constant 1 : i32
      %shift_right_logical3A_268 = vector.broadcast %shift_right_logical3A : i32 to vector<16xi32>
      %shift_right_logical3A_269 = arith.shrui %bitcast_convert_type3A, %shift_right_logical3A_268 : vector<16xi32>
      %sub3A = arith.constant 1597463007 : i32
      %sub3A_270 = vector.broadcast %sub3A : i32 to vector<16xi32>
      %sub3A_271 = arith.subi %sub3A_270, %shift_right_logical3A_269 : vector<16xi32>
      %bitcast_convert_type3A_272 = tpu.bitcast %sub3A_271 : vector<16xi32> -> vector<16xf32>
      %mul3A_273 = arith.constant 5.000000e-01 : f32
      %mul3A_274 = vector.broadcast %mul3A_273 : f32 to vector<16xf32>
      %mul3A_275 = arith.mulf %mul3A_274, %max3A_267 : vector<16xf32>
      %mul3A_276 = arith.mulf %mul3A_275, %bitcast_convert_type3A_272 : vector<16xf32>
      %mul3A_277 = arith.mulf %mul3A_276, %bitcast_convert_type3A_272 : vector<16xf32>
      %sub3A_278 = arith.constant 1.500000e+00 : f32
      %sub3A_279 = vector.broadcast %sub3A_278 : f32 to vector<16xf32>
      %sub3A_280 = arith.subf %sub3A_279, %mul3A_277 : vector<16xf32>
      %mul3A_281 = arith.mulf %bitcast_convert_type3A_272, %sub3A_280 : vector<16xf32>
      %mul3A_282 = arith.constant 5.000000e-01 : f32
      %mul3A_283 = vector.broadcast %mul3A_282 : f32 to vector<16xf32>
      %mul3A_284 = arith.mulf %mul3A_283, %max3A_267 : vector<16xf32>
      %mul3A_285 = arith.mulf %mul3A_284, %mul3A_281 : vector<16xf32>
      %mul3A_286 = arith.mulf %mul3A_285, %mul3A_281 : vector<16xf32>
      %sub3A_287 = arith.constant 1.500000e+00 : f32
      %sub3A_288 = vector.broadcast %sub3A_287 : f32 to vector<16xf32>
      %sub3A_289 = arith.subf %sub3A_288, %mul3A_286 : vector<16xf32>
      %mul3A_290 = arith.mulf %mul3A_281, %sub3A_289 : vector<16xf32>
      %mul3A_291 = arith.mulf %get3A_221, %mul3A_290 : vector<16xf32>
      %swap3A = arith.index_cast %add3A_218 : i32 to index
      %swap3A_292 = arith.constant 0 : index
      %swap3A_293 = tpu.vector_load %arg9[%swap3A, %swap3A_292] {strides = array<i32>} : memref<512x64xf32, #tpu.memory_space<vmem>>, vector<1x16xf32>,
      %swap3A_294 = vector.shape_cast %swap3A_293 : vector<1x16xf32> to vector<16xf32>
      %swap3A_295 = vector.shape_cast %mul3A_291 : vector<16xf32> to vector<1x16xf32>
      tpu.vector_store %arg9[%swap3A, %swap3A_292], %swap3A_295 {strides = array<i32>} : memref<512x64xf32, #tpu.memory_space<vmem>>, vector<1x16xf32>,
      %mul3A_296 = arith.mulf %get3A_225, %mul3A_290 : vector<16xf32>
      %swap3A_297 = arith.index_cast %add3A_218 : i32 to index
      %swap3A_298 = arith.constant 16 : index
      %swap3A_299 = tpu.vector_load %arg9[%swap3A_297, %swap3A_298] {strides = array<i32>} : memref<512x64xf32, #tpu.memory_space<vmem>>, vector<1x16xf32>,
      %swap3A_300 = vector.shape_cast %swap3A_299 : vector<1x16xf32> to vector<16xf32>
      %swap3A_301 = vector.shape_cast %mul3A_296 : vector<16xf32> to vector<1x16xf32>
      tpu.vector_store %arg9[%swap3A_297, %swap3A_298], %swap3A_301 {strides = array<i32>} : memref<512x64xf32, #tpu.memory_space<vmem>>, vector<1x16xf32>,
      %mul3A_302 = arith.mulf %get3A_229, %mul3A_290 : vector<16xf32>
      %swap3A_303 = arith.index_cast %add3A_218 : i32 to index
      %swap3A_304 = arith.constant 32 : index
      %swap3A_305 = tpu.vector_load %arg9[%swap3A_303, %swap3A_304] {strides = array<i32>} : memref<512x64xf32, #tpu.memory_space<vmem>>, vector<1x16xf32>,
      %swap3A_306 = vector.shape_cast %swap3A_305 : vector<1x16xf32> to vector<16xf32>
      %swap3A_307 = vector.shape_cast %mul3A_302 : vector<16xf32> to vector<1x16xf32>
      tpu.vector_store %arg9[%swap3A_303, %swap3A_304], %swap3A_307 {strides = array<i32>} : memref<512x64xf32, #tpu.memory_space<vmem>>, vector<1x16xf32>,
      %mul3A_308 = arith.mulf %get3A_233, %mul3A_290 : vector<16xf32>
      %swap3A_309 = arith.index_cast %add3A_218 : i32 to index
      %swap3A_310 = arith.constant 48 : index
      %swap3A_311 = tpu.vector_load %arg9[%swap3A_309, %swap3A_310] {strides = array<i32>} : memref<512x64xf32, #tpu.memory_space<vmem>>, vector<1x16xf32>,
      %swap3A_312 = vector.shape_cast %swap3A_311 : vector<1x16xf32> to vector<16xf32>
      %swap3A_313 = vector.shape_cast %mul3A_308 : vector<16xf32> to vector<1x16xf32>
      tpu.vector_store %arg9[%swap3A_309, %swap3A_310], %swap3A_313 {strides = array<i32>} : memref<512x64xf32, #tpu.memory_space<vmem>>, vector<1x16xf32>,
      %mul3A_314 = arith.constant 4 : i32
      %mul3A_315 = arith.muli %scan3A_214, %mul3A_314 : i32
      %add3A_316 = arith.constant 1 : i32
      %add3A_317 = arith.addi %mul3A_315, %add3A_316 : i32
      %get3A_318 = arith.index_cast %add3A_317 : i32 to index
      %get3A_319 = arith.constant 0 : index
      %get3A_320 = tpu.vector_load %arg9[%get3A_318, %get3A_319] {strides = array<i32>} : memref<512x64xf32, #tpu.memory_space<vmem>>, vector<1x16xf32>,
      %get3A_321 = vector.shape_cast %get3A_320 : vector<1x16xf32> to vector<16xf32>
      %get3A_322 = arith.index_cast %add3A_317 : i32 to index
      %get3A_323 = arith.constant 16 : index
      %get3A_324 = tpu.vector_load %arg9[%get3A_322, %get3A_323] {strides = array<i32>} : memref<512x64xf32, #tpu.memory_space<vmem>>, vector<1x16xf32>,
      %get3A_325 = vector.shape_cast %get3A_324 : vector<1x16xf32> to vector<16xf32>
      %get3A_326 = arith.index_cast %add3A_317 : i32 to index
      %get3A_327 = arith.constant 32 : index
      %get3A_328 = tpu.vector_load %arg9[%get3A_326, %get3A_327] {strides = array<i32>} : memref<512x64xf32, #tpu.memory_space<vmem>>, vector<1x16xf32>,
      %get3A_329 = vector.shape_cast %get3A_328 : vector<1x16xf32> to vector<16xf32>
      %get3A_330 = arith.index_cast %add3A_317 : i32 to index
      %get3A_331 = arith.constant 48 : index
      %get3A_332 = tpu.vector_load %arg9[%get3A_330, %get3A_331] {strides = array<i32>} : memref<512x64xf32, #tpu.memory_space<vmem>>, vector<1x16xf32>,
      %get3A_333 = vector.shape_cast %get3A_332 : vector<1x16xf32> to vector<16xf32>
      %mul3A_334 = arith.mulf %get3A_321, %get3A_321 : vector<16xf32>
      %mul3A_335 = arith.mulf %get3A_325, %get3A_325 : vector<16xf32>
      %add3A_336 = arith.addf %mul3A_334, %mul3A_335 : vector<16xf32>
      %mul3A_337 = arith.mulf %get3A_329, %get3A_329 : vector<16xf32>
      %add3A_338 = arith.addf %add3A_336, %mul3A_337 : vector<16xf32>
      %mul3A_339 = arith.mulf %get3A_333, %get3A_333 : vector<16xf32>
      %add3A_340 = arith.addf %add3A_338, %mul3A_339 : vector<16xf32>
      %xor3A_341 = arith.constant 1 : i32
      %xor3A_342 = vector.broadcast %xor3A_341 : i32 to vector<16xi32>
      %xor3A_343 = arith.xori %iota3A, %xor3A_342 : vector<16xi32>
      %broadcast_in_dim3A_344 = vector.shape_cast %xor3A_343 : vector<16xi32> to vector<16x1xi32>
      %gather3A_345 = vector.shape_cast %broadcast_in_dim3A_344 : vector<16x1xi32> to vector<16xi32>
      %gather3A_346 = tpu.dynamic_gather %add3A_340[%gather3A_345] in [0] : vector<16xf32>, vector<16xi32> -> vector<16xf32>
      %add3A_347 = arith.addf %add3A_340, %gather3A_346 : vector<16xf32>
      %xor3A_348 = arith.constant 2 : i32
      %xor3A_349 = vector.broadcast %xor3A_348 : i32 to vector<16xi32>
      %xor3A_350 = arith.xori %iota3A, %xor3A_349 : vector<16xi32>
      %broadcast_in_dim3A_351 = vector.shape_cast %xor3A_350 : vector<16xi32> to vector<16x1xi32>
      %gather3A_352 = vector.shape_cast %broadcast_in_dim3A_351 : vector<16x1xi32> to vector<16xi32>
      %gather3A_353 = tpu.dynamic_gather %add3A_347[%gather3A_352] in [0] : vector<16xf32>, vector<16xi32> -> vector<16xf32>
      %add3A_354 = arith.addf %add3A_347, %gather3A_353 : vector<16xf32>
      %xor3A_355 = arith.constant 4 : i32
      %xor3A_356 = vector.broadcast %xor3A_355 : i32 to vector<16xi32>
      %xor3A_357 = arith.xori %iota3A, %xor3A_356 : vector<16xi32>
      %broadcast_in_dim3A_358 = vector.shape_cast %xor3A_357 : vector<16xi32> to vector<16x1xi32>
      %gather3A_359 = vector.shape_cast %broadcast_in_dim3A_358 : vector<16x1xi32> to vector<16xi32>
      %gather3A_360 = tpu.dynamic_gather %add3A_354[%gather3A_359] in [0] : vector<16xf32>, vector<16xi32> -> vector<16xf32>
      %add3A_361 = arith.addf %add3A_354, %gather3A_360 : vector<16xf32>
      %xor3A_362 = arith.constant 8 : i32
      %xor3A_363 = vector.broadcast %xor3A_362 : i32 to vector<16xi32>
      %xor3A_364 = arith.xori %iota3A, %xor3A_363 : vector<16xi32>
      %broadcast_in_dim3A_365 = vector.shape_cast %xor3A_364 : vector<16xi32> to vector<16x1xi32>
      %gather3A_366 = vector.shape_cast %broadcast_in_dim3A_365 : vector<16x1xi32> to vector<16xi32>
      %gather3A_367 = tpu.dynamic_gather %add3A_361[%gather3A_366] in [0] : vector<16xf32>, vector<16xi32> -> vector<16xf32>
      %add3A_368 = arith.addf %add3A_361, %gather3A_367 : vector<16xf32>
      %max3A_369 = arith.constant 1.000000e-24 : f32
      %max3A_370 = vector.broadcast %max3A_369 : f32 to vector<16xf32>
      %max3A_371 = arith.maximumf %add3A_368, %max3A_370 : vector<16xf32>
      %bitcast_convert_type3A_372 = tpu.bitcast %max3A_371 : vector<16xf32> -> vector<16xi32>
      %shift_right_logical3A_373 = arith.constant 1 : i32
      %shift_right_logical3A_374 = vector.broadcast %shift_right_logical3A_373 : i32 to vector<16xi32>
      %shift_right_logical3A_375 = arith.shrui %bitcast_convert_type3A_372, %shift_right_logical3A_374 : vector<16xi32>
      %sub3A_376 = arith.constant 1597463007 : i32
      %sub3A_377 = vector.broadcast %sub3A_376 : i32 to vector<16xi32>
      %sub3A_378 = arith.subi %sub3A_377, %shift_right_logical3A_375 : vector<16xi32>
      %bitcast_convert_type3A_379 = tpu.bitcast %sub3A_378 : vector<16xi32> -> vector<16xf32>
      %mul3A_380 = arith.constant 5.000000e-01 : f32
      %mul3A_381 = vector.broadcast %mul3A_380 : f32 to vector<16xf32>
      %mul3A_382 = arith.mulf %mul3A_381, %max3A_371 : vector<16xf32>
      %mul3A_383 = arith.mulf %mul3A_382, %bitcast_convert_type3A_379 : vector<16xf32>
      %mul3A_384 = arith.mulf %mul3A_383, %bitcast_convert_type3A_379 : vector<16xf32>
      %sub3A_385 = arith.constant 1.500000e+00 : f32
      %sub3A_386 = vector.broadcast %sub3A_385 : f32 to vector<16xf32>
      %sub3A_387 = arith.subf %sub3A_386, %mul3A_384 : vector<16xf32>
      %mul3A_388 = arith.mulf %bitcast_convert_type3A_379, %sub3A_387 : vector<16xf32>
      %mul3A_389 = arith.constant 5.000000e-01 : f32
      %mul3A_390 = vector.broadcast %mul3A_389 : f32 to vector<16xf32>
      %mul3A_391 = arith.mulf %mul3A_390, %max3A_371 : vector<16xf32>
      %mul3A_392 = arith.mulf %mul3A_391, %mul3A_388 : vector<16xf32>
      %mul3A_393 = arith.mulf %mul3A_392, %mul3A_388 : vector<16xf32>
      %sub3A_394 = arith.constant 1.500000e+00 : f32
      %sub3A_395 = vector.broadcast %sub3A_394 : f32 to vector<16xf32>
      %sub3A_396 = arith.subf %sub3A_395, %mul3A_393 : vector<16xf32>
      %mul3A_397 = arith.mulf %mul3A_388, %sub3A_396 : vector<16xf32>
      %mul3A_398 = arith.mulf %get3A_321, %mul3A_397 : vector<16xf32>
      %swap3A_399 = arith.index_cast %add3A_317 : i32 to index
      %swap3A_400 = arith.constant 0 : index
      %swap3A_401 = tpu.vector_load %arg9[%swap3A_399, %swap3A_400] {strides = array<i32>} : memref<512x64xf32, #tpu.memory_space<vmem>>, vector<1x16xf32>,
      %swap3A_402 = vector.shape_cast %swap3A_401 : vector<1x16xf32> to vector<16xf32>
      %swap3A_403 = vector.shape_cast %mul3A_398 : vector<16xf32> to vector<1x16xf32>
      tpu.vector_store %arg9[%swap3A_399, %swap3A_400], %swap3A_403 {strides = array<i32>} : memref<512x64xf32, #tpu.memory_space<vmem>>, vector<1x16xf32>,
      %mul3A_404 = arith.mulf %get3A_325, %mul3A_397 : vector<16xf32>
      %swap3A_405 = arith.index_cast %add3A_317 : i32 to index
      %swap3A_406 = arith.constant 16 : index
      %swap3A_407 = tpu.vector_load %arg9[%swap3A_405, %swap3A_406] {strides = array<i32>} : memref<512x64xf32, #tpu.memory_space<vmem>>, vector<1x16xf32>,
      %swap3A_408 = vector.shape_cast %swap3A_407 : vector<1x16xf32> to vector<16xf32>
      %swap3A_409 = vector.shape_cast %mul3A_404 : vector<16xf32> to vector<1x16xf32>
      tpu.vector_store %arg9[%swap3A_405, %swap3A_406], %swap3A_409 {strides = array<i32>} : memref<512x64xf32, #tpu.memory_space<vmem>>, vector<1x16xf32>,
      %mul3A_410 = arith.mulf %get3A_329, %mul3A_397 : vector<16xf32>
      %swap3A_411 = arith.index_cast %add3A_317 : i32 to index
      %swap3A_412 = arith.constant 32 : index
      %swap3A_413 = tpu.vector_load %arg9[%swap3A_411, %swap3A_412] {strides = array<i32>} : memref<512x64xf32, #tpu.memory_space<vmem>>, vector<1x16xf32>,
      %swap3A_414 = vector.shape_cast %swap3A_413 : vector<1x16xf32> to vector<16xf32>
      %swap3A_415 = vector.shape_cast %mul3A_410 : vector<16xf32> to vector<1x16xf32>
      tpu.vector_store %arg9[%swap3A_411, %swap3A_412], %swap3A_415 {strides = array<i32>} : memref<512x64xf32, #tpu.memory_space<vmem>>, vector<1x16xf32>,
      %mul3A_416 = arith.mulf %get3A_333, %mul3A_397 : vector<16xf32>
      %swap3A_417 = arith.index_cast %add3A_317 : i32 to index
      %swap3A_418 = arith.constant 48 : index
      %swap3A_419 = tpu.vector_load %arg9[%swap3A_417, %swap3A_418] {strides = array<i32>} : memref<512x64xf32, #tpu.memory_space<vmem>>, vector<1x16xf32>,
      %swap3A_420 = vector.shape_cast %swap3A_419 : vector<1x16xf32> to vector<16xf32>
      %swap3A_421 = vector.shape_cast %mul3A_416 : vector<16xf32> to vector<1x16xf32>
      tpu.vector_store %arg9[%swap3A_417, %swap3A_418], %swap3A_421 {strides = array<i32>} : memref<512x64xf32, #tpu.memory_space<vmem>>, vector<1x16xf32>,
      %mul3A_422 = arith.constant 4 : i32
      %mul3A_423 = arith.muli %scan3A_214, %mul3A_422 : i32
      %add3A_424 = arith.constant 2 : i32
      %add3A_425 = arith.addi %mul3A_423, %add3A_424 : i32
      %get3A_426 = arith.index_cast %add3A_425 : i32 to index
      %get3A_427 = arith.constant 0 : index
      %get3A_428 = tpu.vector_load %arg9[%get3A_426, %get3A_427] {strides = array<i32>} : memref<512x64xf32, #tpu.memory_space<vmem>>, vector<1x16xf32>,
      %get3A_429 = vector.shape_cast %get3A_428 : vector<1x16xf32> to vector<16xf32>
      %get3A_430 = arith.index_cast %add3A_425 : i32 to index
      %get3A_431 = arith.constant 16 : index
      %get3A_432 = tpu.vector_load %arg9[%get3A_430, %get3A_431] {strides = array<i32>} : memref<512x64xf32, #tpu.memory_space<vmem>>, vector<1x16xf32>,
      %get3A_433 = vector.shape_cast %get3A_432 : vector<1x16xf32> to vector<16xf32>
      %get3A_434 = arith.index_cast %add3A_425 : i32 to index
      %get3A_435 = arith.constant 32 : index
      %get3A_436 = tpu.vector_load %arg9[%get3A_434, %get3A_435] {strides = array<i32>} : memref<512x64xf32, #tpu.memory_space<vmem>>, vector<1x16xf32>,
      %get3A_437 = vector.shape_cast %get3A_436 : vector<1x16xf32> to vector<16xf32>
      %get3A_438 = arith.index_cast %add3A_425 : i32 to index
      %get3A_439 = arith.constant 48 : index
      %get3A_440 = tpu.vector_load %arg9[%get3A_438, %get3A_439] {strides = array<i32>} : memref<512x64xf32, #tpu.memory_space<vmem>>, vector<1x16xf32>,
      %get3A_441 = vector.shape_cast %get3A_440 : vector<1x16xf32> to vector<16xf32>
      %mul3A_442 = arith.mulf %get3A_429, %get3A_429 : vector<16xf32>
      %mul3A_443 = arith.mulf %get3A_433, %get3A_433 : vector<16xf32>
      %add3A_444 = arith.addf %mul3A_442, %mul3A_443 : vector<16xf32>
      %mul3A_445 = arith.mulf %get3A_437, %get3A_437 : vector<16xf32>
      %add3A_446 = arith.addf %add3A_444, %mul3A_445 : vector<16xf32>
      %mul3A_447 = arith.mulf %get3A_441, %get3A_441 : vector<16xf32>
      %add3A_448 = arith.addf %add3A_446, %mul3A_447 : vector<16xf32>
      %xor3A_449 = arith.constant 1 : i32
      %xor3A_450 = vector.broadcast %xor3A_449 : i32 to vector<16xi32>
      %xor3A_451 = arith.xori %iota3A, %xor3A_450 : vector<16xi32>
      %broadcast_in_dim3A_452 = vector.shape_cast %xor3A_451 : vector<16xi32> to vector<16x1xi32>
      %gather3A_453 = vector.shape_cast %broadcast_in_dim3A_452 : vector<16x1xi32> to vector<16xi32>
      %gather3A_454 = tpu.dynamic_gather %add3A_448[%gather3A_453] in [0] : vector<16xf32>, vector<16xi32> -> vector<16xf32>
      %add3A_455 = arith.addf %add3A_448, %gather3A_454 : vector<16xf32>
      %xor3A_456 = arith.constant 2 : i32
      %xor3A_457 = vector.broadcast %xor3A_456 : i32 to vector<16xi32>
      %xor3A_458 = arith.xori %iota3A, %xor3A_457 : vector<16xi32>
      %broadcast_in_dim3A_459 = vector.shape_cast %xor3A_458 : vector<16xi32> to vector<16x1xi32>
      %gather3A_460 = vector.shape_cast %broadcast_in_dim3A_459 : vector<16x1xi32> to vector<16xi32>
      %gather3A_461 = tpu.dynamic_gather %add3A_455[%gather3A_460] in [0] : vector<16xf32>, vector<16xi32> -> vector<16xf32>
      %add3A_462 = arith.addf %add3A_455, %gather3A_461 : vector<16xf32>
      %xor3A_463 = arith.constant 4 : i32
      %xor3A_464 = vector.broadcast %xor3A_463 : i32 to vector<16xi32>
      %xor3A_465 = arith.xori %iota3A, %xor3A_464 : vector<16xi32>
      %broadcast_in_dim3A_466 = vector.shape_cast %xor3A_465 : vector<16xi32> to vector<16x1xi32>
      %gather3A_467 = vector.shape_cast %broadcast_in_dim3A_466 : vector<16x1xi32> to vector<16xi32>
      %gather3A_468 = tpu.dynamic_gather %add3A_462[%gather3A_467] in [0] : vector<16xf32>, vector<16xi32> -> vector<16xf32>
      %add3A_469 = arith.addf %add3A_462, %gather3A_468 : vector<16xf32>
      %xor3A_470 = arith.constant 8 : i32
      %xor3A_471 = vector.broadcast %xor3A_470 : i32 to vector<16xi32>
      %xor3A_472 = arith.xori %iota3A, %xor3A_471 : vector<16xi32>
      %broadcast_in_dim3A_473 = vector.shape_cast %xor3A_472 : vector<16xi32> to vector<16x1xi32>
      %gather3A_474 = vector.shape_cast %broadcast_in_dim3A_473 : vector<16x1xi32> to vector<16xi32>
      %gather3A_475 = tpu.dynamic_gather %add3A_469[%gather3A_474] in [0] : vector<16xf32>, vector<16xi32> -> vector<16xf32>
      %add3A_476 = arith.addf %add3A_469, %gather3A_475 : vector<16xf32>
      %max3A_477 = arith.constant 1.000000e-24 : f32
      %max3A_478 = vector.broadcast %max3A_477 : f32 to vector<16xf32>
      %max3A_479 = arith.maximumf %add3A_476, %max3A_478 : vector<16xf32>
      %bitcast_convert_type3A_480 = tpu.bitcast %max3A_479 : vector<16xf32> -> vector<16xi32>
      %shift_right_logical3A_481 = arith.constant 1 : i32
      %shift_right_logical3A_482 = vector.broadcast %shift_right_logical3A_481 : i32 to vector<16xi32>
      %shift_right_logical3A_483 = arith.shrui %bitcast_convert_type3A_480, %shift_right_logical3A_482 : vector<16xi32>
      %sub3A_484 = arith.constant 1597463007 : i32
      %sub3A_485 = vector.broadcast %sub3A_484 : i32 to vector<16xi32>
      %sub3A_486 = arith.subi %sub3A_485, %shift_right_logical3A_483 : vector<16xi32>
      %bitcast_convert_type3A_487 = tpu.bitcast %sub3A_486 : vector<16xi32> -> vector<16xf32>
      %mul3A_488 = arith.constant 5.000000e-01 : f32
      %mul3A_489 = vector.broadcast %mul3A_488 : f32 to vector<16xf32>
      %mul3A_490 = arith.mulf %mul3A_489, %max3A_479 : vector<16xf32>
      %mul3A_491 = arith.mulf %mul3A_490, %bitcast_convert_type3A_487 : vector<16xf32>
      %mul3A_492 = arith.mulf %mul3A_491, %bitcast_convert_type3A_487 : vector<16xf32>
      %sub3A_493 = arith.constant 1.500000e+00 : f32
      %sub3A_494 = vector.broadcast %sub3A_493 : f32 to vector<16xf32>
      %sub3A_495 = arith.subf %sub3A_494, %mul3A_492 : vector<16xf32>
      %mul3A_496 = arith.mulf %bitcast_convert_type3A_487, %sub3A_495 : vector<16xf32>
      %mul3A_497 = arith.constant 5.000000e-01 : f32
      %mul3A_498 = vector.broadcast %mul3A_497 : f32 to vector<16xf32>
      %mul3A_499 = arith.mulf %mul3A_498, %max3A_479 : vector<16xf32>
      %mul3A_500 = arith.mulf %mul3A_499, %mul3A_496 : vector<16xf32>
      %mul3A_501 = arith.mulf %mul3A_500, %mul3A_496 : vector<16xf32>
      %sub3A_502 = arith.constant 1.500000e+00 : f32
      %sub3A_503 = vector.broadcast %sub3A_502 : f32 to vector<16xf32>
      %sub3A_504 = arith.subf %sub3A_503, %mul3A_501 : vector<16xf32>
      %mul3A_505 = arith.mulf %mul3A_496, %sub3A_504 : vector<16xf32>
      %mul3A_506 = arith.mulf %get3A_429, %mul3A_505 : vector<16xf32>
      %swap3A_507 = arith.index_cast %add3A_425 : i32 to index
      %swap3A_508 = arith.constant 0 : index
      %swap3A_509 = tpu.vector_load %arg9[%swap3A_507, %swap3A_508] {strides = array<i32>} : memref<512x64xf32, #tpu.memory_space<vmem>>, vector<1x16xf32>,
      %swap3A_510 = vector.shape_cast %swap3A_509 : vector<1x16xf32> to vector<16xf32>
      %swap3A_511 = vector.shape_cast %mul3A_506 : vector<16xf32> to vector<1x16xf32>
      tpu.vector_store %arg9[%swap3A_507, %swap3A_508], %swap3A_511 {strides = array<i32>} : memref<512x64xf32, #tpu.memory_space<vmem>>, vector<1x16xf32>,
      %mul3A_512 = arith.mulf %get3A_433, %mul3A_505 : vector<16xf32>
      %swap3A_513 = arith.index_cast %add3A_425 : i32 to index
      %swap3A_514 = arith.constant 16 : index
      %swap3A_515 = tpu.vector_load %arg9[%swap3A_513, %swap3A_514] {strides = array<i32>} : memref<512x64xf32, #tpu.memory_space<vmem>>, vector<1x16xf32>,
      %swap3A_516 = vector.shape_cast %swap3A_515 : vector<1x16xf32> to vector<16xf32>
      %swap3A_517 = vector.shape_cast %mul3A_512 : vector<16xf32> to vector<1x16xf32>
      tpu.vector_store %arg9[%swap3A_513, %swap3A_514], %swap3A_517 {strides = array<i32>} : memref<512x64xf32, #tpu.memory_space<vmem>>, vector<1x16xf32>,
      %mul3A_518 = arith.mulf %get3A_437, %mul3A_505 : vector<16xf32>
      %swap3A_519 = arith.index_cast %add3A_425 : i32 to index
      %swap3A_520 = arith.constant 32 : index
      %swap3A_521 = tpu.vector_load %arg9[%swap3A_519, %swap3A_520] {strides = array<i32>} : memref<512x64xf32, #tpu.memory_space<vmem>>, vector<1x16xf32>,
      %swap3A_522 = vector.shape_cast %swap3A_521 : vector<1x16xf32> to vector<16xf32>
      %swap3A_523 = vector.shape_cast %mul3A_518 : vector<16xf32> to vector<1x16xf32>
      tpu.vector_store %arg9[%swap3A_519, %swap3A_520], %swap3A_523 {strides = array<i32>} : memref<512x64xf32, #tpu.memory_space<vmem>>, vector<1x16xf32>,
      %mul3A_524 = arith.mulf %get3A_441, %mul3A_505 : vector<16xf32>
      %swap3A_525 = arith.index_cast %add3A_425 : i32 to index
      %swap3A_526 = arith.constant 48 : index
      %swap3A_527 = tpu.vector_load %arg9[%swap3A_525, %swap3A_526] {strides = array<i32>} : memref<512x64xf32, #tpu.memory_space<vmem>>, vector<1x16xf32>,
      %swap3A_528 = vector.shape_cast %swap3A_527 : vector<1x16xf32> to vector<16xf32>
      %swap3A_529 = vector.shape_cast %mul3A_524 : vector<16xf32> to vector<1x16xf32>
      tpu.vector_store %arg9[%swap3A_525, %swap3A_526], %swap3A_529 {strides = array<i32>} : memref<512x64xf32, #tpu.memory_space<vmem>>, vector<1x16xf32>,
      %mul3A_530 = arith.constant 4 : i32
      %mul3A_531 = arith.muli %scan3A_214, %mul3A_530 : i32
      %add3A_532 = arith.constant 3 : i32
      %add3A_533 = arith.addi %mul3A_531, %add3A_532 : i32
      %get3A_534 = arith.index_cast %add3A_533 : i32 to index
      %get3A_535 = arith.constant 0 : index
      %get3A_536 = tpu.vector_load %arg9[%get3A_534, %get3A_535] {strides = array<i32>} : memref<512x64xf32, #tpu.memory_space<vmem>>, vector<1x16xf32>,
      %get3A_537 = vector.shape_cast %get3A_536 : vector<1x16xf32> to vector<16xf32>
      %get3A_538 = arith.index_cast %add3A_533 : i32 to index
      %get3A_539 = arith.constant 16 : index
      %get3A_540 = tpu.vector_load %arg9[%get3A_538, %get3A_539] {strides = array<i32>} : memref<512x64xf32, #tpu.memory_space<vmem>>, vector<1x16xf32>,
      %get3A_541 = vector.shape_cast %get3A_540 : vector<1x16xf32> to vector<16xf32>
      %get3A_542 = arith.index_cast %add3A_533 : i32 to index
      %get3A_543 = arith.constant 32 : index
      %get3A_544 = tpu.vector_load %arg9[%get3A_542, %get3A_543] {strides = array<i32>} : memref<512x64xf32, #tpu.memory_space<vmem>>, vector<1x16xf32>,
      %get3A_545 = vector.shape_cast %get3A_544 : vector<1x16xf32> to vector<16xf32>
      %get3A_546 = arith.index_cast %add3A_533 : i32 to index
      %get3A_547 = arith.constant 48 : index
      %get3A_548 = tpu.vector_load %arg9[%get3A_546, %get3A_547] {strides = array<i32>} : memref<512x64xf32, #tpu.memory_space<vmem>>, vector<1x16xf32>,
      %get3A_549 = vector.shape_cast %get3A_548 : vector<1x16xf32> to vector<16xf32>
      %mul3A_550 = arith.mulf %get3A_537, %get3A_537 : vector<16xf32>
      %mul3A_551 = arith.mulf %get3A_541, %get3A_541 : vector<16xf32>
      %add3A_552 = arith.addf %mul3A_550, %mul3A_551 : vector<16xf32>
      %mul3A_553 = arith.mulf %get3A_545, %get3A_545 : vector<16xf32>
      %add3A_554 = arith.addf %add3A_552, %mul3A_553 : vector<16xf32>
      %mul3A_555 = arith.mulf %get3A_549, %get3A_549 : vector<16xf32>
      %add3A_556 = arith.addf %add3A_554, %mul3A_555 : vector<16xf32>
      %xor3A_557 = arith.constant 1 : i32
      %xor3A_558 = vector.broadcast %xor3A_557 : i32 to vector<16xi32>
      %xor3A_559 = arith.xori %iota3A, %xor3A_558 : vector<16xi32>
      %broadcast_in_dim3A_560 = vector.shape_cast %xor3A_559 : vector<16xi32> to vector<16x1xi32>
      %gather3A_561 = vector.shape_cast %broadcast_in_dim3A_560 : vector<16x1xi32> to vector<16xi32>
      %gather3A_562 = tpu.dynamic_gather %add3A_556[%gather3A_561] in [0] : vector<16xf32>, vector<16xi32> -> vector<16xf32>
      %add3A_563 = arith.addf %add3A_556, %gather3A_562 : vector<16xf32>
      %xor3A_564 = arith.constant 2 : i32
      %xor3A_565 = vector.broadcast %xor3A_564 : i32 to vector<16xi32>
      %xor3A_566 = arith.xori %iota3A, %xor3A_565 : vector<16xi32>
      %broadcast_in_dim3A_567 = vector.shape_cast %xor3A_566 : vector<16xi32> to vector<16x1xi32>
      %gather3A_568 = vector.shape_cast %broadcast_in_dim3A_567 : vector<16x1xi32> to vector<16xi32>
      %gather3A_569 = tpu.dynamic_gather %add3A_563[%gather3A_568] in [0] : vector<16xf32>, vector<16xi32> -> vector<16xf32>
      %add3A_570 = arith.addf %add3A_563, %gather3A_569 : vector<16xf32>
      %xor3A_571 = arith.constant 4 : i32
      %xor3A_572 = vector.broadcast %xor3A_571 : i32 to vector<16xi32>
      %xor3A_573 = arith.xori %iota3A, %xor3A_572 : vector<16xi32>
      %broadcast_in_dim3A_574 = vector.shape_cast %xor3A_573 : vector<16xi32> to vector<16x1xi32>
      %gather3A_575 = vector.shape_cast %broadcast_in_dim3A_574 : vector<16x1xi32> to vector<16xi32>
      %gather3A_576 = tpu.dynamic_gather %add3A_570[%gather3A_575] in [0] : vector<16xf32>, vector<16xi32> -> vector<16xf32>
      %add3A_577 = arith.addf %add3A_570, %gather3A_576 : vector<16xf32>
      %xor3A_578 = arith.constant 8 : i32
      %xor3A_579 = vector.broadcast %xor3A_578 : i32 to vector<16xi32>
      %xor3A_580 = arith.xori %iota3A, %xor3A_579 : vector<16xi32>
      %broadcast_in_dim3A_581 = vector.shape_cast %xor3A_580 : vector<16xi32> to vector<16x1xi32>
      %gather3A_582 = vector.shape_cast %broadcast_in_dim3A_581 : vector<16x1xi32> to vector<16xi32>
      %gather3A_583 = tpu.dynamic_gather %add3A_577[%gather3A_582] in [0] : vector<16xf32>, vector<16xi32> -> vector<16xf32>
      %add3A_584 = arith.addf %add3A_577, %gather3A_583 : vector<16xf32>
      %max3A_585 = arith.constant 1.000000e-24 : f32
      %max3A_586 = vector.broadcast %max3A_585 : f32 to vector<16xf32>
      %max3A_587 = arith.maximumf %add3A_584, %max3A_586 : vector<16xf32>
      %bitcast_convert_type3A_588 = tpu.bitcast %max3A_587 : vector<16xf32> -> vector<16xi32>
      %shift_right_logical3A_589 = arith.constant 1 : i32
      %shift_right_logical3A_590 = vector.broadcast %shift_right_logical3A_589 : i32 to vector<16xi32>
      %shift_right_logical3A_591 = arith.shrui %bitcast_convert_type3A_588, %shift_right_logical3A_590 : vector<16xi32>
      %sub3A_592 = arith.constant 1597463007 : i32
      %sub3A_593 = vector.broadcast %sub3A_592 : i32 to vector<16xi32>
      %sub3A_594 = arith.subi %sub3A_593, %shift_right_logical3A_591 : vector<16xi32>
      %bitcast_convert_type3A_595 = tpu.bitcast %sub3A_594 : vector<16xi32> -> vector<16xf32>
      %mul3A_596 = arith.constant 5.000000e-01 : f32
      %mul3A_597 = vector.broadcast %mul3A_596 : f32 to vector<16xf32>
      %mul3A_598 = arith.mulf %mul3A_597, %max3A_587 : vector<16xf32>
      %mul3A_599 = arith.mulf %mul3A_598, %bitcast_convert_type3A_595 : vector<16xf32>
      %mul3A_600 = arith.mulf %mul3A_599, %bitcast_convert_type3A_595 : vector<16xf32>
      %sub3A_601 = arith.constant 1.500000e+00 : f32
      %sub3A_602 = vector.broadcast %sub3A_601 : f32 to vector<16xf32>
      %sub3A_603 = arith.subf %sub3A_602, %mul3A_600 : vector<16xf32>
      %mul3A_604 = arith.mulf %bitcast_convert_type3A_595, %sub3A_603 : vector<16xf32>
      %mul3A_605 = arith.constant 5.000000e-01 : f32
      %mul3A_606 = vector.broadcast %mul3A_605 : f32 to vector<16xf32>
      %mul3A_607 = arith.mulf %mul3A_606, %max3A_587 : vector<16xf32>
      %mul3A_608 = arith.mulf %mul3A_607, %mul3A_604 : vector<16xf32>
      %mul3A_609 = arith.mulf %mul3A_608, %mul3A_604 : vector<16xf32>
      %sub3A_610 = arith.constant 1.500000e+00 : f32
      %sub3A_611 = vector.broadcast %sub3A_610 : f32 to vector<16xf32>
      %sub3A_612 = arith.subf %sub3A_611, %mul3A_609 : vector<16xf32>
      %mul3A_613 = arith.mulf %mul3A_604, %sub3A_612 : vector<16xf32>
      %mul3A_614 = arith.mulf %get3A_537, %mul3A_613 : vector<16xf32>
      %swap3A_615 = arith.index_cast %add3A_533 : i32 to index
      %swap3A_616 = arith.constant 0 : index
      %swap3A_617 = tpu.vector_load %arg9[%swap3A_615, %swap3A_616] {strides = array<i32>} : memref<512x64xf32, #tpu.memory_space<vmem>>, vector<1x16xf32>,
      %swap3A_618 = vector.shape_cast %swap3A_617 : vector<1x16xf32> to vector<16xf32>
      %swap3A_619 = vector.shape_cast %mul3A_614 : vector<16xf32> to vector<1x16xf32>
      tpu.vector_store %arg9[%swap3A_615, %swap3A_616], %swap3A_619 {strides = array<i32>} : memref<512x64xf32, #tpu.memory_space<vmem>>, vector<1x16xf32>,
      %mul3A_620 = arith.mulf %get3A_541, %mul3A_613 : vector<16xf32>
      %swap3A_621 = arith.index_cast %add3A_533 : i32 to index
      %swap3A_622 = arith.constant 16 : index
      %swap3A_623 = tpu.vector_load %arg9[%swap3A_621, %swap3A_622] {strides = array<i32>} : memref<512x64xf32, #tpu.memory_space<vmem>>, vector<1x16xf32>,
      %swap3A_624 = vector.shape_cast %swap3A_623 : vector<1x16xf32> to vector<16xf32>
      %swap3A_625 = vector.shape_cast %mul3A_620 : vector<16xf32> to vector<1x16xf32>
      tpu.vector_store %arg9[%swap3A_621, %swap3A_622], %swap3A_625 {strides = array<i32>} : memref<512x64xf32, #tpu.memory_space<vmem>>, vector<1x16xf32>,
      %mul3A_626 = arith.mulf %get3A_545, %mul3A_613 : vector<16xf32>
      %swap3A_627 = arith.index_cast %add3A_533 : i32 to index
      %swap3A_628 = arith.constant 32 : index
      %swap3A_629 = tpu.vector_load %arg9[%swap3A_627, %swap3A_628] {strides = array<i32>} : memref<512x64xf32, #tpu.memory_space<vmem>>, vector<1x16xf32>,
      %swap3A_630 = vector.shape_cast %swap3A_629 : vector<1x16xf32> to vector<16xf32>
      %swap3A_631 = vector.shape_cast %mul3A_626 : vector<16xf32> to vector<1x16xf32>
      tpu.vector_store %arg9[%swap3A_627, %swap3A_628], %swap3A_631 {strides = array<i32>} : memref<512x64xf32, #tpu.memory_space<vmem>>, vector<1x16xf32>,
      %mul3A_632 = arith.mulf %get3A_549, %mul3A_613 : vector<16xf32>
      %swap3A_633 = arith.index_cast %add3A_533 : i32 to index
      %swap3A_634 = arith.constant 48 : index
      %swap3A_635 = tpu.vector_load %arg9[%swap3A_633, %swap3A_634] {strides = array<i32>} : memref<512x64xf32, #tpu.memory_space<vmem>>, vector<1x16xf32>,
      %swap3A_636 = vector.shape_cast %swap3A_635 : vector<1x16xf32> to vector<16xf32>
      %swap3A_637 = vector.shape_cast %mul3A_632 : vector<16xf32> to vector<1x16xf32>
      tpu.vector_store %arg9[%swap3A_633, %swap3A_634], %swap3A_637 {strides = array<i32>} : memref<512x64xf32, #tpu.memory_space<vmem>>, vector<1x16xf32>,
    }
    %scan3A_212 = arith.constant 128 : i32
    %run_scoped3A_213 = arith.constant 1 : i32
    "tpu.region"() ({
      %run_scoped3A_214 = tpu.sem_alloc : memref<!tpu.dma_semaphore, #tpu.memory_space<semaphore_mem>>
      %dma_start3A = arith.constant 0 : i32
      %dma_start3A_215 = tpu.memref_slice %arg6[%run_scoped3A_213, %mul3A_2, %dma_start3A] : memref<2x16384x64xf32, #tpu.memory_space<hbm>> -> memref<1x512x64xf32, #tpu.memory_space<hbm>>
      %dma_start3A_216 = tpu.memref_squeeze %dma_start3A_215 : memref<1x512x64xf32, #tpu.memory_space<hbm>> -> memref<512x64xf32, #tpu.memory_space<hbm>>
      %dma_start3A_217 = arith.constant 0 : i32
      %dma_start3A_218 = tpu.memref_slice %arg6[%run_scoped3A_213, %mul3A_2, %dma_start3A_217] : memref<2x16384x64xf32, #tpu.memory_space<hbm>> -> memref<1x512x64xf32, #tpu.memory_space<hbm>>
      %dma_start3A_219 = tpu.memref_squeeze %dma_start3A_218 : memref<1x512x64xf32, #tpu.memory_space<hbm>> -> memref<512x64xf32, #tpu.memory_space<hbm>>
      tpu.enqueue_dma source(%arg9 : memref<512x64xf32, #tpu.memory_space<vmem>>) target(%dma_start3A_219 : memref<512x64xf32, #tpu.memory_space<hbm>>) target_semaphore(%run_scoped3A_214 : memref<!tpu.dma_semaphore, #tpu.memory_space<semaphore_mem>>)
      %dma_wait3A_220 = arith.constant 0 : i32
      %dma_wait3A_221 = tpu.memref_slice %arg6[%run_scoped3A_213, %mul3A_2, %dma_wait3A_220] : memref<2x16384x64xf32, #tpu.memory_space<hbm>> -> memref<1x512x64xf32, #tpu.memory_space<hbm>>
      %dma_wait3A_222 = tpu.memref_squeeze %dma_wait3A_221 : memref<1x512x64xf32, #tpu.memory_space<hbm>> -> memref<512x64xf32, #tpu.memory_space<hbm>>
      %dma_wait3A_223 = arith.constant 0 : i32
      %dma_wait3A_224 = tpu.memref_slice %arg6[%run_scoped3A_213, %mul3A_2, %dma_wait3A_223] : memref<2x16384x64xf32, #tpu.memory_space<hbm>> -> memref<1x512x64xf32, #tpu.memory_space<hbm>>
      %dma_wait3A_225 = tpu.memref_squeeze %dma_wait3A_224 : memref<1x512x64xf32, #tpu.memory_space<hbm>> -> memref<512x64xf32, #tpu.memory_space<hbm>>
      tpu.wait_dma2 semaphore(%run_scoped3A_214 : memref<!tpu.dma_semaphore, #tpu.memory_space<semaphore_mem>>) src(%arg9 : memref<512x64xf32, #tpu.memory_space<vmem>>) dst(%dma_wait3A_225 : memref<512x64xf32, #tpu.memory_space<hbm>>)
      tpu.yield
    }) : () -> ()
    return
  }
}

</mosaic_0001>

<sc_bundles>
// kernel: kernel.3.cloned.1.call-start
scs
__scs_entry_jumppad:
0x0: {  	(pc) =	sbr.rel $0x88, $3  }
0x1: {  	(tag) =	ssettag $0x0;
	lr =	simm.s32 $0x1  }
0x2: {  	[smem:$0x3F9D] =	sst lr;
	_ =	strace $0xD0000000  }
0x3: {  	_ = 	snop  }
0x4: {  	_ = 	snop  }
0x5: {  	_ = 	snop  }
0x6: {  	_ = 	snop  }
0x7: {  	_ = 	snop  }
__scs_overlays_trampoline_lowered:
0x8: {  	[smem:$0x3FAC] =	sst s0  }
0x9: {  	[smem:$0x3FAD] =	sst s1  }
0xa: {  	[smem:$0x3FAE] =	sst s2  }
0xb: {  	[smem:$0x3FAF] =	sst s3  }
0xc: {  	[smem:$0x3FB0] =	sst s4  }
0xd: {  	[smem:$0x3FB1] =	sst s5  }
0xe: {  	[smem:$0x3FB2] =	sst s6  }
0xf: {  	[smem:$0x3FB3] =	sst s7  }
0x10: {  	[smem:$0x3FB4] =	sst s8  }
0x11: {  	[smem:$0x3FB5] =	sst s9;
	s0 =	simm.s32 @!p0 $0x0  }
0x12: {  	s1 =	sld [smem:$0x3F9B];
	s0 =	simm.s32 @p0 $0x1  }
0x13: {  	[smem:$0x3FB6] =	sst s0;
	s0 =	simm.s32 @!p1 $0x0  }
0x14: {  	s2 =	sld [smem:$0x3F9A];
	s0 =	simm.s32 @p1 $0x1  }
0x15: {  	[smem:$0x3FB7] =	sst s0;
	s0 =	simm.s32 @!p2 $0x0  }
0x16: {  	s3 =	sld [smem:$0x3FDB];
	s0 =	simm.s32 @p2 $0x1  }
0x17: {  	s4 =	simm.s32 $0x1BF5;
	[smem:$0x3FB9] =	sst s0  }
0x18: {  	s0 =	sld [smem:$0x3F9C];
	_ =	swait.ge [sflag:s4], $0x0  }
0x19: {  	s7 =	sld [smem:$0x3F9D]  }
0x1a: {  	s8 =	sadd.s32 $0xFFFFE003, lr  }
0x1b: {  	s9 =	sadd.s32 $0xFFFFFEF7, lr;
	s5 =	simm.s32 $0xFFFFFFFF;
	p2 =	slt.u32 s8, $0xFFFFF086  }
0x1c: {  	p1 =	slt.u32 s9, $0xF7A;
	s5 =	simm.s32 @!p2 $0x0  }
0x1d: {  	s5 =	simm.s32 @p1 $0x1;
	p0 =	seq.s32 s7, s2  }
0x1e: {  	s7 =	smul.u32 @!p0 $0xF7A, s2;
	p2 =	seq.s32 @!p0 s5, $0x0  }
0x1f: {  	s9 =	smul.u32 $0xF7A, s1;
	s8 =	simm.s32 @!p0 $0x1BF5;
	p2 =	por !p2, p0  }
0x20: {  	[sflag:s8] =	ssyncset.s32 @!p0 $0xFFFFF086;
	s6 =	sadd.s32 @!p0 s3, s7;
	s7 =	simm.s32 @!p0 $0x108  }
0x21: {  	s3 =	sadd.s32 s3, s9;
	s6 =	sadd.s32 @!p0 $0x88, s6;
	s7 =	simm.s32 @p2 $0x1082  }
0x22: {  	[simem:s7], [sflag:s8] =	dma.local @!p0 [hbm:s6], $0xF7A  }
0x23: {  	s9 =	sor.u32 $0xD0000000, s2;
	s6 =	simm.s32 $0x108;
	_ =	swait.ge @!p0 [sflag:s8], $0x0  }
0x24: {  	s3 =	sadd.s32 $0x88, s3;
	s6 =	simm.s32 @!p1 $0x1082;
	[sflag:s4] =	ssyncset.s32 $0xFFFFF086  }
0x25: {  	[simem:s6], [sflag:s4] =	dma.local [hbm:s3], $0xF7A  }
0x26: {  	[smem:$0x3F9D] =	sst s1;
	(tag) =	ssettag s2;
	_ =	strace s9  }
0x27: {  	s1 =	sld [smem:$0x3FAD]  }
0x28: {  	s2 =	sld [smem:$0x3FAE]  }
0x29: {  	s4 =	sld [smem:$0x3FB0]  }
0x2a: {  	p0 =	seq.s32 s5, $0x0;
	s5 =	sld [smem:$0x3FB1]  }
0x2b: {  	s6 =	sld [smem:$0x3FB2]  }
0x2c: {  	s7 =	sld [smem:$0x3FB3]  }
0x2d: {  	s3 =	simm.s32 $0x108;
	s8 =	sld [smem:$0x3FB4]  }
0x2e: {  	s3 =	simm.s32 @!p0 $0x1082;
	s9 =	sld [smem:$0x3FB5]  }
0x2f: {  	lr =	sadd.s32 s0, s3;
	s0 =	sld [smem:$0x3FAC]  }
0x30: {  	s3 =	sld [smem:$0x3FAF]  }
0x31: {  	[smem:$0x3FB8] =	sst s10  }
0x32: {  	s10 =	sld [smem:$0x3FB6];
	_ =	sdelay $0x3  }
0x33: {  	p0 =	seq.s32 s10, $0x1;
	s10 =	sld [smem:$0x3FB8];
	_ =	sdelay $0x3  }
0x34: {  	[smem:$0x3FB8] =	sst s10  }
0x35: {  	s10 =	sld [smem:$0x3FB7];
	_ =	sdelay $0x3  }
0x36: {  	p1 =	seq.s32 s10, $0x1;
	s10 =	sld [smem:$0x3FB8];
	_ =	sdelay $0x3  }
0x37: {  	[smem:$0x3FB8] =	sst s10  }
0x38: {  	s10 =	sld [smem:$0x3FB9]  }
0x39: {  	_ = 	snop;
	(pc) =	sbr.ind lr, $3  }
0x3a: {  	_ = 	snop  }
0x3b: {  	_ = 	snop  }
0x3c: {  	p2 =	seq.s32 s10, $0x1;
	s10 =	sld [smem:$0x3FB8]  }
0x3d: {  	_ =	shalt  }
0x3e: {  	_ =	shalt  }
0x3f: {  	_ =	shalt  }
0x40: {  	_ =	shalt  }
0x41: {  	_ =	shalt  }
0x42: {  	_ =	shalt  }
0x43: {  	_ =	shalt  }
0x44: {  	_ =	shalt  }
0x45: {  	_ =	shalt  }
0x46: {  	_ =	shalt  }
0x47: {  	_ =	shalt  }
0x48: {  	_ =	shalt  }
0x49: {  	_ =	shalt  }
0x4a: {  	_ =	shalt  }
0x4b: {  	_ =	shalt  }
0x4c: {  	_ =	shalt  }
0x4d: {  	_ =	shalt  }
0x4e: {  	_ =	shalt  }
0x4f: {  	_ =	shalt  }
0x50: {  	_ =	shalt  }
0x51: {  	_ =	shalt  }
0x52: {  	_ =	shalt  }
0x53: {  	_ =	shalt  }
0x54: {  	_ =	shalt  }
0x55: {  	_ =	shalt  }
0x56: {  	_ =	shalt  }
0x57: {  	_ =	shalt  }
0x58: {  	_ =	shalt  }
0x59: {  	_ =	shalt  }
0x5a: {  	_ =	shalt  }
0x5b: {  	_ =	shalt  }
0x5c: {  	_ =	shalt  }
0x5d: {  	_ =	shalt  }
0x5e: {  	_ =	shalt  }
0x5f: {  	_ =	shalt  }
0x60: {  	_ =	shalt  }
0x61: {  	_ =	shalt  }
0x62: {  	_ =	shalt  }
0x63: {  	_ =	shalt  }
0x64: {  	_ =	shalt  }
0x65: {  	_ =	shalt  }
0x66: {  	_ =	shalt  }
0x67: {  	_ =	shalt  }
0x68: {  	_ =	shalt  }
0x69: {  	_ =	shalt  }
0x6a: {  	_ =	shalt  }
0x6b: {  	_ =	shalt  }
0x6c: {  	_ =	shalt  }
0x6d: {  	_ =	shalt  }
0x6e: {  	_ =	shalt  }
0x6f: {  	_ =	shalt  }
0x70: {  	_ =	shalt  }
0x71: {  	_ =	shalt  }
0x72: {  	_ =	shalt  }
0x73: {  	_ =	shalt  }
0x74: {  	_ =	shalt  }
0x75: {  	_ =	shalt  }
0x76: {  	_ =	shalt  }
0x77: {  	_ =	shalt  }
0x78: {  	_ =	shalt  }
0x79: {  	_ =	shalt  }
0x7a: {  	_ =	shalt  }
0x7b: {  	_ =	shalt  }
0x7c: {  	_ =	shalt  }
0x7d: {  	_ =	shalt  }
0x7e: {  	_ =	shalt  }
0x7f: {  	_ =	shalt  }
0x80: {  	_ =	shalt  }
0x81: {  	_ =	shalt  }
0x82: {  	_ =	shalt  }
0x83: {  	_ =	shalt  }
0x84: {  	_ =	shalt  }
0x85: {  	_ =	shalt  }
0x86: {  	_ =	shalt  }
0x87: {  	_ =	shalt  }
.Lfunc_end0:
.L_simem_size_0:
called_computation_lowered:
.L_overlay_start_0:
0x88: {  	s2 =	sld [smem:$0x3FD9]  }
0x89: {  	s3 =	sld [smem:$0x3FFE];
	_ =	sdelay $0x1  }
0x8a: {  	s1 =	srdreg.scid  }
0x8b: {  	s0 =	sand.u32 $0x1, s1  }
0x8c: {  	s17 =	sshll.u32 s0, $0xA;
	s2 =	sadd.s32 s3, s2  }
0x8d: {  	s2 =	sadd.s32 s2, s17  }
0x8e: {  	[smem:$0x3FC4] =	sst s2  }
0x8f: {  	_ = 	snop  }
0x90: {  	s2 =	sld [smem:$0x3FC9]  }
0x91: {  	s18 =	sld [smem:$0x3FC8];
	(tm) =	ssettm $0x1  }
0x92: {  	s4 =	sld [smem:$0x3FFB];
	_ =	sdelay $0x3  }
0x93: {  	_ =	strace s4  }
0x94: {  	s4 =	sld [smem:$0x3FFC];
	_ =	sdelay $0x3  }
0x95: {  	_ =	strace s4  }
0x96: {  	s4 =	sld [smem:$0x3FFD];
	_ =	sdelay $0x3  }
0x97: {  	_ =	strace s4  }
0x98: {  	_ =	strace $0x8FFFFFFF  }
0x99: {  	s19 =	sld [smem:$0x3FDB];
	_ =	sdelay $0x1  }
0x9a: {  	s5 =	simm.s32 $_scs_section_size  }
0x9b: {  	s6 =	simm.s32 $_size__tile_overlayer_lowered;
	s7 =	simm.s32 $_tile_overlayer_lowered  }
0x9c: {  	s22 =	simm.s32 $0x1BFF;
	s21 =	sshll.u32 s7, $0x1;
	s4 =	sadd.s32 s5, s19  }
0x9d: {  	s8 =	simm.s32 $0x0;
	s20 =	sshll.u32 s6, $0x1;
	s6 =	sadd.s32 s21, s4  }
0x9e: {  	[timem:s8], [sflag:s22] =	dma.local [hbm:s6], s20  }
0x9f: {  	_ =	swait.ge [sflag:s22], s20  }
0xa0: {  	s5 =	ssub.s32 $0x0, s20;
	[sflag:s22] =	ssyncset.done $0x0  }
0xa1: {  	[sflag:s22] =	ssyncadd.s32 s5;
	_ =	sdelay $0x1  }
0xa2: {  	s23 =	simm.s32 $0x1B8B  }
0xa3: {  	_ =	swait.ge [sflag:s23], $0x1  }
0xa4: {  	[sflag:s23] =	ssyncset.done $0x0  }
0xa5: {  	s25 =	simm.s32 $0x1B8E;
	s24 =	sld [smem:$0x3FFE];
	[sflag:s23] =	ssyncadd.s32 $0xFFFFFFFF  }
0xa6: {  	s26 =	simm.s32 $execute0_lowered;
	[smem:$0x3FD2] =	sst s25  }
0xa7: {  	s6 =	sshll.u32 s26, $0x1;
	_ =	strace $0x80000046;
	[dreg:$0x1] =	wrdreg $0xFFFFFFFF  }
0xa8: {  	s28 =	simm.s32 $_size_execute0_lowered;
	s4 =	sadd.s32 s4, s6;
	[dreg:$0x0] =	wrdreg $0x0  }
0xa9: {  	s6 =	sshll.u32 s28, $0x1;
	[dreg:$0x2] =	wrdreg s4  }
0xaa: {  	[dreg:$0x3] =	wrdreg s6  }
0xab: {  	[dreg:$0x4] =	wrdreg $0xC0  }
0xac: {  	_ =	task [dreg:s8], $0x5FFFF  }
0xad: {  	[dreg:$0x1] =	wrdreg $0xFFFFFFFF  }
0xae: {  	[dreg:$0x0] =	wrdreg $0x60  }
0xaf: {  	[dreg:$0x2] =	wrdreg s2  }
0xb0: {  	[dreg:$0x3] =	wrdreg s18  }
0xb1: {  	[dreg:$0x4] =	wrdreg s24  }
0xb2: {  	[dreg:$0x5] =	wrdreg $0x9  }
0xb3: {  	_ =	task.clear_ibuf [dreg:s8], $0x6FFFF;
	_ =	strace $0x90000046  }
0xb4: {  	s29 =	simm.s32 $0x9;
	_ =	strace $0x80000048  }
0xb5: {  	_ =	swait.ge [sflag:s29], $0x1  }
0xb6: {  	[sflag:s29] =	ssyncadd.s32 $0xFFFFFFFF  }
0xb7: {  	_ =	strace $0x90000048  }
0xb8: {  	_ =	sfence  }
0xb9: {  	s30 =	sld [smem:$0x0];
	_ =	sdelay $0x2  }
0xba: {  	s31 =	sshll.u32 s1, $0xD;
	s1 =	sshrl.u32 s1, $0x2  }
0xbb: {  	s3 =	sand.u32 $0x4000, s31;
	s1 =	sadd.s32 s1, s30  }
0xbc: {  	s0 =	sor.u32 s3, s0;
	s1 =	sshll.u32 s1, $0x11  }
0xbd: {  	s0 =	sor.u32 s1, s0  }
0xbe: {  	s0 =	sadd.s32 $0x8F2B, s0  }
0xbf: {  	[sflag:s0] =	ssyncadd.remote.s32 $0x1  }
0xc0: {  	_ =	sfence.sel $0xFFFF  }
0xc1: {  	[dreg:$0x0] =	wrdreg $0xFFFFFFFF;
	(pc) =	sbr.abs _section_cstart, $3  }
0xc2: {  	[dreg:$0x1] =	wrdreg $0xFFFFFFFF  }
0xc3: {  	_ =	task.clear_ibuf [dreg:s8], $0x2FFFF;
	_ =	strace $0x9FFFFFFF  }
0xc4: {  	(tm) =	ssettm $0x7FFFFFFF  }
0xc5: {  	_ =	shalt  }
tec
execute0_lowered:
.L_overlay_start_1:
0x0: {  	(tag) =	ssettag $0x1  }
0x1: {  	s0 =	rddreg [dreg:$0x0]  }
0x2: {  	s1 =	rddreg [dreg:$0x1]  }
0x3: {  	s5 =	rddreg [dreg:$0x2];
	v0 =	vimm.s32 $0xEFCDAB89;
	s3 =	srdreg.scid;
	v1 =	vimm.s32 $0x67452301;
	s2 =	simm.s32 $0x0  }
0x4: {  	v2 =	vimm.s32 $0xDCFE98BA;
	s4 =	stileid.u32;
	v3 =	vimm.s32 $0x54761032;
	s10 =	simm.s32 $0x9;
	s14 =	simm.s32 $0x3  }
0x5: {  	v4 =	vimm.s32 $0xBA98FEDC;
	v5 =	vimm.s32 $0x32107654;
	v6 =	vimm.s32 $0xFEDCBA98;
	s15 =	simm.s32 $0x4;
	s16 =	simm.s32 $0x5;
	s6 =	sand.u32 $0x1, s3  }
0x6: {  	v7 =	vimm.s32 $0x76543210;
	s17 =	simm.s32 $0x6;
	v0 =	vunpack.c.l.s4.s8 v0;
	v1 =	vunpack.c.l.s4.s8 v1;
	s4 =	sshll.u32 s4, $0xA;
	s7 =	sshll.u32 s6, $0x9  }
0x7: {  	s18 =	simm.s32 $0x7;
	v2 =	vunpack.c.l.s4.s8 v2;
	[smem:$0x7FF] =	sst s2;
	v3 =	vunpack.c.l.s4.s8 v3;
	v4 =	vunpack.c.l.s4.s8 v4;
	s7 =	sor.u32 s7, s4  }
0x8: {  	v5 =	vunpack.c.l.s4.s8 v5;
	v6 =	vunpack.c.l.s4.s8 v6;
	v7 =	vunpack.c.l.s4.s8 v7;
	s6 =	ssub.s32 $0x2, s6;
	s8 =	sshll.u32 s7, $0x4;
	s7 =	sshrl.u32 s7, $0x3  }
0x9: {  	_ =	strace $0x80000047;
	v0 =	vunpack.c.0.s8.s32 v0;
	v1 =	vunpack.c.0.s8.s32 v1;
	v2 =	vunpack.c.0.s8.s32 v2;
	s26 =	sshrl.u32 s6, $0x1;
	s0 =	sadd.s32 s0, s7  }
0xa: {  	v3 =	vunpack.c.0.s8.s32 v3;
	v4 =	vunpack.c.0.s8.s32 v4;
	v5 =	vunpack.c.0.s8.s32 v5;
	s9 =	ssub.s32 s6, s26;
	s28 =	sadd.s32 s1, s7;
	[dreg:$0x4] =	wrdreg s0  }
0xb: {  	s8 =	sadd.s32 s8, s5;
	s31 =	smax.u32 s9, $0x1;
	v0 =	vcombine.low v1, v0;
	v1 =	vunpack.c.0.s8.s32 v6;
	[dreg:$0x5] =	wrdreg s28  }
0xc: {  	s19 =	simm.s32 $0x8;
	v2 =	vcombine.low v3, v2;
	v3 =	vcombine.low v5, v4;
	v4 =	vunpack.c.0.s8.s32 v7;
	s29 =	sadd.s32 $0x1E84C00, s8;
	[dreg:$0x8] =	wrdreg s31  }
0xd: {  	s21 =	simm.s32 $0x0;
	s30 =	sadd.s32 $0x1EC4C00, s8;
	[dreg:$0x6] =	wrdreg s29;
	v0 =	vand.u32 $0xF, v0;
	v5 =	vand.u32 $0xF, v1  }
0xe: {  	s3 =	sadd.s32 $0x400, s5;
	s4 =	sadd.s32 $0xF42800, s5;
	[dreg:$0x7] =	wrdreg s30;
	v1 =	vand.u32 $0xF, v2;
	v2 =	vand.u32 $0xF, v3;
	v3 =	vcombine.low v5, v4  }
.LBB2_1:
0xf: {  	s0 =	rddreg [dreg:$0x4]  }
0x10: {  	[tilespmem:s2], [sflag:$0x9] =	stream.linear.gather [hbm4b:s0+s2], $0x200, $0x38;
	[tilespmem:$0x10400] =	vst v63  }
0x11: {  	_ =	swait.ge [sflag:s10], $0x200  }
0x12: {  	[sflag:s10] =	ssyncset.done $0x0  }
0x13: {  	s1 =	simm.s32 $0x200;
	s31 =	rddreg [dreg:$0x5];
	[sflag:s10] =	ssyncadd.s32 $0xFFFFFE00  }
0x14: {  	[tilespmem:s1], [sflag:$0x9] =	stream.linear.gather [hbm4b:s31+s2], $0x200, $0x38;
	[tilespmem:$0x10400] =	vst v63  }
0x15: {  	_ =	swait.ge [sflag:s10], $0x200  }
0x16: {  	[sflag:s10] =	ssyncset.done $0x0  }
0x17: {  	[sflag:s10] =	ssyncadd.s32 $0xFFFFFE00  }
0x18: {  	v4 =	vld [tilespmem:s2+$0x0];
	_ =	sdelay $0x4  }
0x19: {  	v4 =	vshll.u32 v4, $0x4  }
0x1a: {  	(v2sf) =	vpush v4, $0x0  }
0x1b: {  	(v2sf) =	vpush v4, $0x1  }
0x1c: {  	(v2sf) =	vpush v4, $0x2;
	_ =	sdelay $0x1  }
0x1d: {  	(v2sf) =	vpush v4, $0x4;
	_ =	sdelay $0x1  }
0x1e: {  	(v2sf) =	vpush v4, $0x3  }
0x1f: {  	(v2sf) =	vpush v4, $0x5  }
0x20: {  	s23 =	simm.s32 $0x2000;
	s22 =	simm.s32 $0x0;
	s24 =	simm.s32 $0x0;
	(v2sf) =	vpush v4, $0x6  }
.LBB2_2:
0x21: {  	p0 =	sne.s32 s23, $0x3E000  }
0x22: {  	s5 =	sadd.s32 $0x480, s22;
	s29 =	sadd.s32 $0x980, s22;
	s25 =	smov.u32 s23  }
0x23: {  	s23 =	sadd.s32 $0x2000, s23;
	s0 =	sadd.s32 $0x780, s22;
	s26 =	sadd.s32 $0xA00, s22;
	(v2sf) =	vpush v4, $0x7  }
0x24: {  	s11 =	sadd.s32 $0x680, s22;
	s31 =	sadd.s32 $0x800, s22;
	s28 =	sadd.s32 $0xA80, s22  }
0x25: {  	s6 =	sadd.s32 $0x400, s22;
	s7 =	sadd.s32 $0x600, s22;
	(v2sf) =	vpush v4, $0x8  }
0x26: {  	s8 =	sadd.s32 $0x700, s22;
	s24 =	sadd.s32 $0x10, s24  }
0x27: {  	s9 =	sadd.s32 $0x500, s22;
	s30 =	sadd.s32 $0x900, s22;
	s1 =	spop (v2sf);
	(v2sf) =	vpush v4, $0x9  }
0x28: {  	s20 =	sand.u32 $0x1FFFFFF0, s1;
	s1 =	sadd.s32 $0x880, s22;
	s12 =	spop (v2sf)  }
0x29: {  	s20 =	sadd.s32 s3, s20;
	s12 =	sand.u32 $0x1FFFFFF0, s12;
	s13 =	spop (v2sf);
	(v2sf) =	vpush v4, $0xA  }
0x2a: {  	[tilespmem:s6], [sflag:$0x1] =	stream.linear.gather [hbm4b:s20+s2], $0x80, $0x38;
	[tilespmem:$0x10400] =	vst v63  }
0x2b: {  	s6 =	sadd.s32 s3, s12;
	s12 =	sadd.s32 $0x580, s22;
	s20 =	spop (v2sf);
	(v2sf) =	vpush v4, $0xB  }
0x2c: {  	[tilespmem:s5], [sflag:$0x2] =	stream.linear.gather [hbm4b:s6+s2], $0x80, $0x38;
	[tilespmem:$0x10400] =	vst v63  }
0x2d: {  	s5 =	sand.u32 $0x1FFFFFF0, s13;
	s6 =	sand.u32 $0x1FFFFFF0, s20;
	s13 =	spop (v2sf);
	(v2sf) =	vpush v4, $0xC  }
0x2e: {  	s5 =	sadd.s32 s3, s5;
	s13 =	sand.u32 $0x1FFFFFF0, s13;
	s20 =	spop (v2sf)  }
0x2f: {  	[tilespmem:s9], [sflag:$0x3] =	stream.linear.gather [hbm4b:s5+s2], $0x80, $0x38;
	(v2sf) =	vpush v4, $0xD;
	[tilespmem:$0x10400] =	vst v63  }
0x30: {  	s5 =	sadd.s32 s3, s13;
	s9 =	sand.u32 $0x1FFFFFF0, s20;
	s13 =	spop (v2sf)  }
0x31: {  	[tilespmem:s12], [sflag:$0x4] =	stream.linear.gather [hbm4b:s5+s2], $0x80, $0x38;
	(v2sf) =	vpush v4, $0xE;
	[tilespmem:$0x10400] =	vst v63  }
0x32: {  	s5 =	sadd.s32 s3, s6;
	s6 =	sand.u32 $0x1FFFFFF0, s13;
	s12 =	spop (v2sf)  }
0x33: {  	[tilespmem:s7], [sflag:$0x5] =	stream.linear.gather [hbm4b:s5+s2], $0x80, $0x38;
	(v2sf) =	vpush v4, $0xF;
	[tilespmem:$0x10400] =	vst v63  }
0x34: {  	s5 =	sadd.s32 s3, s9;
	s7 =	sand.u32 $0x1FFFFFF0, s12;
	s9 =	spop (v2sf)  }
0x35: {  	[tilespmem:s11], [sflag:$0x6] =	stream.linear.gather [hbm4b:s5+s2], $0x80, $0x38;
	[tilespmem:$0x10400] =	vst v63  }
0x36: {  	s5 =	sadd.s32 s3, s6;
	s6 =	sand.u32 $0x1FFFFFF0, s9;
	s9 =	spop (v2sf)  }
0x37: {  	[tilespmem:s8], [sflag:$0x7] =	stream.linear.gather [hbm4b:s5+s2], $0x80, $0x38;
	[tilespmem:$0x10400] =	vst v63  }
0x38: {  	s5 =	sadd.s32 s3, s7;
	s7 =	sand.u32 $0x1FFFFFF0, s9;
	s8 =	spop (v2sf)  }
0x39: {  	[tilespmem:s0], [sflag:$0x8] =	stream.linear.gather [hbm4b:s5+s2], $0x80, $0x38;
	[tilespmem:$0x10400] =	vst v63  }
0x3a: {  	s0 =	sadd.s32 s3, s6;
	s5 =	sand.u32 $0x1FFFFFF0, s8;
	s6 =	spop (v2sf)  }
0x3b: {  	[tilespmem:s31], [sflag:$0x1] =	stream.linear.gather [hbm4b:s0+s2], $0x80, $0x38;
	[tilespmem:$0x10400] =	vst v63  }
0x3c: {  	s0 =	sadd.s32 s3, s7;
	s6 =	sand.u32 $0x1FFFFFF0, s6;
	s7 =	spop (v2sf)  }
0x3d: {  	[tilespmem:s1], [sflag:$0x2] =	stream.linear.gather [hbm4b:s0+s2], $0x80, $0x38;
	[tilespmem:$0x10400] =	vst v63  }
0x3e: {  	s0 =	sadd.s32 s3, s5;
	s1 =	sand.u32 $0x1FFFFFF0, s7;
	s5 =	spop (v2sf)  }
0x3f: {  	[tilespmem:s30], [sflag:$0x3] =	stream.linear.gather [hbm4b:s0+s2], $0x80, $0x38;
	[tilespmem:$0x10400] =	vst v63  }
0x40: {  	s0 =	sadd.s32 s3, s6;
	s5 =	sand.u32 $0x1FFFFFF0, s5;
	s6 =	spop (v2sf)  }
0x41: {  	[tilespmem:s29], [sflag:$0x4] =	stream.linear.gather [hbm4b:s0+s2], $0x80, $0x38;
	[tilespmem:$0x10400] =	vst v63  }
0x42: {  	s0 =	sadd.s32 s3, s1;
	s1 =	sand.u32 $0x1FFFFFF0, s6;
	s6 =	spop (v2sf)  }
0x43: {  	[tilespmem:s26], [sflag:$0x5] =	stream.linear.gather [hbm4b:s0+s2], $0x80, $0x38;
	[tilespmem:$0x10400] =	vst v63  }
0x44: {  	s0 =	sadd.s32 s3, s5;
	s5 =	sand.u32 $0x1FFFFFF0, s6  }
0x45: {  	[tilespmem:s28], [sflag:$0x6] =	stream.linear.gather [hbm4b:s0+s2], $0x80, $0x38;
	[tilespmem:$0x10400] =	vst v63  }
0x46: {  	s1 =	sadd.s32 s3, s1;
	s0 =	sadd.s32 $0xB00, s22  }
0x47: {  	[tilespmem:s0], [sflag:$0x7] =	stream.linear.gather [hbm4b:s1+s2], $0x80, $0x38;
	[tilespmem:$0x10400] =	vst v63  }
0x48: {  	s0 =	sadd.s32 $0xB80, s22;
	s1 =	sadd.s32 s3, s5  }
0x49: {  	[tilespmem:s0], [sflag:$0x8] =	stream.linear.gather [hbm4b:s1+s2], $0x80, $0x38;
	[tilespmem:$0x10400] =	vst v63  }
0x4a: {  	v4 =	vld [tilespmem:s24+$0x0];
	_ =	sdelay $0x4  }
0x4b: {  	v4 =	vshll.u32 v4, $0x4  }
0x4c: {  	(v2sf) =	vpush v4, $0x0  }
0x4d: {  	(v2sf) =	vpush v4, $0x1  }
0x4e: {  	(v2sf) =	vpush v4, $0x2;
	_ =	sdelay $0x1  }
0x4f: {  	(v2sf) =	vpush v4, $0x4  }
.Ltmp0:
0x50: {  	(pc) =	sbr.rel @p0 .LBB2_2-.Ltmp0, $3  }
0x51: {  	(v2sf) =	vpush v4, $0x3  }
0x52: {  	(v2sf) =	vpush v4, $0x5;
	_ =	sdelay $0x1  }
0x53: {  	s22 =	sshra.s32 s25, $0x2;
	(v2sf) =	vpush v4, $0x6  }
0x54: {  	_ =	sdelay $0x5  }
0x55: {  	s0 =	spop (v2sf)  }
0x56: {  	s1 =	spop (v2sf)  }
0x57: {  	s8 =	spop (v2sf)  }
0x58: {  	s12 =	spop (v2sf);
	(v2sf) =	vpush v4, $0x7  }
0x59: {  	s0 =	sand.u32 $0x1FFFFFF0, s0  }
0x5a: {  	s5 =	sadd.s32 $0x400, s22;
	s0 =	sadd.s32 s3, s0  }
0x5b: {  	[tilespmem:s5], [sflag:$0x1] =	stream.linear.gather [hbm4b:s0+s2], $0x80, $0x38;
	[tilespmem:$0x10400] =	vst v63  }
0x5c: {  	s1 =	sand.u32 $0x1FFFFFF0, s1;
	s13 =	spop (v2sf);
	(v2sf) =	vpush v4, $0x8  }
0x5d: {  	s7 =	sadd.s32 $0x480, s22;
	s1 =	sadd.s32 s3, s1  }
0x5e: {  	[tilespmem:s7], [sflag:$0x2] =	stream.linear.gather [hbm4b:s1+s2], $0x80, $0x38;
	[tilespmem:$0x10400] =	vst v63  }
0x5f: {  	s9 =	sand.u32 $0x1FFFFFF0, s8;
	s25 =	spop (v2sf);
	(v2sf) =	vpush v4, $0x9  }
0x60: {  	s11 =	sadd.s32 $0x500, s22;
	s0 =	sadd.s32 s3, s9  }
0x61: {  	[tilespmem:s11], [sflag:$0x3] =	stream.linear.gather [hbm4b:s0+s2], $0x80, $0x38;
	[tilespmem:$0x10400] =	vst v63  }
0x62: {  	s0 =	sand.u32 $0x1FFFFFF0, s13;
	s28 =	spop (v2sf);
	(v2sf) =	vpush v4, $0xA  }
0x63: {  	s20 =	sadd.s32 $0x580, s22;
	s23 =	sand.u32 $0x1FFFFFF0, s12;
	s0 =	sadd.s32 s3, s0  }
0x64: {  	[tilespmem:s20], [sflag:$0x4] =	stream.linear.gather [hbm4b:s0+s2], $0x80, $0x38;
	[tilespmem:$0x10400] =	vst v63  }
0x65: {  	s24 =	sadd.s32 $0x600, s22;
	s0 =	sadd.s32 s3, s23  }
0x66: {  	[tilespmem:s24], [sflag:$0x5] =	stream.linear.gather [hbm4b:s0+s2], $0x80, $0x38;
	[tilespmem:$0x10400] =	vst v63  }
0x67: {  	s0 =	sand.u32 $0x1FFFFFF0, s25;
	s30 =	spop (v2sf);
	(v2sf) =	vpush v4, $0xB  }
0x68: {  	s26 =	sadd.s32 $0x680, s22;
	s0 =	sadd.s32 s3, s0  }
0x69: {  	[tilespmem:s26], [sflag:$0x6] =	stream.linear.gather [hbm4b:s0+s2], $0x80, $0x38;
	[tilespmem:$0x10400] =	vst v63  }
0x6a: {  	s0 =	sand.u32 $0x1FFFFFF0, s28  }
0x6b: {  	s29 =	sadd.s32 $0x700, s22;
	s0 =	sadd.s32 s3, s0;
	s1 =	spop (v2sf);
	(v2sf) =	vpush v4, $0xC  }
0x6c: {  	[tilespmem:s29], [sflag:$0x7] =	stream.linear.gather [hbm4b:s0+s2], $0x80, $0x38;
	[tilespmem:$0x10400] =	vst v63  }
0x6d: {  	s0 =	sand.u32 $0x1FFFFFF0, s30  }
0x6e: {  	s31 =	sadd.s32 $0x780, s22;
	s0 =	sadd.s32 s3, s0;
	s6 =	spop (v2sf);
	(v2sf) =	vpush v4, $0xD  }
0x6f: {  	[tilespmem:s31], [sflag:$0x8] =	stream.linear.gather [hbm4b:s0+s2], $0x80, $0x38;
	[tilespmem:$0x10400] =	vst v63  }
0x70: {  	s0 =	sand.u32 $0x1FFFFFF0, s1  }
0x71: {  	s5 =	sadd.s32 $0x800, s22;
	s0 =	sadd.s32 s3, s0;
	s8 =	spop (v2sf);
	(v2sf) =	vpush v4, $0xE  }
0x72: {  	[tilespmem:s5], [sflag:$0x1] =	stream.linear.gather [hbm4b:s0+s2], $0x80, $0x38;
	[tilespmem:$0x10400] =	vst v63  }
0x73: {  	s0 =	sand.u32 $0x1FFFFFF0, s6  }
0x74: {  	s7 =	sadd.s32 $0x880, s22;
	s0 =	sadd.s32 s3, s0  }
0x75: {  	[tilespmem:s7], [sflag:$0x2] =	stream.linear.gather [hbm4b:s0+s2], $0x80, $0x38;
	[tilespmem:$0x10400] =	vst v63  }
0x76: {  	s0 =	sand.u32 $0x1FFFFFF0, s8;
	s11 =	spop (v2sf);
	(v2sf) =	vpush v4, $0xF  }
0x77: {  	s9 =	sadd.s32 $0x900, s22;
	s0 =	sadd.s32 s3, s0  }
0x78: {  	[tilespmem:s9], [sflag:$0x3] =	stream.linear.gather [hbm4b:s0+s2], $0x80, $0x38;
	[tilespmem:$0x10400] =	vst v63  }
0x79: {  	s0 =	sand.u32 $0x1FFFFFF0, s11  }
0x7a: {  	s12 =	sadd.s32 $0x980, s22;
	s0 =	sadd.s32 s3, s0;
	s13 =	spop (v2sf)  }
0x7b: {  	[tilespmem:s12], [sflag:$0x4] =	stream.linear.gather [hbm4b:s0+s2], $0x80, $0x38;
	[tilespmem:$0x10400] =	vst v63  }
0x7c: {  	s0 =	sand.u32 $0x1FFFFFF0, s13  }
0x7d: {  	s20 =	sadd.s32 $0xA00, s22;
	s23 =	spop (v2sf);
	s0 =	sadd.s32 s3, s0  }
0x7e: {  	[tilespmem:s20], [sflag:$0x5] =	stream.linear.gather [hbm4b:s0+s2], $0x80, $0x38;
	[tilespmem:$0x10400] =	vst v63  }
0x7f: {  	s0 =	sand.u32 $0x1FFFFFF0, s23  }
0x80: {  	s24 =	sadd.s32 $0xA80, s22;
	s25 =	spop (v2sf);
	s0 =	sadd.s32 s3, s0  }
0x81: {  	[tilespmem:s24], [sflag:$0x6] =	stream.linear.gather [hbm4b:s0+s2], $0x80, $0x38;
	[tilespmem:$0x10400] =	vst v63  }
0x82: {  	s0 =	sand.u32 $0x1FFFFFF0, s25  }
0x83: {  	s26 =	sadd.s32 $0xB00, s22;
	s0 =	sadd.s32 s3, s0  }
0x84: {  	[tilespmem:s26], [sflag:$0x7] =	stream.linear.gather [hbm4b:s0+s2], $0x80, $0x38;
	[tilespmem:$0x10400] =	vst v63  }
0x85: {  	s28 =	spop (v2sf)  }
0x86: {  	s0 =	sand.u32 $0x1FFFFFF0, s28  }
0x87: {  	s29 =	sadd.s32 $0xB80, s22;
	s30 =	simm.s32 $0x1;
	s0 =	sadd.s32 s3, s0  }
0x88: {  	[tilespmem:s29], [sflag:$0x8] =	stream.linear.gather [hbm4b:s0+s2], $0x80, $0x38;
	[tilespmem:$0x10400] =	vst v63  }
0x89: {  	_ =	swait.ge [sflag:s30], $0x2000  }
0x8a: {  	[sflag:s30] =	ssyncset.done $0x0  }
0x8b: {  	s31 =	simm.s32 $0x2;
	[sflag:s30] =	ssyncadd.s32 $0xFFFFE000  }
0x8c: {  	_ =	swait.ge [sflag:s31], $0x2000  }
0x8d: {  	[sflag:s31] =	ssyncset.done $0x0  }
0x8e: {  	[sflag:s31] =	ssyncadd.s32 $0xFFFFE000  }
0x8f: {  	_ =	swait.ge [sflag:s14], $0x2000  }
0x90: {  	[sflag:s14] =	ssyncset.done $0x0  }
0x91: {  	[sflag:s14] =	ssyncadd.s32 $0xFFFFE000  }
0x92: {  	_ =	swait.ge [sflag:s15], $0x2000  }
0x93: {  	[sflag:s15] =	ssyncset.done $0x0  }
0x94: {  	[sflag:s15] =	ssyncadd.s32 $0xFFFFE000  }
0x95: {  	_ =	swait.ge [sflag:s16], $0x2000  }
0x96: {  	[sflag:s16] =	ssyncset.done $0x0  }
0x97: {  	[sflag:s16] =	ssyncadd.s32 $0xFFFFE000  }
0x98: {  	_ =	swait.ge [sflag:s17], $0x2000  }
0x99: {  	[sflag:s17] =	ssyncset.done $0x0  }
0x9a: {  	[sflag:s17] =	ssyncadd.s32 $0xFFFFE000  }
0x9b: {  	_ =	swait.ge [sflag:s18], $0x2000  }
0x9c: {  	[sflag:s18] =	ssyncset.done $0x0  }
0x9d: {  	[sflag:s18] =	ssyncadd.s32 $0xFFFFE000  }
0x9e: {  	_ =	swait.ge [sflag:s19], $0x2000  }
0x9f: {  	[sflag:s19] =	ssyncset.done $0x0  }
0xa0: {  	s22 =	simm.s32 $0x0;
	[sflag:s19] =	ssyncadd.s32 $0xFFFFE000  }
0xa1: {  	v12 =	vld [tilespmem:s22+$0x590]  }
0xa2: {  	v18 =	vld [tilespmem:s22+$0x580];
	_ =	sdelay $0x1  }
0xa3: {  	v11 =	vld [tilespmem:s22+$0x5A0]  }
0xa4: {  	v17 =	vld [tilespmem:s22+$0x5B0]  }
0xa5: {  	v8 =	vld [tilespmem:s22+$0x480]  }
0xa6: {  	v6 =	vld [tilespmem:s22+$0x490];
	v4 =	vmul.f32 v12, v12;
	v5 =	vmul.f32 v18, v18;
	_ =	sdelay $0x1  }
0xa7: {  	v10 =	vld [tilespmem:s22+$0x4A0];
	v4 =	vadd.f32 v4, v5;
	v5 =	vmul.f32 v11, v11;
	_ =	sdelay $0x1  }
0xa8: {  	v9 =	vld [tilespmem:s22+$0x4B0];
	v13 =	vmul.f32 v17, v17;
	v7 =	vadd.f32 v5, v4  }
0xa9: {  	v14 =	vmul.f32 v8, v8;
	v15 =	vmul.f32 v6, v6  }
0xaa: {  	v4 =	vld [tilespmem:s22+$0x410];
	v13 =	vadd.f32 v13, v7  }
0xab: {  	v14 =	vadd.f32 v15, v14;
	v15 =	vmul.f32 v10, v10;
	v5 =	vld [tilespmem:s22+$0x400]  }
0xac: {  	v16 =	vperm.xlane v13, v0  }
0xad: {  	v19 =	vmul.f32 v9, v9;
	v14 =	vadd.f32 v15, v14;
	v7 =	vld [tilespmem:s22+$0x420]  }
0xae: {  	v16 =	vadd.f32 v13, v16  }
0xaf: {  	v15 =	vld [tilespmem:s22+$0x430];
	v19 =	vadd.f32 v19, v14;
	v20 =	vmul.f32 v4, v4  }
0xb0: {  	v13 =	vmul.f32 v5, v5;
	v21 =	vperm.xlane v16, v1  }
0xb1: {  	v14 =	vld [tilespmem:s22+$0x510];
	v23 =	vperm.xlane v19, v0  }
0xb2: {  	v22 =	vmul.f32 v7, v7;
	v20 =	vadd.f32 v20, v13;
	v13 =	vld [tilespmem:s22+$0x500];
	v21 =	vadd.f32 v16, v21  }
0xb3: {  	v23 =	vadd.f32 v19, v23  }
0xb4: {  	v20 =	vadd.f32 v22, v20;
	v22 =	vmul.f32 v15, v15;
	v16 =	vld [tilespmem:s22+$0x520];
	v24 =	vperm.xlane v21, v2;
	_ =	sdelay $0x1  }
0xb5: {  	v19 =	vld [tilespmem:s22+$0x530];
	v20 =	vadd.f32 v22, v20;
	v22 =	vperm.xlane v23, v1;
	v21 =	vadd.f32 v21, v24  }
0xb6: {  	v25 =	vmul.f32 v14, v14;
	v24 =	vmul.f32 v13, v13  }
0xb7: {  	v22 =	vadd.f32 v23, v22;
	v23 =	vperm.xlane v20, v0;
	v26 =	vperm.xlane v21, v3  }
0xb8: {  	v24 =	vadd.f32 v25, v24;
	v25 =	vmul.f32 v16, v16  }
0xb9: {  	v27 =	vperm.xlane v22, v2;
	v20 =	vadd.f32 v20, v23;
	v21 =	vadd.f32 v21, v26  }
0xba: {  	v23 =	vadd.f32 v25, v24;
	v24 =	vmul.f32 v19, v19  }
0xbb: {  	v22 =	vadd.f32 v22, v27;
	v25 =	vperm.xlane v20, v1;
	v21 =	vmax.f32 v21, $1.000000020e-24  }
0xbc: {  	v23 =	vadd.f32 v24, v23;
	v24 =	vshrl.u32 v21, $0x1;
	v26 =	vmul.f32 $5.000000000e-01, v21  }
0xbd: {  	v20 =	vadd.f32 v20, v25;
	v21 =	vperm.xlane v22, v3;
	v24 =	vsub.s32 $0x5F3759DF, v24  }
0xbe: {  	v25 =	vperm.xlane v23, v0;
	v27 =	vmul.f32 v24, v26  }
0xbf: {  	v28 =	vperm.xlane v20, v2  }
0xc0: {  	v21 =	vadd.f32 v22, v21;
	v22 =	vadd.f32 v23, v25;
	v23 =	vmul.f32 v24, v27  }
0xc1: {  	v20 =	vadd.f32 v20, v28  }
0xc2: {  	v21 =	vmax.f32 v21, $1.000000020e-24;
	v25 =	vperm.xlane v22, v1;
	v23 =	vsub.f32 $1.500000000e+00, v23  }
0xc3: {  	v27 =	vshrl.u32 v21, $0x1;
	v28 =	vperm.xlane v20, v3;
	v21 =	vmul.f32 $5.000000000e-01, v21  }
0xc4: {  	v27 =	vsub.s32 $0x5F3759DF, v27;
	v22 =	vadd.f32 v22, v25;
	v24 =	vmul.f32 v24, v23  }
0xc5: {  	v23 =	vmul.f32 v27, v21  }
0xc6: {  	v20 =	vadd.f32 v20, v28;
	v25 =	vperm.xlane v22, v2;
	v26 =	vmul.f32 v24, v26  }
0xc7: {  	v23 =	vmul.f32 v27, v23  }
0xc8: {  	v20 =	vmax.f32 v20, $1.000000020e-24;
	v63 =	vadd.f32 v22, v25;
	v22 =	vmul.f32 v26, v24  }
0xc9: {  	v25 =	vshrl.u32 v20, $0x1;
	v20 =	vmul.f32 $5.000000000e-01, v20;
	v26 =	vsub.f32 $1.500000000e+00, v23  }
0xca: {  	v23 =	vsub.s32 $0x5F3759DF, v25;
	v29 =	vperm.xlane v63, v3;
	v30 =	vsub.f32 $1.500000000e+00, v22  }
0xcb: {  	v25 =	vmul.f32 v23, v20;
	v22 =	vmul.f32 v27, v26  }
0xcc: {  	s23 =	simm.s32 $0x800;
	v26 =	vadd.f32 v63, v29;
	v24 =	vmul.f32 v30, v24  }
.LBB2_4:
0xcd: {  	p0 =	sne.s32 s23, $0x3F800;
	v25 =	vmul.f32 v23, v25;
	v21 =	vmul.f32 v22, v21;
	s0 =	smov.u32 s23;
	s23 =	sadd.s32 $0x800, s23  }
0xce: {  	v26 =	vmax.f32 v26, $1.000000020e-24;
	v18 =	vmul.f32 v24, v18;
	v12 =	vmul.f32 v24, v12  }
0xcf: {  	v17 =	vmul.f32 v24, v17;
	v27 =	vshrl.u32 v26, $0x1;
	v26 =	vmul.f32 $5.000000000e-01, v26  }
0xd0: {  	v11 =	vmul.f32 v24, v11;
	v25 =	vsub.f32 $1.500000000e+00, v25;
	v27 =	vsub.s32 $0x5F3759DF, v27;
	[tilespmem:s22+$0x590] =	vst v12  }
0xd1: {  	v21 =	vmul.f32 v21, v22;
	v24 =	vmul.f32 v27, v26;
	[tilespmem:s22+$0x580] =	vst v18  }
0xd2: {  	s24 =	sshra.s32 s0, $0x2;
	v23 =	vmul.f32 v23, v25;
	[tilespmem:s22+$0x5A0] =	vst v11  }
0xd3: {  	v18 =	vsub.f32 $1.500000000e+00, v21;
	v12 =	vld [tilespmem:s24+$0x590];
	v21 =	vmul.f32 v27, v24;
	[tilespmem:s22+$0x5B0] =	vst v17  }
0xd4: {  	v17 =	vmul.f32 v23, v20  }
0xd5: {  	v20 =	vmul.f32 v18, v22;
	v11 =	vld [tilespmem:s24+$0x5A0];
	v21 =	vsub.f32 $1.500000000e+00, v21  }
0xd6: {  	v17 =	vmul.f32 v17, v23;
	v18 =	vld [tilespmem:s24+$0x580]  }
0xd7: {  	v8 =	vmul.f32 v20, v8;
	v21 =	vmul.f32 v27, v21  }
0xd8: {  	v6 =	vmul.f32 v20, v6;
	v10 =	vmul.f32 v20, v10;
	v22 =	vsub.f32 $1.500000000e+00, v17  }
0xd9: {  	v9 =	vmul.f32 v20, v9;
	v24 =	vmul.f32 v12, v12;
	v17 =	vld [tilespmem:s24+$0x5B0];
	[tilespmem:s22+$0x480] =	vst v8  }
0xda: {  	v20 =	vmul.f32 v22, v23;
	v22 =	vmul.f32 v21, v26;
	v8 =	vld [tilespmem:s24+$0x480];
	[tilespmem:s22+$0x490] =	vst v6  }
0xdb: {  	v6 =	vld [tilespmem:s24+$0x490];
	v23 =	vmul.f32 v18, v18;
	[tilespmem:s22+$0x4B0] =	vst v9  }
0xdc: {  	v5 =	vmul.f32 v20, v5;
	v22 =	vmul.f32 v22, v21;
	v9 =	vld [tilespmem:s24+$0x4B0];
	[tilespmem:s22+$0x4A0] =	vst v10  }
0xdd: {  	v7 =	vmul.f32 v20, v7;
	v10 =	vld [tilespmem:s24+$0x4A0];
	v23 =	vadd.f32 v24, v23;
	v24 =	vmul.f32 v11, v11  }
0xde: {  	v4 =	vmul.f32 v20, v4;
	v15 =	vmul.f32 v20, v15;
	[tilespmem:s22+$0x400] =	vst v5  }
0xdf: {  	v22 =	vsub.f32 $1.500000000e+00, v22;
	v5 =	vld [tilespmem:s24+$0x400];
	v20 =	vadd.f32 v24, v23;
	v23 =	vmul.f32 v17, v17;
	[tilespmem:s22+$0x420] =	vst v7  }
0xe0: {  	v24 =	vmul.f32 v8, v8;
	v7 =	vld [tilespmem:s24+$0x420];
	v25 =	vmul.f32 v6, v6;
	[tilespmem:s22+$0x410] =	vst v4  }
0xe1: {  	v21 =	vmul.f32 v22, v21;
	v4 =	vld [tilespmem:s24+$0x410];
	v20 =	vadd.f32 v23, v20;
	[tilespmem:s22+$0x430] =	vst v15  }
0xe2: {  	v15 =	vadd.f32 v25, v24;
	v22 =	vmul.f32 v10, v10  }
0xe3: {  	v13 =	vmul.f32 v21, v13;
	v23 =	vperm.xlane v20, v0  }
0xe4: {  	v14 =	vmul.f32 v21, v14;
	v24 =	vmul.f32 v9, v9;
	v22 =	vadd.f32 v22, v15  }
0xe5: {  	v16 =	vmul.f32 v21, v16;
	v15 =	vld [tilespmem:s24+$0x430];
	v20 =	vadd.f32 v20, v23;
	[tilespmem:s22+$0x500] =	vst v13;
	v13 =	vmul.f32 v21, v19  }
0xe6: {  	v19 =	vmul.f32 v5, v5;
	v21 =	vmul.f32 v4, v4;
	v22 =	vadd.f32 v24, v22;
	[tilespmem:s22+$0x510] =	vst v14  }
0xe7: {  	v23 =	vperm.xlane v20, v1;
	[tilespmem:s22+$0x530] =	vst v13  }
0xe8: {  	v19 =	vadd.f32 v21, v19;
	v21 =	vmul.f32 v7, v7;
	v24 =	vperm.xlane v22, v0;
	v13 =	vld [tilespmem:s24+$0x500];
	[tilespmem:s22+$0x520] =	vst v16;
	s22 =	smov.u32 s24  }
0xe9: {  	v14 =	vld [tilespmem:s22+$0x510];
	v20 =	vadd.f32 v20, v23  }
0xea: {  	v19 =	vadd.f32 v21, v19;
	v21 =	vmul.f32 v15, v15;
	v22 =	vadd.f32 v22, v24  }
0xeb: {  	v16 =	vld [tilespmem:s22+$0x520];
	v23 =	vperm.xlane v20, v2  }
0xec: {  	v21 =	vadd.f32 v21, v19;
	v24 =	vperm.xlane v22, v1  }
0xed: {  	v19 =	vld [tilespmem:s22+$0x530];
	v20 =	vadd.f32 v20, v23  }
0xee: {  	v23 =	vmul.f32 v13, v13;
	v22 =	vadd.f32 v22, v24;
	v24 =	vmul.f32 v14, v14  }
0xef: {  	v25 =	vperm.xlane v21, v0;
	v26 =	vperm.xlane v20, v3  }
0xf0: {  	v27 =	vperm.xlane v22, v2;
	v23 =	vadd.f32 v24, v23;
	v24 =	vmul.f32 v16, v16  }
0xf1: {  	v21 =	vadd.f32 v21, v25;
	v20 =	vadd.f32 v20, v26  }
0xf2: {  	v22 =	vadd.f32 v22, v27;
	v23 =	vadd.f32 v24, v23;
	v24 =	vmul.f32 v19, v19  }
0xf3: {  	v25 =	vperm.xlane v21, v1;
	v20 =	vmax.f32 v20, $1.000000020e-24  }
0xf4: {  	v23 =	vadd.f32 v24, v23;
	v24 =	vshrl.u32 v20, $0x1;
	v20 =	vmul.f32 $5.000000000e-01, v20  }
0xf5: {  	v21 =	vadd.f32 v21, v25;
	v25 =	vperm.xlane v22, v3;
	v24 =	vsub.s32 $0x5F3759DF, v24  }
0xf6: {  	v26 =	vperm.xlane v23, v0;
	v27 =	vmul.f32 v24, v20  }
0xf7: {  	v28 =	vperm.xlane v21, v2;
	v22 =	vadd.f32 v22, v25  }
0xf8: {  	v23 =	vadd.f32 v23, v26;
	v25 =	vmul.f32 v24, v27  }
0xf9: {  	v26 =	vadd.f32 v21, v28;
	v21 =	vmax.f32 v22, $1.000000020e-24  }
0xfa: {  	v22 =	vshrl.u32 v21, $0x1;
	v27 =	vperm.xlane v23, v1;
	v25 =	vsub.f32 $1.500000000e+00, v25  }
0xfb: {  	v21 =	vmul.f32 $5.000000000e-01, v21;
	v28 =	vperm.xlane v26, v3;
	v22 =	vsub.s32 $0x5F3759DF, v22  }
0xfc: {  	v23 =	vadd.f32 v23, v27;
	v24 =	vmul.f32 v24, v25  }
0xfd: {  	v25 =	vadd.f32 v26, v28;
	v26 =	vmul.f32 v22, v21  }
0xfe: {  	v27 =	vperm.xlane v23, v2;
	v20 =	vmul.f32 v24, v20  }
0xff: {  	v25 =	vmax.f32 v25, $1.000000020e-24;
	v26 =	vmul.f32 v22, v26  }
.Ltmp1:
0x100: {  	v28 =	vshrl.u32 v25, $0x1;
	v27 =	vadd.f32 v23, v27;
	v29 =	vmul.f32 v20, v24;
	(pc) =	sbr.rel @p0 .LBB2_4-.Ltmp1, $4  }
0x101: {  	v20 =	vmul.f32 $5.000000000e-01, v25;
	v26 =	vsub.f32 $1.500000000e+00, v26  }
0x102: {  	v23 =	vsub.s32 $0x5F3759DF, v28;
	v28 =	vperm.xlane v27, v3;
	v29 =	vsub.f32 $1.500000000e+00, v29  }
0x103: {  	v25 =	vmul.f32 v23, v20;
	v22 =	vmul.f32 v22, v26  }
0x104: {  	v26 =	vadd.f32 v27, v28;
	v24 =	vmul.f32 v29, v24  }
0x105: {  	_ = 	snop  }
0x106: {  	v26 =	vmax.f32 v26, $1.000000020e-24  }
0x107: {  	v25 =	vmul.f32 v23, v25;
	v27 =	vshrl.u32 v26, $0x1;
	v26 =	vmul.f32 $5.000000000e-01, v26  }
0x108: {  	v21 =	vmul.f32 v22, v21;
	v27 =	vsub.s32 $0x5F3759DF, v27  }
0x109: {  	v25 =	vsub.f32 $1.500000000e+00, v25;
	v28 =	vmul.f32 v27, v26  }
0x10a: {  	v21 =	vmul.f32 v21, v22  }
0x10b: {  	v56 =	vmul.f32 v23, v25;
	v57 =	vmul.f32 v27, v28  }
0x10c: {  	v18 =	vmul.f32 v24, v18;
	v21 =	vsub.f32 $1.500000000e+00, v21  }
0x10d: {  	v12 =	vmul.f32 v24, v12;
	v20 =	vmul.f32 v56, v20;
	v25 =	vsub.f32 $1.500000000e+00, v57  }
0x10e: {  	v11 =	vmul.f32 v24, v11;
	v21 =	vmul.f32 v21, v22  }
0x10f: {  	[tilespmem:s22+$0x590] =	vst v12;
	v58 =	vmul.f32 v20, v56;
	v59 =	vmul.f32 v27, v25  }
0x110: {  	v17 =	vmul.f32 v24, v17;
	[tilespmem:s22+$0x580] =	vst v18  }
0x111: {  	[tilespmem:s22+$0x5A0] =	vst v11;
	v8 =	vmul.f32 v21, v8;
	v60 =	vsub.f32 $1.500000000e+00, v58;
	v61 =	vmul.f32 v59, v26  }
0x112: {  	[tilespmem:s22+$0x5B0] =	vst v17;
	v6 =	vmul.f32 v21, v6;
	v9 =	vmul.f32 v21, v9  }
0x113: {  	[tilespmem:s22+$0x480] =	vst v8;
	v62 =	vmul.f32 v60, v56;
	v63 =	vmul.f32 v61, v59  }
0x114: {  	v10 =	vmul.f32 v21, v10;
	[tilespmem:s22+$0x490] =	vst v6  }
0x115: {  	[tilespmem:s22+$0x4B0] =	vst v9;
	v5 =	vmul.f32 v62, v5;
	v6 =	vsub.f32 $1.500000000e+00, v63  }
0x116: {  	[tilespmem:s22+$0x4A0] =	vst v10;
	v7 =	vmul.f32 v62, v7  }
0x117: {  	v4 =	vmul.f32 v62, v4;
	[tilespmem:s22+$0x400] =	vst v5;
	v5 =	vmul.f32 v6, v59  }
0x118: {  	[tilespmem:s22+$0x420] =	vst v7;
	v6 =	vmul.f32 v62, v15  }
0x119: {  	[tilespmem:s22+$0x410] =	vst v4;
	v4 =	vmul.f32 v5, v13  }
0x11a: {  	[tilespmem:s22+$0x430] =	vst v6;
	v6 =	vmul.f32 v5, v14  }
0x11b: {  	[tilespmem:s22+$0x500] =	vst v4;
	v4 =	vmul.f32 v5, v19  }
0x11c: {  	v5 =	vmul.f32 v5, v16;
	[tilespmem:s22+$0x510] =	vst v6  }
0x11d: {  	[tilespmem:s22+$0x530] =	vst v4  }
0x11e: {  	s0 =	simm.s32 $0x0;
	s1 =	rddreg [dreg:$0x6];
	s5 =	simm.s32 $0x400;
	[tilespmem:s22+$0x520] =	vst v5  }
0x11f: {  	[hbm4b:s1+s0] =	stream.linear.scatter [tilespmem:s5], [sflag:$0x9], $0x10000, $0x38;
	[tilespmem:$0x10400] =	vst v63  }
0x120: {  	_ =	swait.ge [sflag:s10], $0x10000  }
0x121: {  	[sflag:s10] =	ssyncset.done $0x0  }
0x122: {  	s23 =	simm.s32 $0x200;
	[sflag:s10] =	ssyncadd.s32 $0xFFFF0000  }
0x123: {  	v4 =	vld [tilespmem:s23+$0x0];
	_ =	sdelay $0x4  }
0x124: {  	v4 =	vshll.u32 v4, $0x4  }
0x125: {  	(v2sf) =	vpush v4, $0x0  }
0x126: {  	(v2sf) =	vpush v4, $0x1  }
0x127: {  	(v2sf) =	vpush v4, $0x2;
	_ =	sdelay $0x1  }
0x128: {  	(v2sf) =	vpush v4, $0x4;
	_ =	sdelay $0x1  }
0x129: {  	(v2sf) =	vpush v4, $0x3  }
0x12a: {  	(v2sf) =	vpush v4, $0x5  }
0x12b: {  	s24 =	simm.s32 $0x2000;
	s22 =	simm.s32 $0x0;
	(v2sf) =	vpush v4, $0x6  }
.LBB2_6:
0x12c: {  	p0 =	sne.s32 s24, $0x3E000  }
0x12d: {  	s5 =	sadd.s32 $0x480, s22;
	s29 =	sadd.s32 $0x980, s22;
	s25 =	smov.u32 s24  }
0x12e: {  	s24 =	sadd.s32 $0x2000, s24;
	s0 =	sadd.s32 $0x780, s22;
	s26 =	sadd.s32 $0xA00, s22;
	(v2sf) =	vpush v4, $0x7  }
0x12f: {  	s11 =	sadd.s32 $0x680, s22;
	s31 =	sadd.s32 $0x800, s22;
	s28 =	sadd.s32 $0xA80, s22  }
0x130: {  	s6 =	sadd.s32 $0x400, s22;
	s7 =	sadd.s32 $0x600, s22;
	(v2sf) =	vpush v4, $0x8  }
0x131: {  	s8 =	sadd.s32 $0x700, s22;
	s23 =	sadd.s32 $0x10, s23  }
0x132: {  	s9 =	sadd.s32 $0x500, s22;
	s30 =	sadd.s32 $0x900, s22;
	s1 =	spop (v2sf);
	(v2sf) =	vpush v4, $0x9  }
0x133: {  	s12 =	sand.u32 $0x1FFFFFF0, s1;
	s1 =	sadd.s32 $0x880, s22;
	s13 =	spop (v2sf)  }
0x134: {  	s12 =	sadd.s32 s4, s12;
	s13 =	sand.u32 $0x1FFFFFF0, s13;
	s20 =	spop (v2sf);
	(v2sf) =	vpush v4, $0xA  }
0x135: {  	[tilespmem:s6], [sflag:$0x1] =	stream.linear.gather [hbm4b:s12+s2], $0x80, $0x38;
	[tilespmem:$0x10400] =	vst v63  }
0x136: {  	s6 =	sadd.s32 s4, s13;
	s12 =	sadd.s32 $0x580, s22;
	s13 =	spop (v2sf);
	(v2sf) =	vpush v4, $0xB  }
0x137: {  	[tilespmem:s5], [sflag:$0x2] =	stream.linear.gather [hbm4b:s6+s2], $0x80, $0x38;
	[tilespmem:$0x10400] =	vst v63  }
0x138: {  	s5 =	sand.u32 $0x1FFFFFF0, s20;
	s6 =	sand.u32 $0x1FFFFFF0, s13;
	s13 =	spop (v2sf);
	(v2sf) =	vpush v4, $0xC  }
0x139: {  	s5 =	sadd.s32 s4, s5;
	s13 =	sand.u32 $0x1FFFFFF0, s13;
	s20 =	spop (v2sf)  }
0x13a: {  	[tilespmem:s9], [sflag:$0x3] =	stream.linear.gather [hbm4b:s5+s2], $0x80, $0x38;
	(v2sf) =	vpush v4, $0xD;
	[tilespmem:$0x10400] =	vst v63  }
0x13b: {  	s5 =	sadd.s32 s4, s13;
	s9 =	sand.u32 $0x1FFFFFF0, s20;
	s13 =	spop (v2sf)  }
0x13c: {  	[tilespmem:s12], [sflag:$0x4] =	stream.linear.gather [hbm4b:s5+s2], $0x80, $0x38;
	(v2sf) =	vpush v4, $0xE;
	[tilespmem:$0x10400] =	vst v63  }
0x13d: {  	s5 =	sadd.s32 s4, s6;
	s6 =	sand.u32 $0x1FFFFFF0, s13;
	s12 =	spop (v2sf)  }
0x13e: {  	[tilespmem:s7], [sflag:$0x5] =	stream.linear.gather [hbm4b:s5+s2], $0x80, $0x38;
	(v2sf) =	vpush v4, $0xF;
	[tilespmem:$0x10400] =	vst v63  }
0x13f: {  	s5 =	sadd.s32 s4, s9;
	s7 =	sand.u32 $0x1FFFFFF0, s12;
	s9 =	spop (v2sf)  }
0x140: {  	[tilespmem:s11], [sflag:$0x6] =	stream.linear.gather [hbm4b:s5+s2], $0x80, $0x38;
	[tilespmem:$0x10400] =	vst v63  }
0x141: {  	s5 =	sadd.s32 s4, s6;
	s6 =	sand.u32 $0x1FFFFFF0, s9;
	s9 =	spop (v2sf)  }
0x142: {  	[tilespmem:s8], [sflag:$0x7] =	stream.linear.gather [hbm4b:s5+s2], $0x80, $0x38;
	[tilespmem:$0x10400] =	vst v63  }
0x143: {  	s5 =	sadd.s32 s4, s7;
	s7 =	sand.u32 $0x1FFFFFF0, s9;
	s8 =	spop (v2sf)  }
0x144: {  	[tilespmem:s0], [sflag:$0x8] =	stream.linear.gather [hbm4b:s5+s2], $0x80, $0x38;
	[tilespmem:$0x10400] =	vst v63  }
0x145: {  	s0 =	sadd.s32 s4, s6;
	s5 =	sand.u32 $0x1FFFFFF0, s8;
	s6 =	spop (v2sf)  }
0x146: {  	[tilespmem:s31], [sflag:$0x1] =	stream.linear.gather [hbm4b:s0+s2], $0x80, $0x38;
	[tilespmem:$0x10400] =	vst v63  }
0x147: {  	s0 =	sadd.s32 s4, s7;
	s6 =	sand.u32 $0x1FFFFFF0, s6;
	s7 =	spop (v2sf)  }
0x148: {  	[tilespmem:s1], [sflag:$0x2] =	stream.linear.gather [hbm4b:s0+s2], $0x80, $0x38;
	[tilespmem:$0x10400] =	vst v63  }
0x149: {  	s0 =	sadd.s32 s4, s5;
	s1 =	sand.u32 $0x1FFFFFF0, s7;
	s5 =	spop (v2sf)  }
0x14a: {  	[tilespmem:s30], [sflag:$0x3] =	stream.linear.gather [hbm4b:s0+s2], $0x80, $0x38;
	[tilespmem:$0x10400] =	vst v63  }
0x14b: {  	s0 =	sadd.s32 s4, s6;
	s5 =	sand.u32 $0x1FFFFFF0, s5;
	s6 =	spop (v2sf)  }
0x14c: {  	[tilespmem:s29], [sflag:$0x4] =	stream.linear.gather [hbm4b:s0+s2], $0x80, $0x38;
	[tilespmem:$0x10400] =	vst v63  }
0x14d: {  	s0 =	sadd.s32 s4, s1;
	s1 =	sand.u32 $0x1FFFFFF0, s6;
	s6 =	spop (v2sf)  }
0x14e: {  	[tilespmem:s26], [sflag:$0x5] =	stream.linear.gather [hbm4b:s0+s2], $0x80, $0x38;
	[tilespmem:$0x10400] =	vst v63  }
0x14f: {  	s0 =	sadd.s32 s4, s5;
	s5 =	sand.u32 $0x1FFFFFF0, s6  }
0x150: {  	[tilespmem:s28], [sflag:$0x6] =	stream.linear.gather [hbm4b:s0+s2], $0x80, $0x38;
	[tilespmem:$0x10400] =	vst v63  }
0x151: {  	s1 =	sadd.s32 s4, s1;
	s0 =	sadd.s32 $0xB00, s22  }
0x152: {  	[tilespmem:s0], [sflag:$0x7] =	stream.linear.gather [hbm4b:s1+s2], $0x80, $0x38;
	[tilespmem:$0x10400] =	vst v63  }
0x153: {  	s0 =	sadd.s32 $0xB80, s22;
	s1 =	sadd.s32 s4, s5  }
0x154: {  	[tilespmem:s0], [sflag:$0x8] =	stream.linear.gather [hbm4b:s1+s2], $0x80, $0x38;
	[tilespmem:$0x10400] =	vst v63  }
0x155: {  	v4 =	vld [tilespmem:s23+$0x0];
	_ =	sdelay $0x4  }
0x156: {  	v4 =	vshll.u32 v4, $0x4  }
0x157: {  	(v2sf) =	vpush v4, $0x0  }
0x158: {  	(v2sf) =	vpush v4, $0x1  }
0x159: {  	(v2sf) =	vpush v4, $0x2;
	_ =	sdelay $0x1  }
0x15a: {  	(v2sf) =	vpush v4, $0x4  }
.Ltmp2:
0x15b: {  	(pc) =	sbr.rel @p0 .LBB2_6-.Ltmp2, $3  }
0x15c: {  	(v2sf) =	vpush v4, $0x3  }
0x15d: {  	(v2sf) =	vpush v4, $0x5;
	_ =	sdelay $0x1  }
0x15e: {  	s22 =	sshra.s32 s25, $0x2;
	(v2sf) =	vpush v4, $0x6  }
0x15f: {  	_ =	sdelay $0x5  }
0x160: {  	s0 =	spop (v2sf)  }
0x161: {  	s1 =	spop (v2sf)  }
0x162: {  	s8 =	spop (v2sf)  }
0x163: {  	s12 =	spop (v2sf);
	(v2sf) =	vpush v4, $0x7  }
0x164: {  	s0 =	sand.u32 $0x1FFFFFF0, s0  }
0x165: {  	s5 =	sadd.s32 $0x400, s22;
	s0 =	sadd.s32 s4, s0  }
0x166: {  	[tilespmem:s5], [sflag:$0x1] =	stream.linear.gather [hbm4b:s0+s2], $0x80, $0x38;
	[tilespmem:$0x10400] =	vst v63  }
0x167: {  	s1 =	sand.u32 $0x1FFFFFF0, s1;
	s13 =	spop (v2sf);
	(v2sf) =	vpush v4, $0x8  }
0x168: {  	s7 =	sadd.s32 $0x480, s22;
	s1 =	sadd.s32 s4, s1  }
0x169: {  	[tilespmem:s7], [sflag:$0x2] =	stream.linear.gather [hbm4b:s1+s2], $0x80, $0x38;
	[tilespmem:$0x10400] =	vst v63  }
0x16a: {  	s9 =	sand.u32 $0x1FFFFFF0, s8;
	s25 =	spop (v2sf);
	(v2sf) =	vpush v4, $0x9  }
0x16b: {  	s11 =	sadd.s32 $0x500, s22;
	s0 =	sadd.s32 s4, s9  }
0x16c: {  	[tilespmem:s11], [sflag:$0x3] =	stream.linear.gather [hbm4b:s0+s2], $0x80, $0x38;
	[tilespmem:$0x10400] =	vst v63  }
0x16d: {  	s0 =	sand.u32 $0x1FFFFFF0, s13;
	s28 =	spop (v2sf);
	(v2sf) =	vpush v4, $0xA  }
0x16e: {  	s20 =	sadd.s32 $0x580, s22;
	s23 =	sand.u32 $0x1FFFFFF0, s12;
	s0 =	sadd.s32 s4, s0  }
0x16f: {  	[tilespmem:s20], [sflag:$0x4] =	stream.linear.gather [hbm4b:s0+s2], $0x80, $0x38;
	[tilespmem:$0x10400] =	vst v63  }
0x170: {  	s24 =	sadd.s32 $0x600, s22;
	s0 =	sadd.s32 s4, s23  }
0x171: {  	[tilespmem:s24], [sflag:$0x5] =	stream.linear.gather [hbm4b:s0+s2], $0x80, $0x38;
	[tilespmem:$0x10400] =	vst v63  }
0x172: {  	s0 =	sand.u32 $0x1FFFFFF0, s25;
	s30 =	spop (v2sf);
	(v2sf) =	vpush v4, $0xB  }
0x173: {  	s26 =	sadd.s32 $0x680, s22;
	s0 =	sadd.s32 s4, s0  }
0x174: {  	[tilespmem:s26], [sflag:$0x6] =	stream.linear.gather [hbm4b:s0+s2], $0x80, $0x38;
	[tilespmem:$0x10400] =	vst v63  }
0x175: {  	s0 =	sand.u32 $0x1FFFFFF0, s28  }
0x176: {  	s29 =	sadd.s32 $0x700, s22;
	s0 =	sadd.s32 s4, s0;
	s1 =	spop (v2sf);
	(v2sf) =	vpush v4, $0xC  }
0x177: {  	[tilespmem:s29], [sflag:$0x7] =	stream.linear.gather [hbm4b:s0+s2], $0x80, $0x38;
	[tilespmem:$0x10400] =	vst v63  }
0x178: {  	s0 =	sand.u32 $0x1FFFFFF0, s30  }
0x179: {  	s31 =	sadd.s32 $0x780, s22;
	s0 =	sadd.s32 s4, s0;
	s6 =	spop (v2sf);
	(v2sf) =	vpush v4, $0xD  }
0x17a: {  	[tilespmem:s31], [sflag:$0x8] =	stream.linear.gather [hbm4b:s0+s2], $0x80, $0x38;
	[tilespmem:$0x10400] =	vst v63  }
0x17b: {  	s0 =	sand.u32 $0x1FFFFFF0, s1  }
0x17c: {  	s5 =	sadd.s32 $0x800, s22;
	s0 =	sadd.s32 s4, s0;
	s8 =	spop (v2sf);
	(v2sf) =	vpush v4, $0xE  }
0x17d: {  	[tilespmem:s5], [sflag:$0x1] =	stream.linear.gather [hbm4b:s0+s2], $0x80, $0x38;
	[tilespmem:$0x10400] =	vst v63  }
0x17e: {  	s0 =	sand.u32 $0x1FFFFFF0, s6  }
0x17f: {  	s7 =	sadd.s32 $0x880, s22;
	s0 =	sadd.s32 s4, s0  }
0x180: {  	[tilespmem:s7], [sflag:$0x2] =	stream.linear.gather [hbm4b:s0+s2], $0x80, $0x38;
	[tilespmem:$0x10400] =	vst v63  }
0x181: {  	s0 =	sand.u32 $0x1FFFFFF0, s8;
	s11 =	spop (v2sf);
	(v2sf) =	vpush v4, $0xF  }
0x182: {  	s9 =	sadd.s32 $0x900, s22;
	s0 =	sadd.s32 s4, s0  }
0x183: {  	[tilespmem:s9], [sflag:$0x3] =	stream.linear.gather [hbm4b:s0+s2], $0x80, $0x38;
	[tilespmem:$0x10400] =	vst v63  }
0x184: {  	s0 =	sand.u32 $0x1FFFFFF0, s11  }
0x185: {  	s12 =	sadd.s32 $0x980, s22;
	s0 =	sadd.s32 s4, s0;
	s13 =	spop (v2sf)  }
0x186: {  	[tilespmem:s12], [sflag:$0x4] =	stream.linear.gather [hbm4b:s0+s2], $0x80, $0x38;
	[tilespmem:$0x10400] =	vst v63  }
0x187: {  	s0 =	sand.u32 $0x1FFFFFF0, s13  }
0x188: {  	s20 =	sadd.s32 $0xA00, s22;
	s23 =	spop (v2sf);
	s0 =	sadd.s32 s4, s0  }
0x189: {  	[tilespmem:s20], [sflag:$0x5] =	stream.linear.gather [hbm4b:s0+s2], $0x80, $0x38;
	[tilespmem:$0x10400] =	vst v63  }
0x18a: {  	s0 =	sand.u32 $0x1FFFFFF0, s23  }
0x18b: {  	s24 =	sadd.s32 $0xA80, s22;
	s25 =	spop (v2sf);
	s0 =	sadd.s32 s4, s0  }
0x18c: {  	[tilespmem:s24], [sflag:$0x6] =	stream.linear.gather [hbm4b:s0+s2], $0x80, $0x38;
	[tilespmem:$0x10400] =	vst v63  }
0x18d: {  	s0 =	sand.u32 $0x1FFFFFF0, s25  }
0x18e: {  	s26 =	sadd.s32 $0xB00, s22;
	s0 =	sadd.s32 s4, s0  }
0x18f: {  	[tilespmem:s26], [sflag:$0x7] =	stream.linear.gather [hbm4b:s0+s2], $0x80, $0x38;
	[tilespmem:$0x10400] =	vst v63  }
0x190: {  	s28 =	spop (v2sf)  }
0x191: {  	s0 =	sand.u32 $0x1FFFFFF0, s28  }
0x192: {  	s29 =	sadd.s32 $0xB80, s22;
	s30 =	simm.s32 $0x1;
	s0 =	sadd.s32 s4, s0  }
0x193: {  	[tilespmem:s29], [sflag:$0x8] =	stream.linear.gather [hbm4b:s0+s2], $0x80, $0x38;
	[tilespmem:$0x10400] =	vst v63  }
0x194: {  	_ =	swait.ge [sflag:s30], $0x2000  }
0x195: {  	[sflag:s30] =	ssyncset.done $0x0  }
0x196: {  	s31 =	simm.s32 $0x2;
	[sflag:s30] =	ssyncadd.s32 $0xFFFFE000  }
0x197: {  	_ =	swait.ge [sflag:s31], $0x2000  }
0x198: {  	[sflag:s31] =	ssyncset.done $0x0  }
0x199: {  	[sflag:s31] =	ssyncadd.s32 $0xFFFFE000  }
0x19a: {  	_ =	swait.ge [sflag:s14], $0x2000  }
0x19b: {  	[sflag:s14] =	ssyncset.done $0x0  }
0x19c: {  	[sflag:s14] =	ssyncadd.s32 $0xFFFFE000  }
0x19d: {  	_ =	swait.ge [sflag:s15], $0x2000  }
0x19e: {  	[sflag:s15] =	ssyncset.done $0x0  }
0x19f: {  	[sflag:s15] =	ssyncadd.s32 $0xFFFFE000  }
0x1a0: {  	_ =	swait.ge [sflag:s16], $0x2000  }
0x1a1: {  	[sflag:s16] =	ssyncset.done $0x0  }
0x1a2: {  	[sflag:s16] =	ssyncadd.s32 $0xFFFFE000  }
0x1a3: {  	_ =	swait.ge [sflag:s17], $0x2000  }
0x1a4: {  	[sflag:s17] =	ssyncset.done $0x0  }
0x1a5: {  	[sflag:s17] =	ssyncadd.s32 $0xFFFFE000  }
0x1a6: {  	_ =	swait.ge [sflag:s18], $0x2000  }
0x1a7: {  	[sflag:s18] =	ssyncset.done $0x0  }
0x1a8: {  	[sflag:s18] =	ssyncadd.s32 $0xFFFFE000  }
0x1a9: {  	_ =	swait.ge [sflag:s19], $0x2000  }
0x1aa: {  	[sflag:s19] =	ssyncset.done $0x0  }
0x1ab: {  	s22 =	simm.s32 $0x0;
	[sflag:s19] =	ssyncadd.s32 $0xFFFFE000  }
0x1ac: {  	v12 =	vld [tilespmem:s22+$0x590]  }
0x1ad: {  	v18 =	vld [tilespmem:s22+$0x580];
	_ =	sdelay $0x1  }
0x1ae: {  	v11 =	vld [tilespmem:s22+$0x5A0]  }
0x1af: {  	v17 =	vld [tilespmem:s22+$0x5B0]  }
0x1b0: {  	v8 =	vld [tilespmem:s22+$0x480]  }
0x1b1: {  	v6 =	vld [tilespmem:s22+$0x490];
	v4 =	vmul.f32 v12, v12;
	v5 =	vmul.f32 v18, v18;
	_ =	sdelay $0x1  }
0x1b2: {  	v10 =	vld [tilespmem:s22+$0x4A0];
	v4 =	vadd.f32 v4, v5;
	v5 =	vmul.f32 v11, v11;
	_ =	sdelay $0x1  }
0x1b3: {  	v9 =	vld [tilespmem:s22+$0x4B0];
	v13 =	vmul.f32 v17, v17;
	v7 =	vadd.f32 v5, v4  }
0x1b4: {  	v14 =	vmul.f32 v8, v8;
	v15 =	vmul.f32 v6, v6  }
0x1b5: {  	v4 =	vld [tilespmem:s22+$0x410];
	v13 =	vadd.f32 v13, v7  }
0x1b6: {  	v14 =	vadd.f32 v15, v14;
	v15 =	vmul.f32 v10, v10;
	v5 =	vld [tilespmem:s22+$0x400]  }
0x1b7: {  	v16 =	vperm.xlane v13, v0  }
0x1b8: {  	v19 =	vmul.f32 v9, v9;
	v14 =	vadd.f32 v15, v14;
	v7 =	vld [tilespmem:s22+$0x420]  }
0x1b9: {  	v16 =	vadd.f32 v13, v16  }
0x1ba: {  	v15 =	vld [tilespmem:s22+$0x430];
	v19 =	vadd.f32 v19, v14;
	v20 =	vmul.f32 v4, v4  }
0x1bb: {  	v13 =	vmul.f32 v5, v5;
	v21 =	vperm.xlane v16, v1  }
0x1bc: {  	v14 =	vld [tilespmem:s22+$0x510];
	v23 =	vperm.xlane v19, v0  }
0x1bd: {  	v22 =	vmul.f32 v7, v7;
	v20 =	vadd.f32 v20, v13;
	v13 =	vld [tilespmem:s22+$0x500];
	v21 =	vadd.f32 v16, v21  }
0x1be: {  	v23 =	vadd.f32 v19, v23  }
0x1bf: {  	v20 =	vadd.f32 v22, v20;
	v22 =	vmul.f32 v15, v15;
	v16 =	vld [tilespmem:s22+$0x520];
	v24 =	vperm.xlane v21, v2;
	_ =	sdelay $0x1  }
0x1c0: {  	v19 =	vld [tilespmem:s22+$0x530];
	v20 =	vadd.f32 v22, v20;
	v22 =	vperm.xlane v23, v1;
	v21 =	vadd.f32 v21, v24  }
0x1c1: {  	v25 =	vmul.f32 v14, v14;
	v24 =	vmul.f32 v13, v13  }
0x1c2: {  	v22 =	vadd.f32 v23, v22;
	v23 =	vperm.xlane v20, v0;
	v26 =	vperm.xlane v21, v3  }
0x1c3: {  	v24 =	vadd.f32 v25, v24;
	v25 =	vmul.f32 v16, v16  }
0x1c4: {  	v27 =	vperm.xlane v22, v2;
	v20 =	vadd.f32 v20, v23;
	v21 =	vadd.f32 v21, v26  }
0x1c5: {  	v23 =	vadd.f32 v25, v24;
	v24 =	vmul.f32 v19, v19  }
0x1c6: {  	v22 =	vadd.f32 v22, v27;
	v25 =	vperm.xlane v20, v1;
	v21 =	vmax.f32 v21, $1.000000020e-24  }
0x1c7: {  	v23 =	vadd.f32 v24, v23;
	v24 =	vshrl.u32 v21, $0x1;
	v26 =	vmul.f32 $5.000000000e-01, v21  }
0x1c8: {  	v20 =	vadd.f32 v20, v25;
	v21 =	vperm.xlane v22, v3;
	v24 =	vsub.s32 $0x5F3759DF, v24  }
0x1c9: {  	v25 =	vperm.xlane v23, v0;
	v27 =	vmul.f32 v24, v26  }
0x1ca: {  	v28 =	vperm.xlane v20, v2  }
0x1cb: {  	v21 =	vadd.f32 v22, v21;
	v22 =	vadd.f32 v23, v25;
	v23 =	vmul.f32 v24, v27  }
0x1cc: {  	v20 =	vadd.f32 v20, v28  }
0x1cd: {  	v21 =	vmax.f32 v21, $1.000000020e-24;
	v25 =	vperm.xlane v22, v1;
	v23 =	vsub.f32 $1.500000000e+00, v23  }
0x1ce: {  	v27 =	vshrl.u32 v21, $0x1;
	v28 =	vperm.xlane v20, v3;
	v21 =	vmul.f32 $5.000000000e-01, v21  }
0x1cf: {  	v27 =	vsub.s32 $0x5F3759DF, v27;
	v22 =	vadd.f32 v22, v25;
	v24 =	vmul.f32 v24, v23  }
0x1d0: {  	v23 =	vmul.f32 v27, v21  }
0x1d1: {  	v20 =	vadd.f32 v20, v28;
	v25 =	vperm.xlane v22, v2;
	v26 =	vmul.f32 v24, v26  }
0x1d2: {  	v23 =	vmul.f32 v27, v23  }
0x1d3: {  	v20 =	vmax.f32 v20, $1.000000020e-24;
	v63 =	vadd.f32 v22, v25;
	v22 =	vmul.f32 v26, v24  }
0x1d4: {  	v25 =	vshrl.u32 v20, $0x1;
	v20 =	vmul.f32 $5.000000000e-01, v20;
	v26 =	vsub.f32 $1.500000000e+00, v23  }
0x1d5: {  	v23 =	vsub.s32 $0x5F3759DF, v25;
	v29 =	vperm.xlane v63, v3;
	v30 =	vsub.f32 $1.500000000e+00, v22  }
0x1d6: {  	v25 =	vmul.f32 v23, v20;
	v22 =	vmul.f32 v27, v26  }
0x1d7: {  	s23 =	simm.s32 $0x800;
	v26 =	vadd.f32 v63, v29;
	v24 =	vmul.f32 v30, v24  }
.LBB2_8:
0x1d8: {  	p0 =	sne.s32 s23, $0x3F800;
	v25 =	vmul.f32 v23, v25;
	v21 =	vmul.f32 v22, v21;
	s0 =	smov.u32 s23;
	s23 =	sadd.s32 $0x800, s23  }
0x1d9: {  	v26 =	vmax.f32 v26, $1.000000020e-24;
	v18 =	vmul.f32 v24, v18;
	v12 =	vmul.f32 v24, v12  }
0x1da: {  	v17 =	vmul.f32 v24, v17;
	v27 =	vshrl.u32 v26, $0x1;
	v26 =	vmul.f32 $5.000000000e-01, v26  }
0x1db: {  	v11 =	vmul.f32 v24, v11;
	v25 =	vsub.f32 $1.500000000e+00, v25;
	v27 =	vsub.s32 $0x5F3759DF, v27;
	[tilespmem:s22+$0x590] =	vst v12  }
0x1dc: {  	v21 =	vmul.f32 v21, v22;
	v24 =	vmul.f32 v27, v26;
	[tilespmem:s22+$0x580] =	vst v18  }
0x1dd: {  	s24 =	sshra.s32 s0, $0x2;
	v23 =	vmul.f32 v23, v25;
	[tilespmem:s22+$0x5A0] =	vst v11  }
0x1de: {  	v18 =	vsub.f32 $1.500000000e+00, v21;
	v12 =	vld [tilespmem:s24+$0x590];
	v21 =	vmul.f32 v27, v24;
	[tilespmem:s22+$0x5B0] =	vst v17  }
0x1df: {  	v17 =	vmul.f32 v23, v20  }
0x1e0: {  	v20 =	vmul.f32 v18, v22;
	v11 =	vld [tilespmem:s24+$0x5A0];
	v21 =	vsub.f32 $1.500000000e+00, v21  }
0x1e1: {  	v17 =	vmul.f32 v17, v23;
	v18 =	vld [tilespmem:s24+$0x580]  }
0x1e2: {  	v8 =	vmul.f32 v20, v8;
	v21 =	vmul.f32 v27, v21  }
0x1e3: {  	v6 =	vmul.f32 v20, v6;
	v10 =	vmul.f32 v20, v10;
	v22 =	vsub.f32 $1.500000000e+00, v17  }
0x1e4: {  	v9 =	vmul.f32 v20, v9;
	v24 =	vmul.f32 v12, v12;
	v17 =	vld [tilespmem:s24+$0x5B0];
	[tilespmem:s22+$0x480] =	vst v8  }
0x1e5: {  	v20 =	vmul.f32 v22, v23;
	v22 =	vmul.f32 v21, v26;
	v8 =	vld [tilespmem:s24+$0x480];
	[tilespmem:s22+$0x490] =	vst v6  }
0x1e6: {  	v6 =	vld [tilespmem:s24+$0x490];
	v23 =	vmul.f32 v18, v18;
	[tilespmem:s22+$0x4B0] =	vst v9  }
0x1e7: {  	v5 =	vmul.f32 v20, v5;
	v22 =	vmul.f32 v22, v21;
	v9 =	vld [tilespmem:s24+$0x4B0];
	[tilespmem:s22+$0x4A0] =	vst v10  }
0x1e8: {  	v7 =	vmul.f32 v20, v7;
	v10 =	vld [tilespmem:s24+$0x4A0];
	v23 =	vadd.f32 v24, v23;
	v24 =	vmul.f32 v11, v11  }
0x1e9: {  	v4 =	vmul.f32 v20, v4;
	v15 =	vmul.f32 v20, v15;
	[tilespmem:s22+$0x400] =	vst v5  }
0x1ea: {  	v22 =	vsub.f32 $1.500000000e+00, v22;
	v5 =	vld [tilespmem:s24+$0x400];
	v20 =	vadd.f32 v24, v23;
	v23 =	vmul.f32 v17, v17;
	[tilespmem:s22+$0x420] =	vst v7  }
0x1eb: {  	v24 =	vmul.f32 v8, v8;
	v7 =	vld [tilespmem:s24+$0x420];
	v25 =	vmul.f32 v6, v6;
	[tilespmem:s22+$0x410] =	vst v4  }
0x1ec: {  	v21 =	vmul.f32 v22, v21;
	v4 =	vld [tilespmem:s24+$0x410];
	v20 =	vadd.f32 v23, v20;
	[tilespmem:s22+$0x430] =	vst v15  }
0x1ed: {  	v15 =	vadd.f32 v25, v24;
	v22 =	vmul.f32 v10, v10  }
0x1ee: {  	v13 =	vmul.f32 v21, v13;
	v23 =	vperm.xlane v20, v0  }
0x1ef: {  	v14 =	vmul.f32 v21, v14;
	v24 =	vmul.f32 v9, v9;
	v22 =	vadd.f32 v22, v15  }
0x1f0: {  	v16 =	vmul.f32 v21, v16;
	v15 =	vld [tilespmem:s24+$0x430];
	v20 =	vadd.f32 v20, v23;
	[tilespmem:s22+$0x500] =	vst v13;
	v13 =	vmul.f32 v21, v19  }
0x1f1: {  	v19 =	vmul.f32 v5, v5;
	v21 =	vmul.f32 v4, v4;
	v22 =	vadd.f32 v24, v22;
	[tilespmem:s22+$0x510] =	vst v14  }
0x1f2: {  	v23 =	vperm.xlane v20, v1;
	[tilespmem:s22+$0x530] =	vst v13  }
0x1f3: {  	v19 =	vadd.f32 v21, v19;
	v21 =	vmul.f32 v7, v7;
	v24 =	vperm.xlane v22, v0;
	v13 =	vld [tilespmem:s24+$0x500];
	[tilespmem:s22+$0x520] =	vst v16;
	s22 =	smov.u32 s24  }
0x1f4: {  	v14 =	vld [tilespmem:s22+$0x510];
	v20 =	vadd.f32 v20, v23  }
0x1f5: {  	v19 =	vadd.f32 v21, v19;
	v21 =	vmul.f32 v15, v15;
	v22 =	vadd.f32 v22, v24  }
0x1f6: {  	v16 =	vld [tilespmem:s22+$0x520];
	v23 =	vperm.xlane v20, v2  }
0x1f7: {  	v21 =	vadd.f32 v21, v19;
	v24 =	vperm.xlane v22, v1  }
0x1f8: {  	v19 =	vld [tilespmem:s22+$0x530];
	v20 =	vadd.f32 v20, v23  }
0x1f9: {  	v23 =	vmul.f32 v13, v13;
	v22 =	vadd.f32 v22, v24;
	v24 =	vmul.f32 v14, v14  }
0x1fa: {  	v25 =	vperm.xlane v21, v0;
	v26 =	vperm.xlane v20, v3  }
0x1fb: {  	v27 =	vperm.xlane v22, v2;
	v23 =	vadd.f32 v24, v23;
	v24 =	vmul.f32 v16, v16  }
0x1fc: {  	v21 =	vadd.f32 v21, v25;
	v20 =	vadd.f32 v20, v26  }
0x1fd: {  	v22 =	vadd.f32 v22, v27;
	v23 =	vadd.f32 v24, v23;
	v24 =	vmul.f32 v19, v19  }
0x1fe: {  	v25 =	vperm.xlane v21, v1;
	v20 =	vmax.f32 v20, $1.000000020e-24  }
0x1ff: {  	v23 =	vadd.f32 v24, v23;
	v24 =	vshrl.u32 v20, $0x1;
	v20 =	vmul.f32 $5.000000000e-01, v20  }
0x200: {  	v21 =	vadd.f32 v21, v25;
	v25 =	vperm.xlane v22, v3;
	v24 =	vsub.s32 $0x5F3759DF, v24  }
0x201: {  	v26 =	vperm.xlane v23, v0;
	v27 =	vmul.f32 v24, v20  }
0x202: {  	v28 =	vperm.xlane v21, v2;
	v22 =	vadd.f32 v22, v25  }
0x203: {  	v23 =	vadd.f32 v23, v26;
	v25 =	vmul.f32 v24, v27  }
0x204: {  	v26 =	vadd.f32 v21, v28;
	v21 =	vmax.f32 v22, $1.000000020e-24  }
0x205: {  	v22 =	vshrl.u32 v21, $0x1;
	v27 =	vperm.xlane v23, v1;
	v25 =	vsub.f32 $1.500000000e+00, v25  }
0x206: {  	v21 =	vmul.f32 $5.000000000e-01, v21;
	v28 =	vperm.xlane v26, v3;
	v22 =	vsub.s32 $0x5F3759DF, v22  }
0x207: {  	v23 =	vadd.f32 v23, v27;
	v24 =	vmul.f32 v24, v25  }
0x208: {  	v25 =	vadd.f32 v26, v28;
	v26 =	vmul.f32 v22, v21  }
0x209: {  	v27 =	vperm.xlane v23, v2;
	v20 =	vmul.f32 v24, v20  }
0x20a: {  	v25 =	vmax.f32 v25, $1.000000020e-24;
	v26 =	vmul.f32 v22, v26  }
.Ltmp3:
0x20b: {  	v28 =	vshrl.u32 v25, $0x1;
	v27 =	vadd.f32 v23, v27;
	v29 =	vmul.f32 v20, v24;
	(pc) =	sbr.rel @p0 .LBB2_8-.Ltmp3, $4  }
0x20c: {  	v20 =	vmul.f32 $5.000000000e-01, v25;
	v26 =	vsub.f32 $1.500000000e+00, v26  }
0x20d: {  	v23 =	vsub.s32 $0x5F3759DF, v28;
	v28 =	vperm.xlane v27, v3;
	v29 =	vsub.f32 $1.500000000e+00, v29  }
0x20e: {  	v25 =	vmul.f32 v23, v20;
	v22 =	vmul.f32 v22, v26  }
0x20f: {  	v26 =	vadd.f32 v27, v28;
	v24 =	vmul.f32 v29, v24  }
0x210: {  	_ = 	snop  }
0x211: {  	v26 =	vmax.f32 v26, $1.000000020e-24  }
0x212: {  	v25 =	vmul.f32 v23, v25;
	v27 =	vshrl.u32 v26, $0x1;
	v26 =	vmul.f32 $5.000000000e-01, v26  }
0x213: {  	v21 =	vmul.f32 v22, v21;
	v27 =	vsub.s32 $0x5F3759DF, v27  }
0x214: {  	v25 =	vsub.f32 $1.500000000e+00, v25;
	v28 =	vmul.f32 v27, v26  }
0x215: {  	v21 =	vmul.f32 v21, v22  }
0x216: {  	v53 =	vmul.f32 v23, v25;
	v54 =	vmul.f32 v27, v28  }
0x217: {  	v18 =	vmul.f32 v24, v18;
	v21 =	vsub.f32 $1.500000000e+00, v21  }
0x218: {  	v12 =	vmul.f32 v24, v12;
	v20 =	vmul.f32 v53, v20;
	v25 =	vsub.f32 $1.500000000e+00, v54  }
0x219: {  	v11 =	vmul.f32 v24, v11;
	v21 =	vmul.f32 v21, v22  }
0x21a: {  	[tilespmem:s22+$0x590] =	vst v12;
	v55 =	vmul.f32 v20, v53;
	v56 =	vmul.f32 v27, v25  }
0x21b: {  	v17 =	vmul.f32 v24, v17;
	[tilespmem:s22+$0x580] =	vst v18  }
0x21c: {  	[tilespmem:s22+$0x5A0] =	vst v11;
	v8 =	vmul.f32 v21, v8;
	v57 =	vsub.f32 $1.500000000e+00, v55;
	v58 =	vmul.f32 v56, v26  }
0x21d: {  	[tilespmem:s22+$0x5B0] =	vst v17;
	v6 =	vmul.f32 v21, v6;
	v9 =	vmul.f32 v21, v9  }
0x21e: {  	[tilespmem:s22+$0x480] =	vst v8;
	v59 =	vmul.f32 v57, v53;
	v60 =	vmul.f32 v58, v56  }
0x21f: {  	v10 =	vmul.f32 v21, v10;
	[tilespmem:s22+$0x490] =	vst v6  }
0x220: {  	[tilespmem:s22+$0x4B0] =	vst v9;
	v5 =	vmul.f32 v59, v5;
	v61 =	vsub.f32 $1.500000000e+00, v60  }
0x221: {  	[tilespmem:s22+$0x4A0] =	vst v10;
	v7 =	vmul.f32 v59, v7  }
0x222: {  	v4 =	vmul.f32 v59, v4;
	[tilespmem:s22+$0x400] =	vst v5;
	v5 =	vmul.f32 v61, v56  }
0x223: {  	v62 =	vmul.f32 v59, v15;
	[tilespmem:s22+$0x420] =	vst v7  }
0x224: {  	[tilespmem:s22+$0x410] =	vst v4;
	v4 =	vmul.f32 v5, v13  }
0x225: {  	[tilespmem:s22+$0x430] =	vst v62;
	v63 =	vmul.f32 v5, v14  }
0x226: {  	[tilespmem:s22+$0x500] =	vst v4;
	v4 =	vmul.f32 v5, v19  }
0x227: {  	v5 =	vmul.f32 v5, v16;
	[tilespmem:s22+$0x510] =	vst v63  }
0x228: {  	[tilespmem:s22+$0x530] =	vst v4  }
0x229: {  	s0 =	rddreg [dreg:$0x7];
	s1 =	simm.s32 $0x400;
	[tilespmem:s22+$0x520] =	vst v5  }
0x22a: {  	[hbm4b:s0+s2] =	stream.linear.scatter [tilespmem:s1], [sflag:$0x9], $0x10000, $0x38;
	[tilespmem:$0x10400] =	vst v63  }
0x22b: {  	_ =	swait.ge [sflag:s10], $0x10000  }
0x22c: {  	s21 =	sadd.s32 $0x1, s21;
	s31 =	rddreg [dreg:$0x8]  }
0x22d: {  	p0 =	sne.s32 s21, s31  }
.Ltmp4:
0x22e: {  	_ = 	snop;
	(pc) =	sbr.rel @p0 .LBB2_1-.Ltmp4, $3  }
0x22f: {  	_ =	sdelay $0x1  }
0x230: {  	[sflag:s10] =	ssyncset.done $0x0  }
0x231: {  	[sflag:s10] =	ssyncadd.s32 $0xFFFF0000  }
0x232: {  	_ =	sfence.sel $0x180000  }
0x233: {  	[bflag:$0x0] =	sbarrier.arrive $0xFFFF  }
0x234: {  	_ =	strace $0x90000047  }
0x235: {  	s0 =	stileid.u32;
	[bflag:$0x2] =	sbarrier.arrive $0xFFFF  }
0x236: {  	p0 =	sne.s32 s0, $0x0;
	s0 =	rddreg [dreg:$0x3]  }
0x237: {  	s0 =	sadd.s32 @!p0 $0x100000, s0  }
0x238: {  	[sflag:s0] =	ssyncadd.tile.s32 @!p0 $0x1;
	_ =	shalt  }
.Lfunc_end2:
_tile_overlayer_lowered:
.L_overlay_start_2:
0x239: {  	(tag) =	ssettag $0x2  }
0x23a: {  	s0 =	rddreg [dreg:$0x0];
	s2 =	stileid.u32  }
0x23b: {  	s1 =	rddreg [dreg:$0x1];
	p0 =	sne.s32 s2, $0x0  }
0x23c: {  	s3 =	rddreg [dreg:$0x2];
	[bflag:$0x3] =	sbarrier.arrive $0xFFFF;
	s2 =	simm.s32 @!p0 $0x1C09  }
0x23d: {  	[timem:s3], [sflag:s2] =	dma.local @!p0 [hbm:s0], s1  }
0x23e: {  	s0 =	simm.s32 @!p0 $0x9  }
0x23f: {  	_ =	swait.ge @!p0 [sflag:s0], s1  }
0x240: {  	s1 =	ssub.s32 @!p0 $0x0, s1;
	[sflag:s0] =	ssyncset.done @!p0 $0x0  }
0x241: {  	[sflag:s0] =	ssyncadd.s32 @!p0 s1  }
0x242: {  	[bflag:$0x3] =	sbarrier.arrive $0xFFFF  }
0x243: {  	_ =	shalt  }

</sc_bundles>
